<compile_context>
chip_gen: v7x
topology: tpu7x:2x2x1
jax: 0.10.2.dev20260603
libtpu: 0.0.44.dev20260713+nightly
codegen_flags: <defaults>
</compile_context>

<pallas_src>
import jax
import jax.numpy as jnp
from jax import lax
from jax.experimental import pallas as pl
from jax.experimental.pallas import tpu as pltpu
from jax.experimental.pallas import tpu_sc as plsc

VOCAB = 1000000
DIM = 64
BATCH = 16384
NEG = 20

NC = 2
NS = 16
L = 16
NW = NC * NS
NVREG = DIM // L
SW = DIM
HW = DIM // 2
NPAIR = DIM // 2

CV = 256
NCH1 = VOCAB // CV
REM_OFF = NCH1 * CV

BW = BATCH // NW
CHUNK = 64
NCH2 = BW // CHUNK
NEGC = CHUNK * NEG
IDXW = 128
NGATH = NEGC // IDXW


def _relayout_body(wc_t, wt_t, tail_hbm, s_hbm,
                   src_c0, src_t0, src_c1, src_t1, dst0, dst1,
                   sem0, sem1, semo0, semo1):
    wid = lax.axis_index("s") * NC + lax.axis_index("c")
    base_idx = lax.iota(jnp.int32, L) * SW
    srcs = ((src_c0, src_t0, sem0), (src_c1, src_t1, sem1))
    dsts = ((dst0, semo0), (dst1, semo1))

    def start_in(ch, b):
        off = pl.multiple_of(ch * CV, CV)
        pltpu.async_copy(wc_t.at[:, pl.ds(off, CV)], srcs[b][0], srcs[b][2])
        pltpu.async_copy(wt_t.at[:, pl.ds(off, CV)], srcs[b][1], srcs[b][2])

    def wait_in(b):
        pltpu.make_async_copy(wc_t.at[:, pl.ds(0, CV)],
                              srcs[b][0], srcs[b][2]).wait()
        pltpu.make_async_copy(wt_t.at[:, pl.ds(0, CV)],
                              srcs[b][1], srcs[b][2]).wait()

    def wait_out(b):
        pltpu.make_async_copy(dsts[b][0], s_hbm.at[pl.ds(0, CV * SW)],
                              dsts[b][1]).wait()

    def transpose_chunk(src_c, src_t, dst):
        @plsc.parallel_loop(0, NPAIR, unroll=4)
        def dp_body(dp):
            for toff, src in ((0, src_c), (HW, src_t)):
                col = toff + dp
                for g in range(CV // L):
                    ve = src[2 * dp, pl.ds(g * L, L)]
                    vo = src[2 * dp + 1, pl.ds(g * L, L)]
                    w = plsc.bitcast(
                        plsc.pack(ve, vo, format=plsc.PackFormat.INTERLEAVED),
                        jnp.int32)
                    plsc.store_scatter(
                        dst, [base_idx + (g * L * SW + col)], w)

    nit = NCH1 // (2 * NW) + 2

    @pl.when(wid < NCH1)
    def _():
        start_in(wid, 0)

    def loop_body(it, carry):
        for b in range(2):
            g = 2 * it + b
            ch = wid + g * NW
            nxt = wid + (g + 1) * NW

            @pl.when(jnp.logical_and(g >= 2, (ch - 2 * NW) < NCH1))
            def _():
                wait_out(b)

            @pl.when(ch < NCH1)
            def _():
                wait_in(b)

            @pl.when(nxt < NCH1)
            def _():
                start_in(nxt, 1 - b)

            @pl.when(ch < NCH1)
            def _():
                off = pl.multiple_of(ch * CV, CV)
                transpose_chunk(srcs[b][0], srcs[b][1], dsts[b][0])
                pltpu.async_copy(dsts[b][0],
                                 s_hbm.at[pl.ds(off * SW, CV * SW)],
                                 dsts[b][1])
        return carry

    lax.fori_loop(0, nit, loop_body, 0)

    @pl.when(wid == NW - 1)
    def _():
        pltpu.sync_copy(tail_hbm, dst0.at[pl.ds(0, (VOCAB - REM_OFF) * SW)])
        pltpu.sync_copy(dst0.at[pl.ds(0, (VOCAB - REM_OFF) * SW)],
                        s_hbm.at[pl.ds(REM_OFF * SW,
                                       (VOCAB - REM_OFF) * SW)])


@jax.jit
def _sc_relayout(wc_t, wt_t, tail):
    mesh = plsc.VectorSubcoreMesh(core_axis_name="c", subcore_axis_name="s")
    return pl.kernel(
        _relayout_body,
        out_type=jax.ShapeDtypeStruct((VOCAB * SW,), jnp.int32),
        mesh=mesh,
        scratch_types=[
            pltpu.VMEM((DIM, CV), jnp.float32),
            pltpu.VMEM((DIM, CV), jnp.float32),
            pltpu.VMEM((DIM, CV), jnp.float32),
            pltpu.VMEM((DIM, CV), jnp.float32),
            pltpu.VMEM((CV * SW,), jnp.int32),
            pltpu.VMEM((CV * SW,), jnp.int32),
            pltpu.SemaphoreType.DMA,
            pltpu.SemaphoreType.DMA,
            pltpu.SemaphoreType.DMA,
            pltpu.SemaphoreType.DMA,
        ],
        compiler_params=pltpu.CompilerParams(use_tc_tiling_on_sc=True,
                                             needs_layout_passes=False),
    )(wc_t, wt_t, tail)


def _score_body(tgt_hbm, ctx_hbm, neg_hbm, s_hbm, pos_hbm, negs_hbm,
                tgt_v, ctx_v, neg_v, t_rows, c_rows, n_rows,
                pos_part, neg_part, pos_out, neg_out, sem):
    wid = lax.axis_index("s") * NC + lax.axis_index("c")
    base = wid * BW
    iota = lax.iota(jnp.int32, L)
    lane = [jnp.full((L,), l, jnp.int32) for l in range(L)]

    pltpu.sync_copy(tgt_hbm.at[pl.ds(base, BW)], tgt_v)
    pltpu.sync_copy(ctx_hbm.at[pl.ds(base, BW)], ctx_v)
    pltpu.sync_copy(neg_hbm.at[pl.ds(base * NEG, BW * NEG)], neg_v)

    def unpack2(ref, r, woff):
        out = []
        for j in range(2):
            w = ref[r, pl.ds(woff + j * L, L)]
            a, b = plsc.unpack(plsc.bitcast(w, jnp.bfloat16),
                               format=plsc.PackFormat.INTERLEAVED)
            out.append(a.astype(jnp.float32))
            out.append(b.astype(jnp.float32))
        return out

    def lane_reduce(part, out, ngroups):
        def g_body(g, c2):
            rows = iota + g * L
            acc = plsc.load_gather(part, [rows, lane[0]])
            for l in range(1, L):
                acc = acc + plsc.load_gather(part, [rows, lane[l]])
            out[pl.ds(g * L, L)] = acc
            return c2
        lax.fori_loop(0, ngroups, g_body, 0)

    def chunk_body(ch, carry):
        off = base + ch * CHUNK
        ioff = ch * CHUNK

        cps = [pltpu.async_copy(
                   s_hbm.at[tgt_v.at[pl.ds(ioff, CHUNK)]], t_rows, sem),
               pltpu.async_copy(
                   s_hbm.at[ctx_v.at[pl.ds(ioff, CHUNK)]], c_rows, sem)]
        for g in range(NGATH):
            cps.append(pltpu.async_copy(
                s_hbm.at[neg_v.at[pl.ds(ioff * NEG + g * IDXW, IDXW)]],
                n_rows.at[pl.ds(g * IDXW, IDXW)], sem))
        for cp in cps:
            cp.wait()

        def elem_body(e, c2):
            t = unpack2(t_rows, e, HW)
            c = unpack2(c_rows, e, 0)
            p = t[0] * c[0]
            for j in range(1, NVREG):
                p = p + t[j] * c[j]
            pos_part[e, :] = p
            for k in range(NEG):
                r = e * NEG + k
                n = unpack2(n_rows, r, 0)
                a = t[0] * n[0]
                for j in range(1, NVREG):
                    a = a + t[j] * n[j]
                neg_part[r, :] = a
            return c2

        lax.fori_loop(0, CHUNK, elem_body, 0)
        lane_reduce(pos_part, pos_out, CHUNK // L)
        lane_reduce(neg_part, neg_out, NEGC // L)

        pltpu.sync_copy(pos_out, pos_hbm.at[pl.ds(off, CHUNK)])
        pltpu.sync_copy(neg_out, negs_hbm.at[pl.ds(off * NEG, NEGC)])
        return carry

    lax.fori_loop(0, NCH2, chunk_body, 0)


@jax.jit
def _sc_score(target, context, neg_flat, s_tab):
    mesh = plsc.VectorSubcoreMesh(core_axis_name="c", subcore_axis_name="s")
    return pl.kernel(
        _score_body,
        out_type=(jax.ShapeDtypeStruct((BATCH,), jnp.float32),
                  jax.ShapeDtypeStruct((BATCH * NEG,), jnp.float32)),
        mesh=mesh,
        scratch_types=[
            pltpu.VMEM((BW,), jnp.int32),
            pltpu.VMEM((BW,), jnp.int32),
            pltpu.VMEM((BW * NEG,), jnp.int32),
            pltpu.VMEM((CHUNK, SW), jnp.int32),
            pltpu.VMEM((CHUNK, SW), jnp.int32),
            pltpu.VMEM((NEGC, SW), jnp.int32),
            pltpu.VMEM((CHUNK, L), jnp.float32),
            pltpu.VMEM((NEGC, L), jnp.float32),
            pltpu.VMEM((CHUNK,), jnp.float32),
            pltpu.VMEM((NEGC,), jnp.float32),
            pltpu.SemaphoreType.DMA,
        ],
        compiler_params=pltpu.CompilerParams(use_tc_tiling_on_sc=False,
                                             needs_layout_passes=False),
    )(target, context, neg_flat, s_tab)


def _tc_loss_body(pos_ref, neg_ref, out_ref):
    pls = jnp.log(jax.nn.sigmoid(pos_ref[...]) + 1e-10)
    nls = jnp.log(jax.nn.sigmoid(-neg_ref[...]) + 1e-10)
    out_ref[0, 0] = -(jnp.sum(pls) + jnp.sum(nls)) / BATCH


@jax.jit
def _tc_loss(pos, neg):
    out = pl.pallas_call(
        _tc_loss_body,
        in_specs=[pl.BlockSpec(memory_space=pltpu.VMEM),
                  pl.BlockSpec(memory_space=pltpu.VMEM)],
        out_specs=pl.BlockSpec(memory_space=pltpu.SMEM),
        out_shape=jax.ShapeDtypeStruct((1, 1), jnp.float32),
    )(pos, neg)
    return out[0, 0]


def kernel(target, context, negatives, W_target, W_context):
    neg_flat = negatives.reshape(BATCH * NEG)
    tail_bf = jnp.concatenate(
        [W_context[REM_OFF:], W_target[REM_OFF:]],
        axis=1).astype(jnp.bfloat16)
    tail = jax.lax.bitcast_convert_type(
        tail_bf.reshape(VOCAB - REM_OFF, SW, 2), jnp.int32).reshape(-1)
    s_flat = _sc_relayout(W_context.T, W_target.T, tail)
    s_tab = s_flat.reshape(VOCAB, SW)
    pos, neg = _sc_score(target, context, neg_flat, s_tab)
    return _tc_loss(pos, neg)

# --- scband reference (transcript-rebuilt; emitter-appended) ---
"""Pipeline reference for scband-skip-gram-neg-sampling-23467701305865 (READ-ONLY COPY).

The authoritative reference and input builder live on the scoring server;
editing this copy changes nothing except your own understanding.
"""

import jax, jax.numpy as jnp
import numpy as np

VOCAB = 1000000
DIM = 64
BATCH = 16384
NEG = 20

def setup_inputs(seed: int = 0) -> dict:
    key = jax.random.key(seed)
    k1, k2, k3, k4, k5 = jax.random.split(key, 5)
    target = jax.random.randint(k1, (BATCH,), 0, VOCAB, dtype=jnp.int64 if jax.config.jax_enable_x64 else jnp.int32).astype(jnp.int32)
    context = jax.random.randint(k2, (BATCH,), 0, VOCAB).astype(jnp.int32)
    negatives = jax.random.randint(k3, (BATCH, NEG), 0, VOCAB).astype(jnp.int32)
    W_target = jax.random.normal(k4, (VOCAB, DIM), dtype=jnp.float32)
    W_context = jax.random.normal(k5, (VOCAB, DIM), dtype=jnp.float32)
    return {"target": target, "context": context, "negatives": negatives, "W_target": W_target, "W_context": W_context}

def reference(target, context, negatives, W_target, W_context):
    emb_target = jnp.take(W_target, target, axis=0)            # [B, D]
    emb_context = jnp.take(W_context, context, axis=0)         # [B, D]
    pos_score = jnp.sum(emb_target * emb_context, axis=1)      # [B]
    pos_loss = jnp.log(jax.nn.sigmoid(pos_score) + 1e-10)      # [B]
    emb_neg = jnp.take(W_context, negatives, axis=0)           # [B, K, D]
    neg_score = jnp.einsum('bkd,bd->bk', emb_neg, emb_target)  # [B, K] == bmm(emb_neg, emb_target[:,:,None]).squeeze
    neg_loss = jnp.sum(jnp.log(jax.nn.sigmoid(-neg_score) + 1e-10), axis=1)  # [B]
    loss = -jnp.mean(pos_loss + neg_loss)
    return loss

if __name__ == "__main__":
    import jax
    _d = setup_inputs()
    print(jax.jit(kernel)(*tuple(_d.values())))

</pallas_src>

<mosaic_0001>
#map = affine_map<(d0, d1) -> (0, 0)>
#map1 = affine_map<(d0, d1) -> (0)>
module attributes {stable_mosaic.version = 14 : i64} {
  func.func @_relayout_body(%arg0: i32, %arg1: i32, %arg2: memref<64x1000000xf32, #tpu.memory_space<hbm>>, %arg3: memref<64x1000000xf32, #tpu.memory_space<hbm>>, %arg4: memref<4096xi32, #tpu.memory_space<hbm>>, %arg5: memref<64000000xi32, #tpu.memory_space<hbm>>, %arg6: memref<64x256xf32, #tpu.memory_space<vmem>>, %arg7: memref<64x256xf32, #tpu.memory_space<vmem>>, %arg8: memref<64x256xf32, #tpu.memory_space<vmem>>, %arg9: memref<64x256xf32, #tpu.memory_space<vmem>>, %arg10: memref<16384xi32, #tpu.memory_space<vmem>>, %arg11: memref<16384xi32, #tpu.memory_space<vmem>>, %arg12: memref<!tpu.dma_semaphore, #tpu.memory_space<semaphore_mem>>, %arg13: memref<!tpu.dma_semaphore, #tpu.memory_space<semaphore_mem>>, %arg14: memref<!tpu.dma_semaphore, #tpu.memory_space<semaphore_mem>>, %arg15: memref<!tpu.dma_semaphore, #tpu.memory_space<semaphore_mem>>) attributes {dimension_semantics = [#tpu.dimension_semantics<core_parallel>, #tpu.dimension_semantics<subcore_parallel>], iteration_bounds = array<i64: 2, 16>, scalar_prefetch = 0 : i64, scratch_operands = 10 : i64, tpu.core_type = #tpu.core_type<sc_vector_subcore>, window_params = [{transform_indices = #map}, {transform_indices = #map}, {transform_indices = #map1}, {transform_indices = #map1}]} {
    %mul3A = arith.constant 2 : i32
    %mul3A_0 = arith.muli %arg1, %mul3A : i32
    %add3A = arith.addi %mul3A_0, %arg0 : i32
    %iota3A = tpu.iota {dimensions = array<i32: 0>} : vector<16xi32>
    %mul3A_1 = arith.constant 64 : i32
    %mul3A_2 = vector.broadcast %mul3A_1 : i32 to vector<16xi32>
    %mul3A_3 = arith.muli %iota3A, %mul3A_2 : vector<16xi32>
    %lt3A = arith.constant 3906 : i32
    %lt3A_4 = arith.cmpi slt, %add3A, %lt3A : i32
    %convert_element_type3A = arith.extui %lt3A_4 : i1 to i32
    %cond3A = arith.constant 0 : i32
    %cond3A_5 = arith.cmpi ne, %convert_element_type3A, %cond3A : i32
    scf.if %cond3A_5 {
      %mul3A_15 = arith.constant 256 : i32
      %mul3A_16 = arith.muli %add3A, %mul3A_15 : i32
      %multiple_of3A = tpu.assume_multiple %mul3A_16, 256 : i32
      %dma_start3A = arith.constant 0 : i32
      %dma_start3A_17 = tpu.memref_slice %arg2[%dma_start3A, %multiple_of3A] : memref<64x1000000xf32, #tpu.memory_space<hbm>> -> memref<64x256xf32, #tpu.memory_space<hbm>>
      %dma_start3A_18 = arith.constant 0 : i32
      %dma_start3A_19 = tpu.memref_slice %arg2[%dma_start3A_18, %multiple_of3A] : memref<64x1000000xf32, #tpu.memory_space<hbm>> -> memref<64x256xf32, #tpu.memory_space<hbm>>
      tpu.enqueue_dma source(%dma_start3A_19 : memref<64x256xf32, #tpu.memory_space<hbm>>) target(%arg6 : memref<64x256xf32, #tpu.memory_space<vmem>>) target_semaphore(%arg12 : memref<!tpu.dma_semaphore, #tpu.memory_space<semaphore_mem>>)
      %dma_start3A_20 = arith.constant 0 : i32
      %dma_start3A_21 = tpu.memref_slice %arg3[%dma_start3A_20, %multiple_of3A] : memref<64x1000000xf32, #tpu.memory_space<hbm>> -> memref<64x256xf32, #tpu.memory_space<hbm>>
      %dma_start3A_22 = arith.constant 0 : i32
      %dma_start3A_23 = tpu.memref_slice %arg3[%dma_start3A_22, %multiple_of3A] : memref<64x1000000xf32, #tpu.memory_space<hbm>> -> memref<64x256xf32, #tpu.memory_space<hbm>>
      tpu.enqueue_dma source(%dma_start3A_23 : memref<64x256xf32, #tpu.memory_space<hbm>>) target(%arg7 : memref<64x256xf32, #tpu.memory_space<vmem>>) target_semaphore(%arg12 : memref<!tpu.dma_semaphore, #tpu.memory_space<semaphore_mem>>)
    } else {
    }
    %scan3A = arith.constant 0 : i32
    %scan3A_6 = arith.constant 0 : i32
    %scan3A_7 = arith.constant 63 : i32
    %scan3A_8 = arith.addi %scan3A_6, %scan3A_7 : i32
    %scan3A_9 = arith.constant 1 : i32
    scf.for %scan3A_15 = %scan3A_6 to %scan3A_8 step %scan3A_9  : i32 {
      %mul3A_16 = arith.constant 2 : i32
      %mul3A_17 = arith.muli %mul3A_16, %scan3A_15 : i32
      %add3A_18 = arith.constant 0 : i32
      %add3A_19 = arith.addi %mul3A_17, %add3A_18 : i32
      %mul3A_20 = arith.constant 32 : i32
      %mul3A_21 = arith.muli %add3A_19, %mul3A_20 : i32
      %add3A_22 = arith.addi %add3A, %mul3A_21 : i32
      %add3A_23 = arith.constant 1 : i32
      %add3A_24 = arith.addi %add3A_19, %add3A_23 : i32
      %mul3A_25 = arith.constant 32 : i32
      %mul3A_26 = arith.muli %add3A_24, %mul3A_25 : i32
      %add3A_27 = arith.addi %add3A, %mul3A_26 : i32
      %ge3A = arith.constant 2 : i32
      %ge3A_28 = arith.cmpi sge, %add3A_19, %ge3A : i32
      %sub3A = arith.constant 64 : i32
      %sub3A_29 = arith.subi %add3A_22, %sub3A : i32
      %lt3A_30 = arith.constant 3906 : i32
      %lt3A_31 = arith.cmpi slt, %sub3A_29, %lt3A_30 : i32
      %and3A = arith.andi %ge3A_28, %lt3A_31 : i1
      %convert_element_type3A_32 = arith.extui %and3A : i1 to i32
      %cond3A_33 = arith.constant 0 : i32
      %cond3A_34 = arith.cmpi ne, %convert_element_type3A_32, %cond3A_33 : i32
      scf.if %cond3A_34 {
        %dma_wait3A = arith.constant 0 : i32
        %dma_wait3A_87 = tpu.memref_slice %arg5[%dma_wait3A] : memref<64000000xi32, #tpu.memory_space<hbm>> -> memref<16384xi32, #tpu.memory_space<hbm>>
        %dma_wait3A_88 = arith.constant 0 : i32
        %dma_wait3A_89 = tpu.memref_slice %arg5[%dma_wait3A_88] : memref<64000000xi32, #tpu.memory_space<hbm>> -> memref<16384xi32, #tpu.memory_space<hbm>>
        tpu.wait_dma2 semaphore(%arg14 : memref<!tpu.dma_semaphore, #tpu.memory_space<semaphore_mem>>) src(%arg10 : memref<16384xi32, #tpu.memory_space<vmem>>) dst(%dma_wait3A_89 : memref<16384xi32, #tpu.memory_space<hbm>>)
      } else {
      }
      %lt3A_35 = arith.constant 3906 : i32
      %lt3A_36 = arith.cmpi slt, %add3A_22, %lt3A_35 : i32
      %convert_element_type3A_37 = arith.extui %lt3A_36 : i1 to i32
      %cond3A_38 = arith.constant 0 : i32
      %cond3A_39 = arith.cmpi ne, %convert_element_type3A_37, %cond3A_38 : i32
      scf.if %cond3A_39 {
        %dma_wait3A = arith.constant 0 : i32
        %dma_wait3A_87 = arith.constant 0 : i32
        %dma_wait3A_88 = tpu.memref_slice %arg2[%dma_wait3A, %dma_wait3A_87] : memref<64x1000000xf32, #tpu.memory_space<hbm>> -> memref<64x256xf32, #tpu.memory_space<hbm>>
        %dma_wait3A_89 = arith.constant 0 : i32
        %dma_wait3A_90 = arith.constant 0 : i32
        %dma_wait3A_91 = tpu.memref_slice %arg2[%dma_wait3A_89, %dma_wait3A_90] : memref<64x1000000xf32, #tpu.memory_space<hbm>> -> memref<64x256xf32, #tpu.memory_space<hbm>>
        tpu.wait_dma2 semaphore(%arg12 : memref<!tpu.dma_semaphore, #tpu.memory_space<semaphore_mem>>) src(%dma_wait3A_91 : memref<64x256xf32, #tpu.memory_space<hbm>>) dst(%arg6 : memref<64x256xf32, #tpu.memory_space<vmem>>)
        %dma_wait3A_92 = arith.constant 0 : i32
        %dma_wait3A_93 = arith.constant 0 : i32
        %dma_wait3A_94 = tpu.memref_slice %arg3[%dma_wait3A_92, %dma_wait3A_93] : memref<64x1000000xf32, #tpu.memory_space<hbm>> -> memref<64x256xf32, #tpu.memory_space<hbm>>
        %dma_wait3A_95 = arith.constant 0 : i32
        %dma_wait3A_96 = arith.constant 0 : i32
        %dma_wait3A_97 = tpu.memref_slice %arg3[%dma_wait3A_95, %dma_wait3A_96] : memref<64x1000000xf32, #tpu.memory_space<hbm>> -> memref<64x256xf32, #tpu.memory_space<hbm>>
        tpu.wait_dma2 semaphore(%arg12 : memref<!tpu.dma_semaphore, #tpu.memory_space<semaphore_mem>>) src(%dma_wait3A_97 : memref<64x256xf32, #tpu.memory_space<hbm>>) dst(%arg7 : memref<64x256xf32, #tpu.memory_space<vmem>>)
      } else {
      }
      %lt3A_40 = arith.constant 3906 : i32
      %lt3A_41 = arith.cmpi slt, %add3A_27, %lt3A_40 : i32
      %convert_element_type3A_42 = arith.extui %lt3A_41 : i1 to i32
      %cond3A_43 = arith.constant 0 : i32
      %cond3A_44 = arith.cmpi ne, %convert_element_type3A_42, %cond3A_43 : i32
      scf.if %cond3A_44 {
        %mul3A_87 = arith.constant 256 : i32
        %mul3A_88 = arith.muli %add3A_27, %mul3A_87 : i32
        %multiple_of3A = tpu.assume_multiple %mul3A_88, 256 : i32
        %dma_start3A = arith.constant 0 : i32
        %dma_start3A_89 = tpu.memref_slice %arg2[%dma_start3A, %multiple_of3A] : memref<64x1000000xf32, #tpu.memory_space<hbm>> -> memref<64x256xf32, #tpu.memory_space<hbm>>
        %dma_start3A_90 = arith.constant 0 : i32
        %dma_start3A_91 = tpu.memref_slice %arg2[%dma_start3A_90, %multiple_of3A] : memref<64x1000000xf32, #tpu.memory_space<hbm>> -> memref<64x256xf32, #tpu.memory_space<hbm>>
        tpu.enqueue_dma source(%dma_start3A_91 : memref<64x256xf32, #tpu.memory_space<hbm>>) target(%arg8 : memref<64x256xf32, #tpu.memory_space<vmem>>) target_semaphore(%arg13 : memref<!tpu.dma_semaphore, #tpu.memory_space<semaphore_mem>>)
        %dma_start3A_92 = arith.constant 0 : i32
        %dma_start3A_93 = tpu.memref_slice %arg3[%dma_start3A_92, %multiple_of3A] : memref<64x1000000xf32, #tpu.memory_space<hbm>> -> memref<64x256xf32, #tpu.memory_space<hbm>>
        %dma_start3A_94 = arith.constant 0 : i32
        %dma_start3A_95 = tpu.memref_slice %arg3[%dma_start3A_94, %multiple_of3A] : memref<64x1000000xf32, #tpu.memory_space<hbm>> -> memref<64x256xf32, #tpu.memory_space<hbm>>
        tpu.enqueue_dma source(%dma_start3A_95 : memref<64x256xf32, #tpu.memory_space<hbm>>) target(%arg9 : memref<64x256xf32, #tpu.memory_space<vmem>>) target_semaphore(%arg13 : memref<!tpu.dma_semaphore, #tpu.memory_space<semaphore_mem>>)
      } else {
      }
      %lt3A_45 = arith.constant 3906 : i32
      %lt3A_46 = arith.cmpi slt, %add3A_22, %lt3A_45 : i32
      %convert_element_type3A_47 = arith.extui %lt3A_46 : i1 to i32
      %cond3A_48 = arith.constant 0 : i32
      %cond3A_49 = arith.cmpi ne, %convert_element_type3A_47, %cond3A_48 : i32
      scf.if %cond3A_49 {
        %mul3A_87 = arith.constant 256 : i32
        %mul3A_88 = arith.muli %add3A_22, %mul3A_87 : i32
        %multiple_of3A = tpu.assume_multiple %mul3A_88, 256 : i32
        %parallel_loop3A = arith.constant 0 : i32
        %parallel_loop3A_89 = arith.constant 32 : i32
        %parallel_loop3A_90 = arith.constant 1 : i32
        scf.for %parallel_loop3A_94 = %parallel_loop3A to %parallel_loop3A_89 step %parallel_loop3A_90  : i32 {
          %parallel_loop3A_95 = arith.constant 0 : i32
          %parallel_loop3A_96 = arith.addi %parallel_loop3A_95, %parallel_loop3A_94 : i32
          %parallel_loop3A_97 = arith.constant 2 : i32
          %parallel_loop3A_98 = arith.muli %parallel_loop3A_97, %parallel_loop3A_94 : i32
          %parallel_loop3A_99 = arith.index_cast %parallel_loop3A_98 : i32 to index
          %parallel_loop3A_100 = arith.constant 0 : index
          %parallel_loop3A_101 = tpu.vector_load %arg6[%parallel_loop3A_99, %parallel_loop3A_100] {strides = array<i32>} : memref<64x256xf32, #tpu.memory_space<vmem>>, vector<16xf32>,
          %parallel_loop3A_102 = arith.constant 2 : i32
          %parallel_loop3A_103 = arith.muli %parallel_loop3A_102, %parallel_loop3A_94 : i32
          %parallel_loop3A_104 = arith.constant 1 : i32
          %parallel_loop3A_105 = arith.addi %parallel_loop3A_103, %parallel_loop3A_104 : i32
          %parallel_loop3A_106 = arith.index_cast %parallel_loop3A_105 : i32 to index
          %parallel_loop3A_107 = arith.constant 0 : index
          %parallel_loop3A_108 = tpu.vector_load %arg6[%parallel_loop3A_106, %parallel_loop3A_107] {strides = array<i32>} : memref<64x256xf32, #tpu.memory_space<vmem>>, vector<16xf32>,
          %parallel_loop3A_109 = tpu.pack_subelements %parallel_loop3A_101, %parallel_loop3A_108 {pack_format = #tpu.pack_format<interleaved>, positions = array<i32: 0, 1>} : vector<16xf32>, vector<16xf32> -> vector<32xbf16>
          %parallel_loop3A_110 = vector.bitcast %parallel_loop3A_109 : vector<32xbf16> to vector<16xi32>
          %parallel_loop3A_111 = arith.constant 0 : i32
          %parallel_loop3A_112 = arith.addi %parallel_loop3A_111, %parallel_loop3A_96 : i32
          %parallel_loop3A_113 = vector.broadcast %parallel_loop3A_112 : i32 to vector<16xi32>
          %parallel_loop3A_114 = arith.addi %mul3A_3, %parallel_loop3A_113 : vector<16xi32>
          tpu.vector_store_idx %arg10[%parallel_loop3A_114], %parallel_loop3A_110 : memref<16384xi32, #tpu.memory_space<vmem>>[vector<16xi32>], vector<16xi32>,
          %parallel_loop3A_115 = arith.constant 2 : i32
          %parallel_loop3A_116 = arith.muli %parallel_loop3A_115, %parallel_loop3A_94 : i32
          %parallel_loop3A_117 = arith.index_cast %parallel_loop3A_116 : i32 to index
          %parallel_loop3A_118 = arith.constant 16 : index
          %parallel_loop3A_119 = tpu.vector_load %arg6[%parallel_loop3A_117, %parallel_loop3A_118] {strides = array<i32>} : memref<64x256xf32, #tpu.memory_space<vmem>>, vector<16xf32>,
          %parallel_loop3A_120 = arith.constant 2 : i32
          %parallel_loop3A_121 = arith.muli %parallel_loop3A_120, %parallel_loop3A_94 : i32
          %parallel_loop3A_122 = arith.constant 1 : i32
          %parallel_loop3A_123 = arith.addi %parallel_loop3A_121, %parallel_loop3A_122 : i32
          %parallel_loop3A_124 = arith.index_cast %parallel_loop3A_123 : i32 to index
          %parallel_loop3A_125 = arith.constant 16 : index
          %parallel_loop3A_126 = tpu.vector_load %arg6[%parallel_loop3A_124, %parallel_loop3A_125] {strides = array<i32>} : memref<64x256xf32, #tpu.memory_space<vmem>>, vector<16xf32>,
          %parallel_loop3A_127 = tpu.pack_subelements %parallel_loop3A_119, %parallel_loop3A_126 {pack_format = #tpu.pack_format<interleaved>, positions = array<i32: 0, 1>} : vector<16xf32>, vector<16xf32> -> vector<32xbf16>
          %parallel_loop3A_128 = vector.bitcast %parallel_loop3A_127 : vector<32xbf16> to vector<16xi32>
          %parallel_loop3A_129 = arith.constant 1024 : i32
          %parallel_loop3A_130 = arith.addi %parallel_loop3A_129, %parallel_loop3A_96 : i32
          %parallel_loop3A_131 = vector.broadcast %parallel_loop3A_130 : i32 to vector<16xi32>
          %parallel_loop3A_132 = arith.addi %mul3A_3, %parallel_loop3A_131 : vector<16xi32>
          tpu.vector_store_idx %arg10[%parallel_loop3A_132], %parallel_loop3A_128 : memref<16384xi32, #tpu.memory_space<vmem>>[vector<16xi32>], vector<16xi32>,
          %parallel_loop3A_133 = arith.constant 2 : i32
          %parallel_loop3A_134 = arith.muli %parallel_loop3A_133, %parallel_loop3A_94 : i32
          %parallel_loop3A_135 = arith.index_cast %parallel_loop3A_134 : i32 to index
          %parallel_loop3A_136 = arith.constant 32 : index
          %parallel_loop3A_137 = tpu.vector_load %arg6[%parallel_loop3A_135, %parallel_loop3A_136] {strides = array<i32>} : memref<64x256xf32, #tpu.memory_space<vmem>>, vector<16xf32>,
          %parallel_loop3A_138 = arith.constant 2 : i32
          %parallel_loop3A_139 = arith.muli %parallel_loop3A_138, %parallel_loop3A_94 : i32
          %parallel_loop3A_140 = arith.constant 1 : i32
          %parallel_loop3A_141 = arith.addi %parallel_loop3A_139, %parallel_loop3A_140 : i32
          %parallel_loop3A_142 = arith.index_cast %parallel_loop3A_141 : i32 to index
          %parallel_loop3A_143 = arith.constant 32 : index
          %parallel_loop3A_144 = tpu.vector_load %arg6[%parallel_loop3A_142, %parallel_loop3A_143] {strides = array<i32>} : memref<64x256xf32, #tpu.memory_space<vmem>>, vector<16xf32>,
          %parallel_loop3A_145 = tpu.pack_subelements %parallel_loop3A_137, %parallel_loop3A_144 {pack_format = #tpu.pack_format<interleaved>, positions = array<i32: 0, 1>} : vector<16xf32>, vector<16xf32> -> vector<32xbf16>
          %parallel_loop3A_146 = vector.bitcast %parallel_loop3A_145 : vector<32xbf16> to vector<16xi32>
          %parallel_loop3A_147 = arith.constant 2048 : i32
          %parallel_loop3A_148 = arith.addi %parallel_loop3A_147, %parallel_loop3A_96 : i32
          %parallel_loop3A_149 = vector.broadcast %parallel_loop3A_148 : i32 to vector<16xi32>
          %parallel_loop3A_150 = arith.addi %mul3A_3, %parallel_loop3A_149 : vector<16xi32>
          tpu.vector_store_idx %arg10[%parallel_loop3A_150], %parallel_loop3A_146 : memref<16384xi32, #tpu.memory_space<vmem>>[vector<16xi32>], vector<16xi32>,
          %parallel_loop3A_151 = arith.constant 2 : i32
          %parallel_loop3A_152 = arith.muli %parallel_loop3A_151, %parallel_loop3A_94 : i32
          %parallel_loop3A_153 = arith.index_cast %parallel_loop3A_152 : i32 to index
          %parallel_loop3A_154 = arith.constant 48 : index
          %parallel_loop3A_155 = tpu.vector_load %arg6[%parallel_loop3A_153, %parallel_loop3A_154] {strides = array<i32>} : memref<64x256xf32, #tpu.memory_space<vmem>>, vector<16xf32>,
          %parallel_loop3A_156 = arith.constant 2 : i32
          %parallel_loop3A_157 = arith.muli %parallel_loop3A_156, %parallel_loop3A_94 : i32
          %parallel_loop3A_158 = arith.constant 1 : i32
          %parallel_loop3A_159 = arith.addi %parallel_loop3A_157, %parallel_loop3A_158 : i32
          %parallel_loop3A_160 = arith.index_cast %parallel_loop3A_159 : i32 to index
          %parallel_loop3A_161 = arith.constant 48 : index
          %parallel_loop3A_162 = tpu.vector_load %arg6[%parallel_loop3A_160, %parallel_loop3A_161] {strides = array<i32>} : memref<64x256xf32, #tpu.memory_space<vmem>>, vector<16xf32>,
          %parallel_loop3A_163 = tpu.pack_subelements %parallel_loop3A_155, %parallel_loop3A_162 {pack_format = #tpu.pack_format<interleaved>, positions = array<i32: 0, 1>} : vector<16xf32>, vector<16xf32> -> vector<32xbf16>
          %parallel_loop3A_164 = vector.bitcast %parallel_loop3A_163 : vector<32xbf16> to vector<16xi32>
          %parallel_loop3A_165 = arith.constant 3072 : i32
          %parallel_loop3A_166 = arith.addi %parallel_loop3A_165, %parallel_loop3A_96 : i32
          %parallel_loop3A_167 = vector.broadcast %parallel_loop3A_166 : i32 to vector<16xi32>
          %parallel_loop3A_168 = arith.addi %mul3A_3, %parallel_loop3A_167 : vector<16xi32>
          tpu.vector_store_idx %arg10[%parallel_loop3A_168], %parallel_loop3A_164 : memref<16384xi32, #tpu.memory_space<vmem>>[vector<16xi32>], vector<16xi32>,
          %parallel_loop3A_169 = arith.constant 2 : i32
          %parallel_loop3A_170 = arith.muli %parallel_loop3A_169, %parallel_loop3A_94 : i32
          %parallel_loop3A_171 = arith.index_cast %parallel_loop3A_170 : i32 to index
          %parallel_loop3A_172 = arith.constant 64 : index
          %parallel_loop3A_173 = tpu.vector_load %arg6[%parallel_loop3A_171, %parallel_loop3A_172] {strides = array<i32>} : memref<64x256xf32, #tpu.memory_space<vmem>>, vector<16xf32>,
          %parallel_loop3A_174 = arith.constant 2 : i32
          %parallel_loop3A_175 = arith.muli %parallel_loop3A_174, %parallel_loop3A_94 : i32
          %parallel_loop3A_176 = arith.constant 1 : i32
          %parallel_loop3A_177 = arith.addi %parallel_loop3A_175, %parallel_loop3A_176 : i32
          %parallel_loop3A_178 = arith.index_cast %parallel_loop3A_177 : i32 to index
          %parallel_loop3A_179 = arith.constant 64 : index
          %parallel_loop3A_180 = tpu.vector_load %arg6[%parallel_loop3A_178, %parallel_loop3A_179] {strides = array<i32>} : memref<64x256xf32, #tpu.memory_space<vmem>>, vector<16xf32>,
          %parallel_loop3A_181 = tpu.pack_subelements %parallel_loop3A_173, %parallel_loop3A_180 {pack_format = #tpu.pack_format<interleaved>, positions = array<i32: 0, 1>} : vector<16xf32>, vector<16xf32> -> vector<32xbf16>
          %parallel_loop3A_182 = vector.bitcast %parallel_loop3A_181 : vector<32xbf16> to vector<16xi32>
          %parallel_loop3A_183 = arith.constant 4096 : i32
          %parallel_loop3A_184 = arith.addi %parallel_loop3A_183, %parallel_loop3A_96 : i32
          %parallel_loop3A_185 = vector.broadcast %parallel_loop3A_184 : i32 to vector<16xi32>
          %parallel_loop3A_186 = arith.addi %mul3A_3, %parallel_loop3A_185 : vector<16xi32>
          tpu.vector_store_idx %arg10[%parallel_loop3A_186], %parallel_loop3A_182 : memref<16384xi32, #tpu.memory_space<vmem>>[vector<16xi32>], vector<16xi32>,
          %parallel_loop3A_187 = arith.constant 2 : i32
          %parallel_loop3A_188 = arith.muli %parallel_loop3A_187, %parallel_loop3A_94 : i32
          %parallel_loop3A_189 = arith.index_cast %parallel_loop3A_188 : i32 to index
          %parallel_loop3A_190 = arith.constant 80 : index
          %parallel_loop3A_191 = tpu.vector_load %arg6[%parallel_loop3A_189, %parallel_loop3A_190] {strides = array<i32>} : memref<64x256xf32, #tpu.memory_space<vmem>>, vector<16xf32>,
          %parallel_loop3A_192 = arith.constant 2 : i32
          %parallel_loop3A_193 = arith.muli %parallel_loop3A_192, %parallel_loop3A_94 : i32
          %parallel_loop3A_194 = arith.constant 1 : i32
          %parallel_loop3A_195 = arith.addi %parallel_loop3A_193, %parallel_loop3A_194 : i32
          %parallel_loop3A_196 = arith.index_cast %parallel_loop3A_195 : i32 to index
          %parallel_loop3A_197 = arith.constant 80 : index
          %parallel_loop3A_198 = tpu.vector_load %arg6[%parallel_loop3A_196, %parallel_loop3A_197] {strides = array<i32>} : memref<64x256xf32, #tpu.memory_space<vmem>>, vector<16xf32>,
          %parallel_loop3A_199 = tpu.pack_subelements %parallel_loop3A_191, %parallel_loop3A_198 {pack_format = #tpu.pack_format<interleaved>, positions = array<i32: 0, 1>} : vector<16xf32>, vector<16xf32> -> vector<32xbf16>
          %parallel_loop3A_200 = vector.bitcast %parallel_loop3A_199 : vector<32xbf16> to vector<16xi32>
          %parallel_loop3A_201 = arith.constant 5120 : i32
          %parallel_loop3A_202 = arith.addi %parallel_loop3A_201, %parallel_loop3A_96 : i32
          %parallel_loop3A_203 = vector.broadcast %parallel_loop3A_202 : i32 to vector<16xi32>
          %parallel_loop3A_204 = arith.addi %mul3A_3, %parallel_loop3A_203 : vector<16xi32>
          tpu.vector_store_idx %arg10[%parallel_loop3A_204], %parallel_loop3A_200 : memref<16384xi32, #tpu.memory_space<vmem>>[vector<16xi32>], vector<16xi32>,
          %parallel_loop3A_205 = arith.constant 2 : i32
          %parallel_loop3A_206 = arith.muli %parallel_loop3A_205, %parallel_loop3A_94 : i32
          %parallel_loop3A_207 = arith.index_cast %parallel_loop3A_206 : i32 to index
          %parallel_loop3A_208 = arith.constant 96 : index
          %parallel_loop3A_209 = tpu.vector_load %arg6[%parallel_loop3A_207, %parallel_loop3A_208] {strides = array<i32>} : memref<64x256xf32, #tpu.memory_space<vmem>>, vector<16xf32>,
          %parallel_loop3A_210 = arith.constant 2 : i32
          %parallel_loop3A_211 = arith.muli %parallel_loop3A_210, %parallel_loop3A_94 : i32
          %parallel_loop3A_212 = arith.constant 1 : i32
          %parallel_loop3A_213 = arith.addi %parallel_loop3A_211, %parallel_loop3A_212 : i32
          %parallel_loop3A_214 = arith.index_cast %parallel_loop3A_213 : i32 to index
          %parallel_loop3A_215 = arith.constant 96 : index
          %parallel_loop3A_216 = tpu.vector_load %arg6[%parallel_loop3A_214, %parallel_loop3A_215] {strides = array<i32>} : memref<64x256xf32, #tpu.memory_space<vmem>>, vector<16xf32>,
          %parallel_loop3A_217 = tpu.pack_subelements %parallel_loop3A_209, %parallel_loop3A_216 {pack_format = #tpu.pack_format<interleaved>, positions = array<i32: 0, 1>} : vector<16xf32>, vector<16xf32> -> vector<32xbf16>
          %parallel_loop3A_218 = vector.bitcast %parallel_loop3A_217 : vector<32xbf16> to vector<16xi32>
          %parallel_loop3A_219 = arith.constant 6144 : i32
          %parallel_loop3A_220 = arith.addi %parallel_loop3A_219, %parallel_loop3A_96 : i32
          %parallel_loop3A_221 = vector.broadcast %parallel_loop3A_220 : i32 to vector<16xi32>
          %parallel_loop3A_222 = arith.addi %mul3A_3, %parallel_loop3A_221 : vector<16xi32>
          tpu.vector_store_idx %arg10[%parallel_loop3A_222], %parallel_loop3A_218 : memref<16384xi32, #tpu.memory_space<vmem>>[vector<16xi32>], vector<16xi32>,
          %parallel_loop3A_223 = arith.constant 2 : i32
          %parallel_loop3A_224 = arith.muli %parallel_loop3A_223, %parallel_loop3A_94 : i32
          %parallel_loop3A_225 = arith.index_cast %parallel_loop3A_224 : i32 to index
          %parallel_loop3A_226 = arith.constant 112 : index
          %parallel_loop3A_227 = tpu.vector_load %arg6[%parallel_loop3A_225, %parallel_loop3A_226] {strides = array<i32>} : memref<64x256xf32, #tpu.memory_space<vmem>>, vector<16xf32>,
          %parallel_loop3A_228 = arith.constant 2 : i32
          %parallel_loop3A_229 = arith.muli %parallel_loop3A_228, %parallel_loop3A_94 : i32
          %parallel_loop3A_230 = arith.constant 1 : i32
          %parallel_loop3A_231 = arith.addi %parallel_loop3A_229, %parallel_loop3A_230 : i32
          %parallel_loop3A_232 = arith.index_cast %parallel_loop3A_231 : i32 to index
          %parallel_loop3A_233 = arith.constant 112 : index
          %parallel_loop3A_234 = tpu.vector_load %arg6[%parallel_loop3A_232, %parallel_loop3A_233] {strides = array<i32>} : memref<64x256xf32, #tpu.memory_space<vmem>>, vector<16xf32>,
          %parallel_loop3A_235 = tpu.pack_subelements %parallel_loop3A_227, %parallel_loop3A_234 {pack_format = #tpu.pack_format<interleaved>, positions = array<i32: 0, 1>} : vector<16xf32>, vector<16xf32> -> vector<32xbf16>
          %parallel_loop3A_236 = vector.bitcast %parallel_loop3A_235 : vector<32xbf16> to vector<16xi32>
          %parallel_loop3A_237 = arith.constant 7168 : i32
          %parallel_loop3A_238 = arith.addi %parallel_loop3A_237, %parallel_loop3A_96 : i32
          %parallel_loop3A_239 = vector.broadcast %parallel_loop3A_238 : i32 to vector<16xi32>
          %parallel_loop3A_240 = arith.addi %mul3A_3, %parallel_loop3A_239 : vector<16xi32>
          tpu.vector_store_idx %arg10[%parallel_loop3A_240], %parallel_loop3A_236 : memref<16384xi32, #tpu.memory_space<vmem>>[vector<16xi32>], vector<16xi32>,
          %parallel_loop3A_241 = arith.constant 2 : i32
          %parallel_loop3A_242 = arith.muli %parallel_loop3A_241, %parallel_loop3A_94 : i32
          %parallel_loop3A_243 = arith.index_cast %parallel_loop3A_242 : i32 to index
          %parallel_loop3A_244 = arith.constant 128 : index
          %parallel_loop3A_245 = tpu.vector_load %arg6[%parallel_loop3A_243, %parallel_loop3A_244] {strides = array<i32>} : memref<64x256xf32, #tpu.memory_space<vmem>>, vector<16xf32>,
          %parallel_loop3A_246 = arith.constant 2 : i32
          %parallel_loop3A_247 = arith.muli %parallel_loop3A_246, %parallel_loop3A_94 : i32
          %parallel_loop3A_248 = arith.constant 1 : i32
          %parallel_loop3A_249 = arith.addi %parallel_loop3A_247, %parallel_loop3A_248 : i32
          %parallel_loop3A_250 = arith.index_cast %parallel_loop3A_249 : i32 to index
          %parallel_loop3A_251 = arith.constant 128 : index
          %parallel_loop3A_252 = tpu.vector_load %arg6[%parallel_loop3A_250, %parallel_loop3A_251] {strides = array<i32>} : memref<64x256xf32, #tpu.memory_space<vmem>>, vector<16xf32>,
          %parallel_loop3A_253 = tpu.pack_subelements %parallel_loop3A_245, %parallel_loop3A_252 {pack_format = #tpu.pack_format<interleaved>, positions = array<i32: 0, 1>} : vector<16xf32>, vector<16xf32> -> vector<32xbf16>
          %parallel_loop3A_254 = vector.bitcast %parallel_loop3A_253 : vector<32xbf16> to vector<16xi32>
          %parallel_loop3A_255 = arith.constant 8192 : i32
          %parallel_loop3A_256 = arith.addi %parallel_loop3A_255, %parallel_loop3A_96 : i32
          %parallel_loop3A_257 = vector.broadcast %parallel_loop3A_256 : i32 to vector<16xi32>
          %parallel_loop3A_258 = arith.addi %mul3A_3, %parallel_loop3A_257 : vector<16xi32>
          tpu.vector_store_idx %arg10[%parallel_loop3A_258], %parallel_loop3A_254 : memref<16384xi32, #tpu.memory_space<vmem>>[vector<16xi32>], vector<16xi32>,
          %parallel_loop3A_259 = arith.constant 2 : i32
          %parallel_loop3A_260 = arith.muli %parallel_loop3A_259, %parallel_loop3A_94 : i32
          %parallel_loop3A_261 = arith.index_cast %parallel_loop3A_260 : i32 to index
          %parallel_loop3A_262 = arith.constant 144 : index
          %parallel_loop3A_263 = tpu.vector_load %arg6[%parallel_loop3A_261, %parallel_loop3A_262] {strides = array<i32>} : memref<64x256xf32, #tpu.memory_space<vmem>>, vector<16xf32>,
          %parallel_loop3A_264 = arith.constant 2 : i32
          %parallel_loop3A_265 = arith.muli %parallel_loop3A_264, %parallel_loop3A_94 : i32
          %parallel_loop3A_266 = arith.constant 1 : i32
          %parallel_loop3A_267 = arith.addi %parallel_loop3A_265, %parallel_loop3A_266 : i32
          %parallel_loop3A_268 = arith.index_cast %parallel_loop3A_267 : i32 to index
          %parallel_loop3A_269 = arith.constant 144 : index
          %parallel_loop3A_270 = tpu.vector_load %arg6[%parallel_loop3A_268, %parallel_loop3A_269] {strides = array<i32>} : memref<64x256xf32, #tpu.memory_space<vmem>>, vector<16xf32>,
          %parallel_loop3A_271 = tpu.pack_subelements %parallel_loop3A_263, %parallel_loop3A_270 {pack_format = #tpu.pack_format<interleaved>, positions = array<i32: 0, 1>} : vector<16xf32>, vector<16xf32> -> vector<32xbf16>
          %parallel_loop3A_272 = vector.bitcast %parallel_loop3A_271 : vector<32xbf16> to vector<16xi32>
          %parallel_loop3A_273 = arith.constant 9216 : i32
          %parallel_loop3A_274 = arith.addi %parallel_loop3A_273, %parallel_loop3A_96 : i32
          %parallel_loop3A_275 = vector.broadcast %parallel_loop3A_274 : i32 to vector<16xi32>
          %parallel_loop3A_276 = arith.addi %mul3A_3, %parallel_loop3A_275 : vector<16xi32>
          tpu.vector_store_idx %arg10[%parallel_loop3A_276], %parallel_loop3A_272 : memref<16384xi32, #tpu.memory_space<vmem>>[vector<16xi32>], vector<16xi32>,
          %parallel_loop3A_277 = arith.constant 2 : i32
          %parallel_loop3A_278 = arith.muli %parallel_loop3A_277, %parallel_loop3A_94 : i32
          %parallel_loop3A_279 = arith.index_cast %parallel_loop3A_278 : i32 to index
          %parallel_loop3A_280 = arith.constant 160 : index
          %parallel_loop3A_281 = tpu.vector_load %arg6[%parallel_loop3A_279, %parallel_loop3A_280] {strides = array<i32>} : memref<64x256xf32, #tpu.memory_space<vmem>>, vector<16xf32>,
          %parallel_loop3A_282 = arith.constant 2 : i32
          %parallel_loop3A_283 = arith.muli %parallel_loop3A_282, %parallel_loop3A_94 : i32
          %parallel_loop3A_284 = arith.constant 1 : i32
          %parallel_loop3A_285 = arith.addi %parallel_loop3A_283, %parallel_loop3A_284 : i32
          %parallel_loop3A_286 = arith.index_cast %parallel_loop3A_285 : i32 to index
          %parallel_loop3A_287 = arith.constant 160 : index
          %parallel_loop3A_288 = tpu.vector_load %arg6[%parallel_loop3A_286, %parallel_loop3A_287] {strides = array<i32>} : memref<64x256xf32, #tpu.memory_space<vmem>>, vector<16xf32>,
          %parallel_loop3A_289 = tpu.pack_subelements %parallel_loop3A_281, %parallel_loop3A_288 {pack_format = #tpu.pack_format<interleaved>, positions = array<i32: 0, 1>} : vector<16xf32>, vector<16xf32> -> vector<32xbf16>
          %parallel_loop3A_290 = vector.bitcast %parallel_loop3A_289 : vector<32xbf16> to vector<16xi32>
          %parallel_loop3A_291 = arith.constant 10240 : i32
          %parallel_loop3A_292 = arith.addi %parallel_loop3A_291, %parallel_loop3A_96 : i32
          %parallel_loop3A_293 = vector.broadcast %parallel_loop3A_292 : i32 to vector<16xi32>
          %parallel_loop3A_294 = arith.addi %mul3A_3, %parallel_loop3A_293 : vector<16xi32>
          tpu.vector_store_idx %arg10[%parallel_loop3A_294], %parallel_loop3A_290 : memref<16384xi32, #tpu.memory_space<vmem>>[vector<16xi32>], vector<16xi32>,
          %parallel_loop3A_295 = arith.constant 2 : i32
          %parallel_loop3A_296 = arith.muli %parallel_loop3A_295, %parallel_loop3A_94 : i32
          %parallel_loop3A_297 = arith.index_cast %parallel_loop3A_296 : i32 to index
          %parallel_loop3A_298 = arith.constant 176 : index
          %parallel_loop3A_299 = tpu.vector_load %arg6[%parallel_loop3A_297, %parallel_loop3A_298] {strides = array<i32>} : memref<64x256xf32, #tpu.memory_space<vmem>>, vector<16xf32>,
          %parallel_loop3A_300 = arith.constant 2 : i32
          %parallel_loop3A_301 = arith.muli %parallel_loop3A_300, %parallel_loop3A_94 : i32
          %parallel_loop3A_302 = arith.constant 1 : i32
          %parallel_loop3A_303 = arith.addi %parallel_loop3A_301, %parallel_loop3A_302 : i32
          %parallel_loop3A_304 = arith.index_cast %parallel_loop3A_303 : i32 to index
          %parallel_loop3A_305 = arith.constant 176 : index
          %parallel_loop3A_306 = tpu.vector_load %arg6[%parallel_loop3A_304, %parallel_loop3A_305] {strides = array<i32>} : memref<64x256xf32, #tpu.memory_space<vmem>>, vector<16xf32>,
          %parallel_loop3A_307 = tpu.pack_subelements %parallel_loop3A_299, %parallel_loop3A_306 {pack_format = #tpu.pack_format<interleaved>, positions = array<i32: 0, 1>} : vector<16xf32>, vector<16xf32> -> vector<32xbf16>
          %parallel_loop3A_308 = vector.bitcast %parallel_loop3A_307 : vector<32xbf16> to vector<16xi32>
          %parallel_loop3A_309 = arith.constant 11264 : i32
          %parallel_loop3A_310 = arith.addi %parallel_loop3A_309, %parallel_loop3A_96 : i32
          %parallel_loop3A_311 = vector.broadcast %parallel_loop3A_310 : i32 to vector<16xi32>
          %parallel_loop3A_312 = arith.addi %mul3A_3, %parallel_loop3A_311 : vector<16xi32>
          tpu.vector_store_idx %arg10[%parallel_loop3A_312], %parallel_loop3A_308 : memref<16384xi32, #tpu.memory_space<vmem>>[vector<16xi32>], vector<16xi32>,
          %parallel_loop3A_313 = arith.constant 2 : i32
          %parallel_loop3A_314 = arith.muli %parallel_loop3A_313, %parallel_loop3A_94 : i32
          %parallel_loop3A_315 = arith.index_cast %parallel_loop3A_314 : i32 to index
          %parallel_loop3A_316 = arith.constant 192 : index
          %parallel_loop3A_317 = tpu.vector_load %arg6[%parallel_loop3A_315, %parallel_loop3A_316] {strides = array<i32>} : memref<64x256xf32, #tpu.memory_space<vmem>>, vector<16xf32>,
          %parallel_loop3A_318 = arith.constant 2 : i32
          %parallel_loop3A_319 = arith.muli %parallel_loop3A_318, %parallel_loop3A_94 : i32
          %parallel_loop3A_320 = arith.constant 1 : i32
          %parallel_loop3A_321 = arith.addi %parallel_loop3A_319, %parallel_loop3A_320 : i32
          %parallel_loop3A_322 = arith.index_cast %parallel_loop3A_321 : i32 to index
          %parallel_loop3A_323 = arith.constant 192 : index
          %parallel_loop3A_324 = tpu.vector_load %arg6[%parallel_loop3A_322, %parallel_loop3A_323] {strides = array<i32>} : memref<64x256xf32, #tpu.memory_space<vmem>>, vector<16xf32>,
          %parallel_loop3A_325 = tpu.pack_subelements %parallel_loop3A_317, %parallel_loop3A_324 {pack_format = #tpu.pack_format<interleaved>, positions = array<i32: 0, 1>} : vector<16xf32>, vector<16xf32> -> vector<32xbf16>
          %parallel_loop3A_326 = vector.bitcast %parallel_loop3A_325 : vector<32xbf16> to vector<16xi32>
          %parallel_loop3A_327 = arith.constant 12288 : i32
          %parallel_loop3A_328 = arith.addi %parallel_loop3A_327, %parallel_loop3A_96 : i32
          %parallel_loop3A_329 = vector.broadcast %parallel_loop3A_328 : i32 to vector<16xi32>
          %parallel_loop3A_330 = arith.addi %mul3A_3, %parallel_loop3A_329 : vector<16xi32>
          tpu.vector_store_idx %arg10[%parallel_loop3A_330], %parallel_loop3A_326 : memref<16384xi32, #tpu.memory_space<vmem>>[vector<16xi32>], vector<16xi32>,
          %parallel_loop3A_331 = arith.constant 2 : i32
          %parallel_loop3A_332 = arith.muli %parallel_loop3A_331, %parallel_loop3A_94 : i32
          %parallel_loop3A_333 = arith.index_cast %parallel_loop3A_332 : i32 to index
          %parallel_loop3A_334 = arith.constant 208 : index
          %parallel_loop3A_335 = tpu.vector_load %arg6[%parallel_loop3A_333, %parallel_loop3A_334] {strides = array<i32>} : memref<64x256xf32, #tpu.memory_space<vmem>>, vector<16xf32>,
          %parallel_loop3A_336 = arith.constant 2 : i32
          %parallel_loop3A_337 = arith.muli %parallel_loop3A_336, %parallel_loop3A_94 : i32
          %parallel_loop3A_338 = arith.constant 1 : i32
          %parallel_loop3A_339 = arith.addi %parallel_loop3A_337, %parallel_loop3A_338 : i32
          %parallel_loop3A_340 = arith.index_cast %parallel_loop3A_339 : i32 to index
          %parallel_loop3A_341 = arith.constant 208 : index
          %parallel_loop3A_342 = tpu.vector_load %arg6[%parallel_loop3A_340, %parallel_loop3A_341] {strides = array<i32>} : memref<64x256xf32, #tpu.memory_space<vmem>>, vector<16xf32>,
          %parallel_loop3A_343 = tpu.pack_subelements %parallel_loop3A_335, %parallel_loop3A_342 {pack_format = #tpu.pack_format<interleaved>, positions = array<i32: 0, 1>} : vector<16xf32>, vector<16xf32> -> vector<32xbf16>
          %parallel_loop3A_344 = vector.bitcast %parallel_loop3A_343 : vector<32xbf16> to vector<16xi32>
          %parallel_loop3A_345 = arith.constant 13312 : i32
          %parallel_loop3A_346 = arith.addi %parallel_loop3A_345, %parallel_loop3A_96 : i32
          %parallel_loop3A_347 = vector.broadcast %parallel_loop3A_346 : i32 to vector<16xi32>
          %parallel_loop3A_348 = arith.addi %mul3A_3, %parallel_loop3A_347 : vector<16xi32>
          tpu.vector_store_idx %arg10[%parallel_loop3A_348], %parallel_loop3A_344 : memref<16384xi32, #tpu.memory_space<vmem>>[vector<16xi32>], vector<16xi32>,
          %parallel_loop3A_349 = arith.constant 2 : i32
          %parallel_loop3A_350 = arith.muli %parallel_loop3A_349, %parallel_loop3A_94 : i32
          %parallel_loop3A_351 = arith.index_cast %parallel_loop3A_350 : i32 to index
          %parallel_loop3A_352 = arith.constant 224 : index
          %parallel_loop3A_353 = tpu.vector_load %arg6[%parallel_loop3A_351, %parallel_loop3A_352] {strides = array<i32>} : memref<64x256xf32, #tpu.memory_space<vmem>>, vector<16xf32>,
          %parallel_loop3A_354 = arith.constant 2 : i32
          %parallel_loop3A_355 = arith.muli %parallel_loop3A_354, %parallel_loop3A_94 : i32
          %parallel_loop3A_356 = arith.constant 1 : i32
          %parallel_loop3A_357 = arith.addi %parallel_loop3A_355, %parallel_loop3A_356 : i32
          %parallel_loop3A_358 = arith.index_cast %parallel_loop3A_357 : i32 to index
          %parallel_loop3A_359 = arith.constant 224 : index
          %parallel_loop3A_360 = tpu.vector_load %arg6[%parallel_loop3A_358, %parallel_loop3A_359] {strides = array<i32>} : memref<64x256xf32, #tpu.memory_space<vmem>>, vector<16xf32>,
          %parallel_loop3A_361 = tpu.pack_subelements %parallel_loop3A_353, %parallel_loop3A_360 {pack_format = #tpu.pack_format<interleaved>, positions = array<i32: 0, 1>} : vector<16xf32>, vector<16xf32> -> vector<32xbf16>
          %parallel_loop3A_362 = vector.bitcast %parallel_loop3A_361 : vector<32xbf16> to vector<16xi32>
          %parallel_loop3A_363 = arith.constant 14336 : i32
          %parallel_loop3A_364 = arith.addi %parallel_loop3A_363, %parallel_loop3A_96 : i32
          %parallel_loop3A_365 = vector.broadcast %parallel_loop3A_364 : i32 to vector<16xi32>
          %parallel_loop3A_366 = arith.addi %mul3A_3, %parallel_loop3A_365 : vector<16xi32>
          tpu.vector_store_idx %arg10[%parallel_loop3A_366], %parallel_loop3A_362 : memref<16384xi32, #tpu.memory_space<vmem>>[vector<16xi32>], vector<16xi32>,
          %parallel_loop3A_367 = arith.constant 2 : i32
          %parallel_loop3A_368 = arith.muli %parallel_loop3A_367, %parallel_loop3A_94 : i32
          %parallel_loop3A_369 = arith.index_cast %parallel_loop3A_368 : i32 to index
          %parallel_loop3A_370 = arith.constant 240 : index
          %parallel_loop3A_371 = tpu.vector_load %arg6[%parallel_loop3A_369, %parallel_loop3A_370] {strides = array<i32>} : memref<64x256xf32, #tpu.memory_space<vmem>>, vector<16xf32>,
          %parallel_loop3A_372 = arith.constant 2 : i32
          %parallel_loop3A_373 = arith.muli %parallel_loop3A_372, %parallel_loop3A_94 : i32
          %parallel_loop3A_374 = arith.constant 1 : i32
          %parallel_loop3A_375 = arith.addi %parallel_loop3A_373, %parallel_loop3A_374 : i32
          %parallel_loop3A_376 = arith.index_cast %parallel_loop3A_375 : i32 to index
          %parallel_loop3A_377 = arith.constant 240 : index
          %parallel_loop3A_378 = tpu.vector_load %arg6[%parallel_loop3A_376, %parallel_loop3A_377] {strides = array<i32>} : memref<64x256xf32, #tpu.memory_space<vmem>>, vector<16xf32>,
          %parallel_loop3A_379 = tpu.pack_subelements %parallel_loop3A_371, %parallel_loop3A_378 {pack_format = #tpu.pack_format<interleaved>, positions = array<i32: 0, 1>} : vector<16xf32>, vector<16xf32> -> vector<32xbf16>
          %parallel_loop3A_380 = vector.bitcast %parallel_loop3A_379 : vector<32xbf16> to vector<16xi32>
          %parallel_loop3A_381 = arith.constant 15360 : i32
          %parallel_loop3A_382 = arith.addi %parallel_loop3A_381, %parallel_loop3A_96 : i32
          %parallel_loop3A_383 = vector.broadcast %parallel_loop3A_382 : i32 to vector<16xi32>
          %parallel_loop3A_384 = arith.addi %mul3A_3, %parallel_loop3A_383 : vector<16xi32>
          tpu.vector_store_idx %arg10[%parallel_loop3A_384], %parallel_loop3A_380 : memref<16384xi32, #tpu.memory_space<vmem>>[vector<16xi32>], vector<16xi32>,
          %parallel_loop3A_385 = arith.constant 32 : i32
          %parallel_loop3A_386 = arith.addi %parallel_loop3A_385, %parallel_loop3A_94 : i32
          %parallel_loop3A_387 = arith.constant 2 : i32
          %parallel_loop3A_388 = arith.muli %parallel_loop3A_387, %parallel_loop3A_94 : i32
          %parallel_loop3A_389 = arith.index_cast %parallel_loop3A_388 : i32 to index
          %parallel_loop3A_390 = arith.constant 0 : index
          %parallel_loop3A_391 = tpu.vector_load %arg7[%parallel_loop3A_389, %parallel_loop3A_390] {strides = array<i32>} : memref<64x256xf32, #tpu.memory_space<vmem>>, vector<16xf32>,
          %parallel_loop3A_392 = arith.constant 2 : i32
          %parallel_loop3A_393 = arith.muli %parallel_loop3A_392, %parallel_loop3A_94 : i32
          %parallel_loop3A_394 = arith.constant 1 : i32
          %parallel_loop3A_395 = arith.addi %parallel_loop3A_393, %parallel_loop3A_394 : i32
          %parallel_loop3A_396 = arith.index_cast %parallel_loop3A_395 : i32 to index
          %parallel_loop3A_397 = arith.constant 0 : index
          %parallel_loop3A_398 = tpu.vector_load %arg7[%parallel_loop3A_396, %parallel_loop3A_397] {strides = array<i32>} : memref<64x256xf32, #tpu.memory_space<vmem>>, vector<16xf32>,
          %parallel_loop3A_399 = tpu.pack_subelements %parallel_loop3A_391, %parallel_loop3A_398 {pack_format = #tpu.pack_format<interleaved>, positions = array<i32: 0, 1>} : vector<16xf32>, vector<16xf32> -> vector<32xbf16>
          %parallel_loop3A_400 = vector.bitcast %parallel_loop3A_399 : vector<32xbf16> to vector<16xi32>
          %parallel_loop3A_401 = arith.constant 0 : i32
          %parallel_loop3A_402 = arith.addi %parallel_loop3A_401, %parallel_loop3A_386 : i32
          %parallel_loop3A_403 = vector.broadcast %parallel_loop3A_402 : i32 to vector<16xi32>
          %parallel_loop3A_404 = arith.addi %mul3A_3, %parallel_loop3A_403 : vector<16xi32>
          tpu.vector_store_idx %arg10[%parallel_loop3A_404], %parallel_loop3A_400 : memref<16384xi32, #tpu.memory_space<vmem>>[vector<16xi32>], vector<16xi32>,
          %parallel_loop3A_405 = arith.constant 2 : i32
          %parallel_loop3A_406 = arith.muli %parallel_loop3A_405, %parallel_loop3A_94 : i32
          %parallel_loop3A_407 = arith.index_cast %parallel_loop3A_406 : i32 to index
          %parallel_loop3A_408 = arith.constant 16 : index
          %parallel_loop3A_409 = tpu.vector_load %arg7[%parallel_loop3A_407, %parallel_loop3A_408] {strides = array<i32>} : memref<64x256xf32, #tpu.memory_space<vmem>>, vector<16xf32>,
          %parallel_loop3A_410 = arith.constant 2 : i32
          %parallel_loop3A_411 = arith.muli %parallel_loop3A_410, %parallel_loop3A_94 : i32
          %parallel_loop3A_412 = arith.constant 1 : i32
          %parallel_loop3A_413 = arith.addi %parallel_loop3A_411, %parallel_loop3A_412 : i32
          %parallel_loop3A_414 = arith.index_cast %parallel_loop3A_413 : i32 to index
          %parallel_loop3A_415 = arith.constant 16 : index
          %parallel_loop3A_416 = tpu.vector_load %arg7[%parallel_loop3A_414, %parallel_loop3A_415] {strides = array<i32>} : memref<64x256xf32, #tpu.memory_space<vmem>>, vector<16xf32>,
          %parallel_loop3A_417 = tpu.pack_subelements %parallel_loop3A_409, %parallel_loop3A_416 {pack_format = #tpu.pack_format<interleaved>, positions = array<i32: 0, 1>} : vector<16xf32>, vector<16xf32> -> vector<32xbf16>
          %parallel_loop3A_418 = vector.bitcast %parallel_loop3A_417 : vector<32xbf16> to vector<16xi32>
          %parallel_loop3A_419 = arith.constant 1024 : i32
          %parallel_loop3A_420 = arith.addi %parallel_loop3A_419, %parallel_loop3A_386 : i32
          %parallel_loop3A_421 = vector.broadcast %parallel_loop3A_420 : i32 to vector<16xi32>
          %parallel_loop3A_422 = arith.addi %mul3A_3, %parallel_loop3A_421 : vector<16xi32>
          tpu.vector_store_idx %arg10[%parallel_loop3A_422], %parallel_loop3A_418 : memref<16384xi32, #tpu.memory_space<vmem>>[vector<16xi32>], vector<16xi32>,
          %parallel_loop3A_423 = arith.constant 2 : i32
          %parallel_loop3A_424 = arith.muli %parallel_loop3A_423, %parallel_loop3A_94 : i32
          %parallel_loop3A_425 = arith.index_cast %parallel_loop3A_424 : i32 to index
          %parallel_loop3A_426 = arith.constant 32 : index
          %parallel_loop3A_427 = tpu.vector_load %arg7[%parallel_loop3A_425, %parallel_loop3A_426] {strides = array<i32>} : memref<64x256xf32, #tpu.memory_space<vmem>>, vector<16xf32>,
          %parallel_loop3A_428 = arith.constant 2 : i32
          %parallel_loop3A_429 = arith.muli %parallel_loop3A_428, %parallel_loop3A_94 : i32
          %parallel_loop3A_430 = arith.constant 1 : i32
          %parallel_loop3A_431 = arith.addi %parallel_loop3A_429, %parallel_loop3A_430 : i32
          %parallel_loop3A_432 = arith.index_cast %parallel_loop3A_431 : i32 to index
          %parallel_loop3A_433 = arith.constant 32 : index
          %parallel_loop3A_434 = tpu.vector_load %arg7[%parallel_loop3A_432, %parallel_loop3A_433] {strides = array<i32>} : memref<64x256xf32, #tpu.memory_space<vmem>>, vector<16xf32>,
          %parallel_loop3A_435 = tpu.pack_subelements %parallel_loop3A_427, %parallel_loop3A_434 {pack_format = #tpu.pack_format<interleaved>, positions = array<i32: 0, 1>} : vector<16xf32>, vector<16xf32> -> vector<32xbf16>
          %parallel_loop3A_436 = vector.bitcast %parallel_loop3A_435 : vector<32xbf16> to vector<16xi32>
          %parallel_loop3A_437 = arith.constant 2048 : i32
          %parallel_loop3A_438 = arith.addi %parallel_loop3A_437, %parallel_loop3A_386 : i32
          %parallel_loop3A_439 = vector.broadcast %parallel_loop3A_438 : i32 to vector<16xi32>
          %parallel_loop3A_440 = arith.addi %mul3A_3, %parallel_loop3A_439 : vector<16xi32>
          tpu.vector_store_idx %arg10[%parallel_loop3A_440], %parallel_loop3A_436 : memref<16384xi32, #tpu.memory_space<vmem>>[vector<16xi32>], vector<16xi32>,
          %parallel_loop3A_441 = arith.constant 2 : i32
          %parallel_loop3A_442 = arith.muli %parallel_loop3A_441, %parallel_loop3A_94 : i32
          %parallel_loop3A_443 = arith.index_cast %parallel_loop3A_442 : i32 to index
          %parallel_loop3A_444 = arith.constant 48 : index
          %parallel_loop3A_445 = tpu.vector_load %arg7[%parallel_loop3A_443, %parallel_loop3A_444] {strides = array<i32>} : memref<64x256xf32, #tpu.memory_space<vmem>>, vector<16xf32>,
          %parallel_loop3A_446 = arith.constant 2 : i32
          %parallel_loop3A_447 = arith.muli %parallel_loop3A_446, %parallel_loop3A_94 : i32
          %parallel_loop3A_448 = arith.constant 1 : i32
          %parallel_loop3A_449 = arith.addi %parallel_loop3A_447, %parallel_loop3A_448 : i32
          %parallel_loop3A_450 = arith.index_cast %parallel_loop3A_449 : i32 to index
          %parallel_loop3A_451 = arith.constant 48 : index
          %parallel_loop3A_452 = tpu.vector_load %arg7[%parallel_loop3A_450, %parallel_loop3A_451] {strides = array<i32>} : memref<64x256xf32, #tpu.memory_space<vmem>>, vector<16xf32>,
          %parallel_loop3A_453 = tpu.pack_subelements %parallel_loop3A_445, %parallel_loop3A_452 {pack_format = #tpu.pack_format<interleaved>, positions = array<i32: 0, 1>} : vector<16xf32>, vector<16xf32> -> vector<32xbf16>
          %parallel_loop3A_454 = vector.bitcast %parallel_loop3A_453 : vector<32xbf16> to vector<16xi32>
          %parallel_loop3A_455 = arith.constant 3072 : i32
          %parallel_loop3A_456 = arith.addi %parallel_loop3A_455, %parallel_loop3A_386 : i32
          %parallel_loop3A_457 = vector.broadcast %parallel_loop3A_456 : i32 to vector<16xi32>
          %parallel_loop3A_458 = arith.addi %mul3A_3, %parallel_loop3A_457 : vector<16xi32>
          tpu.vector_store_idx %arg10[%parallel_loop3A_458], %parallel_loop3A_454 : memref<16384xi32, #tpu.memory_space<vmem>>[vector<16xi32>], vector<16xi32>,
          %parallel_loop3A_459 = arith.constant 2 : i32
          %parallel_loop3A_460 = arith.muli %parallel_loop3A_459, %parallel_loop3A_94 : i32
          %parallel_loop3A_461 = arith.index_cast %parallel_loop3A_460 : i32 to index
          %parallel_loop3A_462 = arith.constant 64 : index
          %parallel_loop3A_463 = tpu.vector_load %arg7[%parallel_loop3A_461, %parallel_loop3A_462] {strides = array<i32>} : memref<64x256xf32, #tpu.memory_space<vmem>>, vector<16xf32>,
          %parallel_loop3A_464 = arith.constant 2 : i32
          %parallel_loop3A_465 = arith.muli %parallel_loop3A_464, %parallel_loop3A_94 : i32
          %parallel_loop3A_466 = arith.constant 1 : i32
          %parallel_loop3A_467 = arith.addi %parallel_loop3A_465, %parallel_loop3A_466 : i32
          %parallel_loop3A_468 = arith.index_cast %parallel_loop3A_467 : i32 to index
          %parallel_loop3A_469 = arith.constant 64 : index
          %parallel_loop3A_470 = tpu.vector_load %arg7[%parallel_loop3A_468, %parallel_loop3A_469] {strides = array<i32>} : memref<64x256xf32, #tpu.memory_space<vmem>>, vector<16xf32>,
          %parallel_loop3A_471 = tpu.pack_subelements %parallel_loop3A_463, %parallel_loop3A_470 {pack_format = #tpu.pack_format<interleaved>, positions = array<i32: 0, 1>} : vector<16xf32>, vector<16xf32> -> vector<32xbf16>
          %parallel_loop3A_472 = vector.bitcast %parallel_loop3A_471 : vector<32xbf16> to vector<16xi32>
          %parallel_loop3A_473 = arith.constant 4096 : i32
          %parallel_loop3A_474 = arith.addi %parallel_loop3A_473, %parallel_loop3A_386 : i32
          %parallel_loop3A_475 = vector.broadcast %parallel_loop3A_474 : i32 to vector<16xi32>
          %parallel_loop3A_476 = arith.addi %mul3A_3, %parallel_loop3A_475 : vector<16xi32>
          tpu.vector_store_idx %arg10[%parallel_loop3A_476], %parallel_loop3A_472 : memref<16384xi32, #tpu.memory_space<vmem>>[vector<16xi32>], vector<16xi32>,
          %parallel_loop3A_477 = arith.constant 2 : i32
          %parallel_loop3A_478 = arith.muli %parallel_loop3A_477, %parallel_loop3A_94 : i32
          %parallel_loop3A_479 = arith.index_cast %parallel_loop3A_478 : i32 to index
          %parallel_loop3A_480 = arith.constant 80 : index
          %parallel_loop3A_481 = tpu.vector_load %arg7[%parallel_loop3A_479, %parallel_loop3A_480] {strides = array<i32>} : memref<64x256xf32, #tpu.memory_space<vmem>>, vector<16xf32>,
          %parallel_loop3A_482 = arith.constant 2 : i32
          %parallel_loop3A_483 = arith.muli %parallel_loop3A_482, %parallel_loop3A_94 : i32
          %parallel_loop3A_484 = arith.constant 1 : i32
          %parallel_loop3A_485 = arith.addi %parallel_loop3A_483, %parallel_loop3A_484 : i32
          %parallel_loop3A_486 = arith.index_cast %parallel_loop3A_485 : i32 to index
          %parallel_loop3A_487 = arith.constant 80 : index
          %parallel_loop3A_488 = tpu.vector_load %arg7[%parallel_loop3A_486, %parallel_loop3A_487] {strides = array<i32>} : memref<64x256xf32, #tpu.memory_space<vmem>>, vector<16xf32>,
          %parallel_loop3A_489 = tpu.pack_subelements %parallel_loop3A_481, %parallel_loop3A_488 {pack_format = #tpu.pack_format<interleaved>, positions = array<i32: 0, 1>} : vector<16xf32>, vector<16xf32> -> vector<32xbf16>
          %parallel_loop3A_490 = vector.bitcast %parallel_loop3A_489 : vector<32xbf16> to vector<16xi32>
          %parallel_loop3A_491 = arith.constant 5120 : i32
          %parallel_loop3A_492 = arith.addi %parallel_loop3A_491, %parallel_loop3A_386 : i32
          %parallel_loop3A_493 = vector.broadcast %parallel_loop3A_492 : i32 to vector<16xi32>
          %parallel_loop3A_494 = arith.addi %mul3A_3, %parallel_loop3A_493 : vector<16xi32>
          tpu.vector_store_idx %arg10[%parallel_loop3A_494], %parallel_loop3A_490 : memref<16384xi32, #tpu.memory_space<vmem>>[vector<16xi32>], vector<16xi32>,
          %parallel_loop3A_495 = arith.constant 2 : i32
          %parallel_loop3A_496 = arith.muli %parallel_loop3A_495, %parallel_loop3A_94 : i32
          %parallel_loop3A_497 = arith.index_cast %parallel_loop3A_496 : i32 to index
          %parallel_loop3A_498 = arith.constant 96 : index
          %parallel_loop3A_499 = tpu.vector_load %arg7[%parallel_loop3A_497, %parallel_loop3A_498] {strides = array<i32>} : memref<64x256xf32, #tpu.memory_space<vmem>>, vector<16xf32>,
          %parallel_loop3A_500 = arith.constant 2 : i32
          %parallel_loop3A_501 = arith.muli %parallel_loop3A_500, %parallel_loop3A_94 : i32
          %parallel_loop3A_502 = arith.constant 1 : i32
          %parallel_loop3A_503 = arith.addi %parallel_loop3A_501, %parallel_loop3A_502 : i32
          %parallel_loop3A_504 = arith.index_cast %parallel_loop3A_503 : i32 to index
          %parallel_loop3A_505 = arith.constant 96 : index
          %parallel_loop3A_506 = tpu.vector_load %arg7[%parallel_loop3A_504, %parallel_loop3A_505] {strides = array<i32>} : memref<64x256xf32, #tpu.memory_space<vmem>>, vector<16xf32>,
          %parallel_loop3A_507 = tpu.pack_subelements %parallel_loop3A_499, %parallel_loop3A_506 {pack_format = #tpu.pack_format<interleaved>, positions = array<i32: 0, 1>} : vector<16xf32>, vector<16xf32> -> vector<32xbf16>
          %parallel_loop3A_508 = vector.bitcast %parallel_loop3A_507 : vector<32xbf16> to vector<16xi32>
          %parallel_loop3A_509 = arith.constant 6144 : i32
          %parallel_loop3A_510 = arith.addi %parallel_loop3A_509, %parallel_loop3A_386 : i32
          %parallel_loop3A_511 = vector.broadcast %parallel_loop3A_510 : i32 to vector<16xi32>
          %parallel_loop3A_512 = arith.addi %mul3A_3, %parallel_loop3A_511 : vector<16xi32>
          tpu.vector_store_idx %arg10[%parallel_loop3A_512], %parallel_loop3A_508 : memref<16384xi32, #tpu.memory_space<vmem>>[vector<16xi32>], vector<16xi32>,
          %parallel_loop3A_513 = arith.constant 2 : i32
          %parallel_loop3A_514 = arith.muli %parallel_loop3A_513, %parallel_loop3A_94 : i32
          %parallel_loop3A_515 = arith.index_cast %parallel_loop3A_514 : i32 to index
          %parallel_loop3A_516 = arith.constant 112 : index
          %parallel_loop3A_517 = tpu.vector_load %arg7[%parallel_loop3A_515, %parallel_loop3A_516] {strides = array<i32>} : memref<64x256xf32, #tpu.memory_space<vmem>>, vector<16xf32>,
          %parallel_loop3A_518 = arith.constant 2 : i32
          %parallel_loop3A_519 = arith.muli %parallel_loop3A_518, %parallel_loop3A_94 : i32
          %parallel_loop3A_520 = arith.constant 1 : i32
          %parallel_loop3A_521 = arith.addi %parallel_loop3A_519, %parallel_loop3A_520 : i32
          %parallel_loop3A_522 = arith.index_cast %parallel_loop3A_521 : i32 to index
          %parallel_loop3A_523 = arith.constant 112 : index
          %parallel_loop3A_524 = tpu.vector_load %arg7[%parallel_loop3A_522, %parallel_loop3A_523] {strides = array<i32>} : memref<64x256xf32, #tpu.memory_space<vmem>>, vector<16xf32>,
          %parallel_loop3A_525 = tpu.pack_subelements %parallel_loop3A_517, %parallel_loop3A_524 {pack_format = #tpu.pack_format<interleaved>, positions = array<i32: 0, 1>} : vector<16xf32>, vector<16xf32> -> vector<32xbf16>
          %parallel_loop3A_526 = vector.bitcast %parallel_loop3A_525 : vector<32xbf16> to vector<16xi32>
          %parallel_loop3A_527 = arith.constant 7168 : i32
          %parallel_loop3A_528 = arith.addi %parallel_loop3A_527, %parallel_loop3A_386 : i32
          %parallel_loop3A_529 = vector.broadcast %parallel_loop3A_528 : i32 to vector<16xi32>
          %parallel_loop3A_530 = arith.addi %mul3A_3, %parallel_loop3A_529 : vector<16xi32>
          tpu.vector_store_idx %arg10[%parallel_loop3A_530], %parallel_loop3A_526 : memref<16384xi32, #tpu.memory_space<vmem>>[vector<16xi32>], vector<16xi32>,
          %parallel_loop3A_531 = arith.constant 2 : i32
          %parallel_loop3A_532 = arith.muli %parallel_loop3A_531, %parallel_loop3A_94 : i32
          %parallel_loop3A_533 = arith.index_cast %parallel_loop3A_532 : i32 to index
          %parallel_loop3A_534 = arith.constant 128 : index
          %parallel_loop3A_535 = tpu.vector_load %arg7[%parallel_loop3A_533, %parallel_loop3A_534] {strides = array<i32>} : memref<64x256xf32, #tpu.memory_space<vmem>>, vector<16xf32>,
          %parallel_loop3A_536 = arith.constant 2 : i32
          %parallel_loop3A_537 = arith.muli %parallel_loop3A_536, %parallel_loop3A_94 : i32
          %parallel_loop3A_538 = arith.constant 1 : i32
          %parallel_loop3A_539 = arith.addi %parallel_loop3A_537, %parallel_loop3A_538 : i32
          %parallel_loop3A_540 = arith.index_cast %parallel_loop3A_539 : i32 to index
          %parallel_loop3A_541 = arith.constant 128 : index
          %parallel_loop3A_542 = tpu.vector_load %arg7[%parallel_loop3A_540, %parallel_loop3A_541] {strides = array<i32>} : memref<64x256xf32, #tpu.memory_space<vmem>>, vector<16xf32>,
          %parallel_loop3A_543 = tpu.pack_subelements %parallel_loop3A_535, %parallel_loop3A_542 {pack_format = #tpu.pack_format<interleaved>, positions = array<i32: 0, 1>} : vector<16xf32>, vector<16xf32> -> vector<32xbf16>
          %parallel_loop3A_544 = vector.bitcast %parallel_loop3A_543 : vector<32xbf16> to vector<16xi32>
          %parallel_loop3A_545 = arith.constant 8192 : i32
          %parallel_loop3A_546 = arith.addi %parallel_loop3A_545, %parallel_loop3A_386 : i32
          %parallel_loop3A_547 = vector.broadcast %parallel_loop3A_546 : i32 to vector<16xi32>
          %parallel_loop3A_548 = arith.addi %mul3A_3, %parallel_loop3A_547 : vector<16xi32>
          tpu.vector_store_idx %arg10[%parallel_loop3A_548], %parallel_loop3A_544 : memref<16384xi32, #tpu.memory_space<vmem>>[vector<16xi32>], vector<16xi32>,
          %parallel_loop3A_549 = arith.constant 2 : i32
          %parallel_loop3A_550 = arith.muli %parallel_loop3A_549, %parallel_loop3A_94 : i32
          %parallel_loop3A_551 = arith.index_cast %parallel_loop3A_550 : i32 to index
          %parallel_loop3A_552 = arith.constant 144 : index
          %parallel_loop3A_553 = tpu.vector_load %arg7[%parallel_loop3A_551, %parallel_loop3A_552] {strides = array<i32>} : memref<64x256xf32, #tpu.memory_space<vmem>>, vector<16xf32>,
          %parallel_loop3A_554 = arith.constant 2 : i32
          %parallel_loop3A_555 = arith.muli %parallel_loop3A_554, %parallel_loop3A_94 : i32
          %parallel_loop3A_556 = arith.constant 1 : i32
          %parallel_loop3A_557 = arith.addi %parallel_loop3A_555, %parallel_loop3A_556 : i32
          %parallel_loop3A_558 = arith.index_cast %parallel_loop3A_557 : i32 to index
          %parallel_loop3A_559 = arith.constant 144 : index
          %parallel_loop3A_560 = tpu.vector_load %arg7[%parallel_loop3A_558, %parallel_loop3A_559] {strides = array<i32>} : memref<64x256xf32, #tpu.memory_space<vmem>>, vector<16xf32>,
          %parallel_loop3A_561 = tpu.pack_subelements %parallel_loop3A_553, %parallel_loop3A_560 {pack_format = #tpu.pack_format<interleaved>, positions = array<i32: 0, 1>} : vector<16xf32>, vector<16xf32> -> vector<32xbf16>
          %parallel_loop3A_562 = vector.bitcast %parallel_loop3A_561 : vector<32xbf16> to vector<16xi32>
          %parallel_loop3A_563 = arith.constant 9216 : i32
          %parallel_loop3A_564 = arith.addi %parallel_loop3A_563, %parallel_loop3A_386 : i32
          %parallel_loop3A_565 = vector.broadcast %parallel_loop3A_564 : i32 to vector<16xi32>
          %parallel_loop3A_566 = arith.addi %mul3A_3, %parallel_loop3A_565 : vector<16xi32>
          tpu.vector_store_idx %arg10[%parallel_loop3A_566], %parallel_loop3A_562 : memref<16384xi32, #tpu.memory_space<vmem>>[vector<16xi32>], vector<16xi32>,
          %parallel_loop3A_567 = arith.constant 2 : i32
          %parallel_loop3A_568 = arith.muli %parallel_loop3A_567, %parallel_loop3A_94 : i32
          %parallel_loop3A_569 = arith.index_cast %parallel_loop3A_568 : i32 to index
          %parallel_loop3A_570 = arith.constant 160 : index
          %parallel_loop3A_571 = tpu.vector_load %arg7[%parallel_loop3A_569, %parallel_loop3A_570] {strides = array<i32>} : memref<64x256xf32, #tpu.memory_space<vmem>>, vector<16xf32>,
          %parallel_loop3A_572 = arith.constant 2 : i32
          %parallel_loop3A_573 = arith.muli %parallel_loop3A_572, %parallel_loop3A_94 : i32
          %parallel_loop3A_574 = arith.constant 1 : i32
          %parallel_loop3A_575 = arith.addi %parallel_loop3A_573, %parallel_loop3A_574 : i32
          %parallel_loop3A_576 = arith.index_cast %parallel_loop3A_575 : i32 to index
          %parallel_loop3A_577 = arith.constant 160 : index
          %parallel_loop3A_578 = tpu.vector_load %arg7[%parallel_loop3A_576, %parallel_loop3A_577] {strides = array<i32>} : memref<64x256xf32, #tpu.memory_space<vmem>>, vector<16xf32>,
          %parallel_loop3A_579 = tpu.pack_subelements %parallel_loop3A_571, %parallel_loop3A_578 {pack_format = #tpu.pack_format<interleaved>, positions = array<i32: 0, 1>} : vector<16xf32>, vector<16xf32> -> vector<32xbf16>
          %parallel_loop3A_580 = vector.bitcast %parallel_loop3A_579 : vector<32xbf16> to vector<16xi32>
          %parallel_loop3A_581 = arith.constant 10240 : i32
          %parallel_loop3A_582 = arith.addi %parallel_loop3A_581, %parallel_loop3A_386 : i32
          %parallel_loop3A_583 = vector.broadcast %parallel_loop3A_582 : i32 to vector<16xi32>
          %parallel_loop3A_584 = arith.addi %mul3A_3, %parallel_loop3A_583 : vector<16xi32>
          tpu.vector_store_idx %arg10[%parallel_loop3A_584], %parallel_loop3A_580 : memref<16384xi32, #tpu.memory_space<vmem>>[vector<16xi32>], vector<16xi32>,
          %parallel_loop3A_585 = arith.constant 2 : i32
          %parallel_loop3A_586 = arith.muli %parallel_loop3A_585, %parallel_loop3A_94 : i32
          %parallel_loop3A_587 = arith.index_cast %parallel_loop3A_586 : i32 to index
          %parallel_loop3A_588 = arith.constant 176 : index
          %parallel_loop3A_589 = tpu.vector_load %arg7[%parallel_loop3A_587, %parallel_loop3A_588] {strides = array<i32>} : memref<64x256xf32, #tpu.memory_space<vmem>>, vector<16xf32>,
          %parallel_loop3A_590 = arith.constant 2 : i32
          %parallel_loop3A_591 = arith.muli %parallel_loop3A_590, %parallel_loop3A_94 : i32
          %parallel_loop3A_592 = arith.constant 1 : i32
          %parallel_loop3A_593 = arith.addi %parallel_loop3A_591, %parallel_loop3A_592 : i32
          %parallel_loop3A_594 = arith.index_cast %parallel_loop3A_593 : i32 to index
          %parallel_loop3A_595 = arith.constant 176 : index
          %parallel_loop3A_596 = tpu.vector_load %arg7[%parallel_loop3A_594, %parallel_loop3A_595] {strides = array<i32>} : memref<64x256xf32, #tpu.memory_space<vmem>>, vector<16xf32>,
          %parallel_loop3A_597 = tpu.pack_subelements %parallel_loop3A_589, %parallel_loop3A_596 {pack_format = #tpu.pack_format<interleaved>, positions = array<i32: 0, 1>} : vector<16xf32>, vector<16xf32> -> vector<32xbf16>
          %parallel_loop3A_598 = vector.bitcast %parallel_loop3A_597 : vector<32xbf16> to vector<16xi32>
          %parallel_loop3A_599 = arith.constant 11264 : i32
          %parallel_loop3A_600 = arith.addi %parallel_loop3A_599, %parallel_loop3A_386 : i32
          %parallel_loop3A_601 = vector.broadcast %parallel_loop3A_600 : i32 to vector<16xi32>
          %parallel_loop3A_602 = arith.addi %mul3A_3, %parallel_loop3A_601 : vector<16xi32>
          tpu.vector_store_idx %arg10[%parallel_loop3A_602], %parallel_loop3A_598 : memref<16384xi32, #tpu.memory_space<vmem>>[vector<16xi32>], vector<16xi32>,
          %parallel_loop3A_603 = arith.constant 2 : i32
          %parallel_loop3A_604 = arith.muli %parallel_loop3A_603, %parallel_loop3A_94 : i32
          %parallel_loop3A_605 = arith.index_cast %parallel_loop3A_604 : i32 to index
          %parallel_loop3A_606 = arith.constant 192 : index
          %parallel_loop3A_607 = tpu.vector_load %arg7[%parallel_loop3A_605, %parallel_loop3A_606] {strides = array<i32>} : memref<64x256xf32, #tpu.memory_space<vmem>>, vector<16xf32>,
          %parallel_loop3A_608 = arith.constant 2 : i32
          %parallel_loop3A_609 = arith.muli %parallel_loop3A_608, %parallel_loop3A_94 : i32
          %parallel_loop3A_610 = arith.constant 1 : i32
          %parallel_loop3A_611 = arith.addi %parallel_loop3A_609, %parallel_loop3A_610 : i32
          %parallel_loop3A_612 = arith.index_cast %parallel_loop3A_611 : i32 to index
          %parallel_loop3A_613 = arith.constant 192 : index
          %parallel_loop3A_614 = tpu.vector_load %arg7[%parallel_loop3A_612, %parallel_loop3A_613] {strides = array<i32>} : memref<64x256xf32, #tpu.memory_space<vmem>>, vector<16xf32>,
          %parallel_loop3A_615 = tpu.pack_subelements %parallel_loop3A_607, %parallel_loop3A_614 {pack_format = #tpu.pack_format<interleaved>, positions = array<i32: 0, 1>} : vector<16xf32>, vector<16xf32> -> vector<32xbf16>
          %parallel_loop3A_616 = vector.bitcast %parallel_loop3A_615 : vector<32xbf16> to vector<16xi32>
          %parallel_loop3A_617 = arith.constant 12288 : i32
          %parallel_loop3A_618 = arith.addi %parallel_loop3A_617, %parallel_loop3A_386 : i32
          %parallel_loop3A_619 = vector.broadcast %parallel_loop3A_618 : i32 to vector<16xi32>
          %parallel_loop3A_620 = arith.addi %mul3A_3, %parallel_loop3A_619 : vector<16xi32>
          tpu.vector_store_idx %arg10[%parallel_loop3A_620], %parallel_loop3A_616 : memref<16384xi32, #tpu.memory_space<vmem>>[vector<16xi32>], vector<16xi32>,
          %parallel_loop3A_621 = arith.constant 2 : i32
          %parallel_loop3A_622 = arith.muli %parallel_loop3A_621, %parallel_loop3A_94 : i32
          %parallel_loop3A_623 = arith.index_cast %parallel_loop3A_622 : i32 to index
          %parallel_loop3A_624 = arith.constant 208 : index
          %parallel_loop3A_625 = tpu.vector_load %arg7[%parallel_loop3A_623, %parallel_loop3A_624] {strides = array<i32>} : memref<64x256xf32, #tpu.memory_space<vmem>>, vector<16xf32>,
          %parallel_loop3A_626 = arith.constant 2 : i32
          %parallel_loop3A_627 = arith.muli %parallel_loop3A_626, %parallel_loop3A_94 : i32
          %parallel_loop3A_628 = arith.constant 1 : i32
          %parallel_loop3A_629 = arith.addi %parallel_loop3A_627, %parallel_loop3A_628 : i32
          %parallel_loop3A_630 = arith.index_cast %parallel_loop3A_629 : i32 to index
          %parallel_loop3A_631 = arith.constant 208 : index
          %parallel_loop3A_632 = tpu.vector_load %arg7[%parallel_loop3A_630, %parallel_loop3A_631] {strides = array<i32>} : memref<64x256xf32, #tpu.memory_space<vmem>>, vector<16xf32>,
          %parallel_loop3A_633 = tpu.pack_subelements %parallel_loop3A_625, %parallel_loop3A_632 {pack_format = #tpu.pack_format<interleaved>, positions = array<i32: 0, 1>} : vector<16xf32>, vector<16xf32> -> vector<32xbf16>
          %parallel_loop3A_634 = vector.bitcast %parallel_loop3A_633 : vector<32xbf16> to vector<16xi32>
          %parallel_loop3A_635 = arith.constant 13312 : i32
          %parallel_loop3A_636 = arith.addi %parallel_loop3A_635, %parallel_loop3A_386 : i32
          %parallel_loop3A_637 = vector.broadcast %parallel_loop3A_636 : i32 to vector<16xi32>
          %parallel_loop3A_638 = arith.addi %mul3A_3, %parallel_loop3A_637 : vector<16xi32>
          tpu.vector_store_idx %arg10[%parallel_loop3A_638], %parallel_loop3A_634 : memref<16384xi32, #tpu.memory_space<vmem>>[vector<16xi32>], vector<16xi32>,
          %parallel_loop3A_639 = arith.constant 2 : i32
          %parallel_loop3A_640 = arith.muli %parallel_loop3A_639, %parallel_loop3A_94 : i32
          %parallel_loop3A_641 = arith.index_cast %parallel_loop3A_640 : i32 to index
          %parallel_loop3A_642 = arith.constant 224 : index
          %parallel_loop3A_643 = tpu.vector_load %arg7[%parallel_loop3A_641, %parallel_loop3A_642] {strides = array<i32>} : memref<64x256xf32, #tpu.memory_space<vmem>>, vector<16xf32>,
          %parallel_loop3A_644 = arith.constant 2 : i32
          %parallel_loop3A_645 = arith.muli %parallel_loop3A_644, %parallel_loop3A_94 : i32
          %parallel_loop3A_646 = arith.constant 1 : i32
          %parallel_loop3A_647 = arith.addi %parallel_loop3A_645, %parallel_loop3A_646 : i32
          %parallel_loop3A_648 = arith.index_cast %parallel_loop3A_647 : i32 to index
          %parallel_loop3A_649 = arith.constant 224 : index
          %parallel_loop3A_650 = tpu.vector_load %arg7[%parallel_loop3A_648, %parallel_loop3A_649] {strides = array<i32>} : memref<64x256xf32, #tpu.memory_space<vmem>>, vector<16xf32>,
          %parallel_loop3A_651 = tpu.pack_subelements %parallel_loop3A_643, %parallel_loop3A_650 {pack_format = #tpu.pack_format<interleaved>, positions = array<i32: 0, 1>} : vector<16xf32>, vector<16xf32> -> vector<32xbf16>
          %parallel_loop3A_652 = vector.bitcast %parallel_loop3A_651 : vector<32xbf16> to vector<16xi32>
          %parallel_loop3A_653 = arith.constant 14336 : i32
          %parallel_loop3A_654 = arith.addi %parallel_loop3A_653, %parallel_loop3A_386 : i32
          %parallel_loop3A_655 = vector.broadcast %parallel_loop3A_654 : i32 to vector<16xi32>
          %parallel_loop3A_656 = arith.addi %mul3A_3, %parallel_loop3A_655 : vector<16xi32>
          tpu.vector_store_idx %arg10[%parallel_loop3A_656], %parallel_loop3A_652 : memref<16384xi32, #tpu.memory_space<vmem>>[vector<16xi32>], vector<16xi32>,
          %parallel_loop3A_657 = arith.constant 2 : i32
          %parallel_loop3A_658 = arith.muli %parallel_loop3A_657, %parallel_loop3A_94 : i32
          %parallel_loop3A_659 = arith.index_cast %parallel_loop3A_658 : i32 to index
          %parallel_loop3A_660 = arith.constant 240 : index
          %parallel_loop3A_661 = tpu.vector_load %arg7[%parallel_loop3A_659, %parallel_loop3A_660] {strides = array<i32>} : memref<64x256xf32, #tpu.memory_space<vmem>>, vector<16xf32>,
          %parallel_loop3A_662 = arith.constant 2 : i32
          %parallel_loop3A_663 = arith.muli %parallel_loop3A_662, %parallel_loop3A_94 : i32
          %parallel_loop3A_664 = arith.constant 1 : i32
          %parallel_loop3A_665 = arith.addi %parallel_loop3A_663, %parallel_loop3A_664 : i32
          %parallel_loop3A_666 = arith.index_cast %parallel_loop3A_665 : i32 to index
          %parallel_loop3A_667 = arith.constant 240 : index
          %parallel_loop3A_668 = tpu.vector_load %arg7[%parallel_loop3A_666, %parallel_loop3A_667] {strides = array<i32>} : memref<64x256xf32, #tpu.memory_space<vmem>>, vector<16xf32>,
          %parallel_loop3A_669 = tpu.pack_subelements %parallel_loop3A_661, %parallel_loop3A_668 {pack_format = #tpu.pack_format<interleaved>, positions = array<i32: 0, 1>} : vector<16xf32>, vector<16xf32> -> vector<32xbf16>
          %parallel_loop3A_670 = vector.bitcast %parallel_loop3A_669 : vector<32xbf16> to vector<16xi32>
          %parallel_loop3A_671 = arith.constant 15360 : i32
          %parallel_loop3A_672 = arith.addi %parallel_loop3A_671, %parallel_loop3A_386 : i32
          %parallel_loop3A_673 = vector.broadcast %parallel_loop3A_672 : i32 to vector<16xi32>
          %parallel_loop3A_674 = arith.addi %mul3A_3, %parallel_loop3A_673 : vector<16xi32>
          tpu.vector_store_idx %arg10[%parallel_loop3A_674], %parallel_loop3A_670 : memref<16384xi32, #tpu.memory_space<vmem>>[vector<16xi32>], vector<16xi32>,
        } {sc.loop_unroll_factor = 4 : i64, sc.parallel_access}
        %mul3A_91 = arith.constant 64 : i32
        %mul3A_92 = arith.muli %multiple_of3A, %mul3A_91 : i32
        %dma_start3A = tpu.memref_slice %arg5[%mul3A_92] : memref<64000000xi32, #tpu.memory_space<hbm>> -> memref<16384xi32, #tpu.memory_space<hbm>>
        %dma_start3A_93 = tpu.memref_slice %arg5[%mul3A_92] : memref<64000000xi32, #tpu.memory_space<hbm>> -> memref<16384xi32, #tpu.memory_space<hbm>>
        tpu.enqueue_dma source(%arg10 : memref<16384xi32, #tpu.memory_space<vmem>>) target(%dma_start3A_93 : memref<16384xi32, #tpu.memory_space<hbm>>) target_semaphore(%arg14 : memref<!tpu.dma_semaphore, #tpu.memory_space<semaphore_mem>>)
      } else {
      }
      %mul3A_50 = arith.constant 2 : i32
      %mul3A_51 = arith.muli %mul3A_50, %scan3A_15 : i32
      %add3A_52 = arith.constant 1 : i32
      %add3A_53 = arith.addi %mul3A_51, %add3A_52 : i32
      %mul3A_54 = arith.constant 32 : i32
      %mul3A_55 = arith.muli %add3A_53, %mul3A_54 : i32
      %add3A_56 = arith.addi %add3A, %mul3A_55 : i32
      %add3A_57 = arith.constant 1 : i32
      %add3A_58 = arith.addi %add3A_53, %add3A_57 : i32
      %mul3A_59 = arith.constant 32 : i32
      %mul3A_60 = arith.muli %add3A_58, %mul3A_59 : i32
      %add3A_61 = arith.addi %add3A, %mul3A_60 : i32
      %ge3A_62 = arith.constant 2 : i32
      %ge3A_63 = arith.cmpi sge, %add3A_53, %ge3A_62 : i32
      %sub3A_64 = arith.constant 64 : i32
      %sub3A_65 = arith.subi %add3A_56, %sub3A_64 : i32
      %lt3A_66 = arith.constant 3906 : i32
      %lt3A_67 = arith.cmpi slt, %sub3A_65, %lt3A_66 : i32
      %and3A_68 = arith.andi %ge3A_63, %lt3A_67 : i1
      %convert_element_type3A_69 = arith.extui %and3A_68 : i1 to i32
      %cond3A_70 = arith.constant 0 : i32
      %cond3A_71 = arith.cmpi ne, %convert_element_type3A_69, %cond3A_70 : i32
      scf.if %cond3A_71 {
        %dma_wait3A = arith.constant 0 : i32
        %dma_wait3A_87 = tpu.memref_slice %arg5[%dma_wait3A] : memref<64000000xi32, #tpu.memory_space<hbm>> -> memref<16384xi32, #tpu.memory_space<hbm>>
        %dma_wait3A_88 = arith.constant 0 : i32
        %dma_wait3A_89 = tpu.memref_slice %arg5[%dma_wait3A_88] : memref<64000000xi32, #tpu.memory_space<hbm>> -> memref<16384xi32, #tpu.memory_space<hbm>>
        tpu.wait_dma2 semaphore(%arg15 : memref<!tpu.dma_semaphore, #tpu.memory_space<semaphore_mem>>) src(%arg11 : memref<16384xi32, #tpu.memory_space<vmem>>) dst(%dma_wait3A_89 : memref<16384xi32, #tpu.memory_space<hbm>>)
      } else {
      }
      %lt3A_72 = arith.constant 3906 : i32
      %lt3A_73 = arith.cmpi slt, %add3A_56, %lt3A_72 : i32
      %convert_element_type3A_74 = arith.extui %lt3A_73 : i1 to i32
      %cond3A_75 = arith.constant 0 : i32
      %cond3A_76 = arith.cmpi ne, %convert_element_type3A_74, %cond3A_75 : i32
      scf.if %cond3A_76 {
        %dma_wait3A = arith.constant 0 : i32
        %dma_wait3A_87 = arith.constant 0 : i32
        %dma_wait3A_88 = tpu.memref_slice %arg2[%dma_wait3A, %dma_wait3A_87] : memref<64x1000000xf32, #tpu.memory_space<hbm>> -> memref<64x256xf32, #tpu.memory_space<hbm>>
        %dma_wait3A_89 = arith.constant 0 : i32
        %dma_wait3A_90 = arith.constant 0 : i32
        %dma_wait3A_91 = tpu.memref_slice %arg2[%dma_wait3A_89, %dma_wait3A_90] : memref<64x1000000xf32, #tpu.memory_space<hbm>> -> memref<64x256xf32, #tpu.memory_space<hbm>>
        tpu.wait_dma2 semaphore(%arg13 : memref<!tpu.dma_semaphore, #tpu.memory_space<semaphore_mem>>) src(%dma_wait3A_91 : memref<64x256xf32, #tpu.memory_space<hbm>>) dst(%arg8 : memref<64x256xf32, #tpu.memory_space<vmem>>)
        %dma_wait3A_92 = arith.constant 0 : i32
        %dma_wait3A_93 = arith.constant 0 : i32
        %dma_wait3A_94 = tpu.memref_slice %arg3[%dma_wait3A_92, %dma_wait3A_93] : memref<64x1000000xf32, #tpu.memory_space<hbm>> -> memref<64x256xf32, #tpu.memory_space<hbm>>
        %dma_wait3A_95 = arith.constant 0 : i32
        %dma_wait3A_96 = arith.constant 0 : i32
        %dma_wait3A_97 = tpu.memref_slice %arg3[%dma_wait3A_95, %dma_wait3A_96] : memref<64x1000000xf32, #tpu.memory_space<hbm>> -> memref<64x256xf32, #tpu.memory_space<hbm>>
        tpu.wait_dma2 semaphore(%arg13 : memref<!tpu.dma_semaphore, #tpu.memory_space<semaphore_mem>>) src(%dma_wait3A_97 : memref<64x256xf32, #tpu.memory_space<hbm>>) dst(%arg9 : memref<64x256xf32, #tpu.memory_space<vmem>>)
      } else {
      }
      %lt3A_77 = arith.constant 3906 : i32
      %lt3A_78 = arith.cmpi slt, %add3A_61, %lt3A_77 : i32
      %convert_element_type3A_79 = arith.extui %lt3A_78 : i1 to i32
      %cond3A_80 = arith.constant 0 : i32
      %cond3A_81 = arith.cmpi ne, %convert_element_type3A_79, %cond3A_80 : i32
      scf.if %cond3A_81 {
        %mul3A_87 = arith.constant 256 : i32
        %mul3A_88 = arith.muli %add3A_61, %mul3A_87 : i32
        %multiple_of3A = tpu.assume_multiple %mul3A_88, 256 : i32
        %dma_start3A = arith.constant 0 : i32
        %dma_start3A_89 = tpu.memref_slice %arg2[%dma_start3A, %multiple_of3A] : memref<64x1000000xf32, #tpu.memory_space<hbm>> -> memref<64x256xf32, #tpu.memory_space<hbm>>
        %dma_start3A_90 = arith.constant 0 : i32
        %dma_start3A_91 = tpu.memref_slice %arg2[%dma_start3A_90, %multiple_of3A] : memref<64x1000000xf32, #tpu.memory_space<hbm>> -> memref<64x256xf32, #tpu.memory_space<hbm>>
        tpu.enqueue_dma source(%dma_start3A_91 : memref<64x256xf32, #tpu.memory_space<hbm>>) target(%arg6 : memref<64x256xf32, #tpu.memory_space<vmem>>) target_semaphore(%arg12 : memref<!tpu.dma_semaphore, #tpu.memory_space<semaphore_mem>>)
        %dma_start3A_92 = arith.constant 0 : i32
        %dma_start3A_93 = tpu.memref_slice %arg3[%dma_start3A_92, %multiple_of3A] : memref<64x1000000xf32, #tpu.memory_space<hbm>> -> memref<64x256xf32, #tpu.memory_space<hbm>>
        %dma_start3A_94 = arith.constant 0 : i32
        %dma_start3A_95 = tpu.memref_slice %arg3[%dma_start3A_94, %multiple_of3A] : memref<64x1000000xf32, #tpu.memory_space<hbm>> -> memref<64x256xf32, #tpu.memory_space<hbm>>
        tpu.enqueue_dma source(%dma_start3A_95 : memref<64x256xf32, #tpu.memory_space<hbm>>) target(%arg7 : memref<64x256xf32, #tpu.memory_space<vmem>>) target_semaphore(%arg12 : memref<!tpu.dma_semaphore, #tpu.memory_space<semaphore_mem>>)
      } else {
      }
      %lt3A_82 = arith.constant 3906 : i32
      %lt3A_83 = arith.cmpi slt, %add3A_56, %lt3A_82 : i32
      %convert_element_type3A_84 = arith.extui %lt3A_83 : i1 to i32
      %cond3A_85 = arith.constant 0 : i32
      %cond3A_86 = arith.cmpi ne, %convert_element_type3A_84, %cond3A_85 : i32
      scf.if %cond3A_86 {
        %mul3A_87 = arith.constant 256 : i32
        %mul3A_88 = arith.muli %add3A_56, %mul3A_87 : i32
        %multiple_of3A = tpu.assume_multiple %mul3A_88, 256 : i32
        %parallel_loop3A = arith.constant 0 : i32
        %parallel_loop3A_89 = arith.constant 32 : i32
        %parallel_loop3A_90 = arith.constant 1 : i32
        scf.for %parallel_loop3A_94 = %parallel_loop3A to %parallel_loop3A_89 step %parallel_loop3A_90  : i32 {
          %parallel_loop3A_95 = arith.constant 0 : i32
          %parallel_loop3A_96 = arith.addi %parallel_loop3A_95, %parallel_loop3A_94 : i32
          %parallel_loop3A_97 = arith.constant 2 : i32
          %parallel_loop3A_98 = arith.muli %parallel_loop3A_97, %parallel_loop3A_94 : i32
          %parallel_loop3A_99 = arith.index_cast %parallel_loop3A_98 : i32 to index
          %parallel_loop3A_100 = arith.constant 0 : index
          %parallel_loop3A_101 = tpu.vector_load %arg8[%parallel_loop3A_99, %parallel_loop3A_100] {strides = array<i32>} : memref<64x256xf32, #tpu.memory_space<vmem>>, vector<16xf32>,
          %parallel_loop3A_102 = arith.constant 2 : i32
          %parallel_loop3A_103 = arith.muli %parallel_loop3A_102, %parallel_loop3A_94 : i32
          %parallel_loop3A_104 = arith.constant 1 : i32
          %parallel_loop3A_105 = arith.addi %parallel_loop3A_103, %parallel_loop3A_104 : i32
          %parallel_loop3A_106 = arith.index_cast %parallel_loop3A_105 : i32 to index
          %parallel_loop3A_107 = arith.constant 0 : index
          %parallel_loop3A_108 = tpu.vector_load %arg8[%parallel_loop3A_106, %parallel_loop3A_107] {strides = array<i32>} : memref<64x256xf32, #tpu.memory_space<vmem>>, vector<16xf32>,
          %parallel_loop3A_109 = tpu.pack_subelements %parallel_loop3A_101, %parallel_loop3A_108 {pack_format = #tpu.pack_format<interleaved>, positions = array<i32: 0, 1>} : vector<16xf32>, vector<16xf32> -> vector<32xbf16>
          %parallel_loop3A_110 = vector.bitcast %parallel_loop3A_109 : vector<32xbf16> to vector<16xi32>
          %parallel_loop3A_111 = arith.constant 0 : i32
          %parallel_loop3A_112 = arith.addi %parallel_loop3A_111, %parallel_loop3A_96 : i32
          %parallel_loop3A_113 = vector.broadcast %parallel_loop3A_112 : i32 to vector<16xi32>
          %parallel_loop3A_114 = arith.addi %mul3A_3, %parallel_loop3A_113 : vector<16xi32>
          tpu.vector_store_idx %arg11[%parallel_loop3A_114], %parallel_loop3A_110 : memref<16384xi32, #tpu.memory_space<vmem>>[vector<16xi32>], vector<16xi32>,
          %parallel_loop3A_115 = arith.constant 2 : i32
          %parallel_loop3A_116 = arith.muli %parallel_loop3A_115, %parallel_loop3A_94 : i32
          %parallel_loop3A_117 = arith.index_cast %parallel_loop3A_116 : i32 to index
          %parallel_loop3A_118 = arith.constant 16 : index
          %parallel_loop3A_119 = tpu.vector_load %arg8[%parallel_loop3A_117, %parallel_loop3A_118] {strides = array<i32>} : memref<64x256xf32, #tpu.memory_space<vmem>>, vector<16xf32>,
          %parallel_loop3A_120 = arith.constant 2 : i32
          %parallel_loop3A_121 = arith.muli %parallel_loop3A_120, %parallel_loop3A_94 : i32
          %parallel_loop3A_122 = arith.constant 1 : i32
          %parallel_loop3A_123 = arith.addi %parallel_loop3A_121, %parallel_loop3A_122 : i32
          %parallel_loop3A_124 = arith.index_cast %parallel_loop3A_123 : i32 to index
          %parallel_loop3A_125 = arith.constant 16 : index
          %parallel_loop3A_126 = tpu.vector_load %arg8[%parallel_loop3A_124, %parallel_loop3A_125] {strides = array<i32>} : memref<64x256xf32, #tpu.memory_space<vmem>>, vector<16xf32>,
          %parallel_loop3A_127 = tpu.pack_subelements %parallel_loop3A_119, %parallel_loop3A_126 {pack_format = #tpu.pack_format<interleaved>, positions = array<i32: 0, 1>} : vector<16xf32>, vector<16xf32> -> vector<32xbf16>
          %parallel_loop3A_128 = vector.bitcast %parallel_loop3A_127 : vector<32xbf16> to vector<16xi32>
          %parallel_loop3A_129 = arith.constant 1024 : i32
          %parallel_loop3A_130 = arith.addi %parallel_loop3A_129, %parallel_loop3A_96 : i32
          %parallel_loop3A_131 = vector.broadcast %parallel_loop3A_130 : i32 to vector<16xi32>
          %parallel_loop3A_132 = arith.addi %mul3A_3, %parallel_loop3A_131 : vector<16xi32>
          tpu.vector_store_idx %arg11[%parallel_loop3A_132], %parallel_loop3A_128 : memref<16384xi32, #tpu.memory_space<vmem>>[vector<16xi32>], vector<16xi32>,
          %parallel_loop3A_133 = arith.constant 2 : i32
          %parallel_loop3A_134 = arith.muli %parallel_loop3A_133, %parallel_loop3A_94 : i32
          %parallel_loop3A_135 = arith.index_cast %parallel_loop3A_134 : i32 to index
          %parallel_loop3A_136 = arith.constant 32 : index
          %parallel_loop3A_137 = tpu.vector_load %arg8[%parallel_loop3A_135, %parallel_loop3A_136] {strides = array<i32>} : memref<64x256xf32, #tpu.memory_space<vmem>>, vector<16xf32>,
          %parallel_loop3A_138 = arith.constant 2 : i32
          %parallel_loop3A_139 = arith.muli %parallel_loop3A_138, %parallel_loop3A_94 : i32
          %parallel_loop3A_140 = arith.constant 1 : i32
          %parallel_loop3A_141 = arith.addi %parallel_loop3A_139, %parallel_loop3A_140 : i32
          %parallel_loop3A_142 = arith.index_cast %parallel_loop3A_141 : i32 to index
          %parallel_loop3A_143 = arith.constant 32 : index
          %parallel_loop3A_144 = tpu.vector_load %arg8[%parallel_loop3A_142, %parallel_loop3A_143] {strides = array<i32>} : memref<64x256xf32, #tpu.memory_space<vmem>>, vector<16xf32>,
          %parallel_loop3A_145 = tpu.pack_subelements %parallel_loop3A_137, %parallel_loop3A_144 {pack_format = #tpu.pack_format<interleaved>, positions = array<i32: 0, 1>} : vector<16xf32>, vector<16xf32> -> vector<32xbf16>
          %parallel_loop3A_146 = vector.bitcast %parallel_loop3A_145 : vector<32xbf16> to vector<16xi32>
          %parallel_loop3A_147 = arith.constant 2048 : i32
          %parallel_loop3A_148 = arith.addi %parallel_loop3A_147, %parallel_loop3A_96 : i32
          %parallel_loop3A_149 = vector.broadcast %parallel_loop3A_148 : i32 to vector<16xi32>
          %parallel_loop3A_150 = arith.addi %mul3A_3, %parallel_loop3A_149 : vector<16xi32>
          tpu.vector_store_idx %arg11[%parallel_loop3A_150], %parallel_loop3A_146 : memref<16384xi32, #tpu.memory_space<vmem>>[vector<16xi32>], vector<16xi32>,
          %parallel_loop3A_151 = arith.constant 2 : i32
          %parallel_loop3A_152 = arith.muli %parallel_loop3A_151, %parallel_loop3A_94 : i32
          %parallel_loop3A_153 = arith.index_cast %parallel_loop3A_152 : i32 to index
          %parallel_loop3A_154 = arith.constant 48 : index
          %parallel_loop3A_155 = tpu.vector_load %arg8[%parallel_loop3A_153, %parallel_loop3A_154] {strides = array<i32>} : memref<64x256xf32, #tpu.memory_space<vmem>>, vector<16xf32>,
          %parallel_loop3A_156 = arith.constant 2 : i32
          %parallel_loop3A_157 = arith.muli %parallel_loop3A_156, %parallel_loop3A_94 : i32
          %parallel_loop3A_158 = arith.constant 1 : i32
          %parallel_loop3A_159 = arith.addi %parallel_loop3A_157, %parallel_loop3A_158 : i32
          %parallel_loop3A_160 = arith.index_cast %parallel_loop3A_159 : i32 to index
          %parallel_loop3A_161 = arith.constant 48 : index
          %parallel_loop3A_162 = tpu.vector_load %arg8[%parallel_loop3A_160, %parallel_loop3A_161] {strides = array<i32>} : memref<64x256xf32, #tpu.memory_space<vmem>>, vector<16xf32>,
          %parallel_loop3A_163 = tpu.pack_subelements %parallel_loop3A_155, %parallel_loop3A_162 {pack_format = #tpu.pack_format<interleaved>, positions = array<i32: 0, 1>} : vector<16xf32>, vector<16xf32> -> vector<32xbf16>
          %parallel_loop3A_164 = vector.bitcast %parallel_loop3A_163 : vector<32xbf16> to vector<16xi32>
          %parallel_loop3A_165 = arith.constant 3072 : i32
          %parallel_loop3A_166 = arith.addi %parallel_loop3A_165, %parallel_loop3A_96 : i32
          %parallel_loop3A_167 = vector.broadcast %parallel_loop3A_166 : i32 to vector<16xi32>
          %parallel_loop3A_168 = arith.addi %mul3A_3, %parallel_loop3A_167 : vector<16xi32>
          tpu.vector_store_idx %arg11[%parallel_loop3A_168], %parallel_loop3A_164 : memref<16384xi32, #tpu.memory_space<vmem>>[vector<16xi32>], vector<16xi32>,
          %parallel_loop3A_169 = arith.constant 2 : i32
          %parallel_loop3A_170 = arith.muli %parallel_loop3A_169, %parallel_loop3A_94 : i32
          %parallel_loop3A_171 = arith.index_cast %parallel_loop3A_170 : i32 to index
          %parallel_loop3A_172 = arith.constant 64 : index
          %parallel_loop3A_173 = tpu.vector_load %arg8[%parallel_loop3A_171, %parallel_loop3A_172] {strides = array<i32>} : memref<64x256xf32, #tpu.memory_space<vmem>>, vector<16xf32>,
          %parallel_loop3A_174 = arith.constant 2 : i32
          %parallel_loop3A_175 = arith.muli %parallel_loop3A_174, %parallel_loop3A_94 : i32
          %parallel_loop3A_176 = arith.constant 1 : i32
          %parallel_loop3A_177 = arith.addi %parallel_loop3A_175, %parallel_loop3A_176 : i32
          %parallel_loop3A_178 = arith.index_cast %parallel_loop3A_177 : i32 to index
          %parallel_loop3A_179 = arith.constant 64 : index
          %parallel_loop3A_180 = tpu.vector_load %arg8[%parallel_loop3A_178, %parallel_loop3A_179] {strides = array<i32>} : memref<64x256xf32, #tpu.memory_space<vmem>>, vector<16xf32>,
          %parallel_loop3A_181 = tpu.pack_subelements %parallel_loop3A_173, %parallel_loop3A_180 {pack_format = #tpu.pack_format<interleaved>, positions = array<i32: 0, 1>} : vector<16xf32>, vector<16xf32> -> vector<32xbf16>
          %parallel_loop3A_182 = vector.bitcast %parallel_loop3A_181 : vector<32xbf16> to vector<16xi32>
          %parallel_loop3A_183 = arith.constant 4096 : i32
          %parallel_loop3A_184 = arith.addi %parallel_loop3A_183, %parallel_loop3A_96 : i32
          %parallel_loop3A_185 = vector.broadcast %parallel_loop3A_184 : i32 to vector<16xi32>
          %parallel_loop3A_186 = arith.addi %mul3A_3, %parallel_loop3A_185 : vector<16xi32>
          tpu.vector_store_idx %arg11[%parallel_loop3A_186], %parallel_loop3A_182 : memref<16384xi32, #tpu.memory_space<vmem>>[vector<16xi32>], vector<16xi32>,
          %parallel_loop3A_187 = arith.constant 2 : i32
          %parallel_loop3A_188 = arith.muli %parallel_loop3A_187, %parallel_loop3A_94 : i32
          %parallel_loop3A_189 = arith.index_cast %parallel_loop3A_188 : i32 to index
          %parallel_loop3A_190 = arith.constant 80 : index
          %parallel_loop3A_191 = tpu.vector_load %arg8[%parallel_loop3A_189, %parallel_loop3A_190] {strides = array<i32>} : memref<64x256xf32, #tpu.memory_space<vmem>>, vector<16xf32>,
          %parallel_loop3A_192 = arith.constant 2 : i32
          %parallel_loop3A_193 = arith.muli %parallel_loop3A_192, %parallel_loop3A_94 : i32
          %parallel_loop3A_194 = arith.constant 1 : i32
          %parallel_loop3A_195 = arith.addi %parallel_loop3A_193, %parallel_loop3A_194 : i32
          %parallel_loop3A_196 = arith.index_cast %parallel_loop3A_195 : i32 to index
          %parallel_loop3A_197 = arith.constant 80 : index
          %parallel_loop3A_198 = tpu.vector_load %arg8[%parallel_loop3A_196, %parallel_loop3A_197] {strides = array<i32>} : memref<64x256xf32, #tpu.memory_space<vmem>>, vector<16xf32>,
          %parallel_loop3A_199 = tpu.pack_subelements %parallel_loop3A_191, %parallel_loop3A_198 {pack_format = #tpu.pack_format<interleaved>, positions = array<i32: 0, 1>} : vector<16xf32>, vector<16xf32> -> vector<32xbf16>
          %parallel_loop3A_200 = vector.bitcast %parallel_loop3A_199 : vector<32xbf16> to vector<16xi32>
          %parallel_loop3A_201 = arith.constant 5120 : i32
          %parallel_loop3A_202 = arith.addi %parallel_loop3A_201, %parallel_loop3A_96 : i32
          %parallel_loop3A_203 = vector.broadcast %parallel_loop3A_202 : i32 to vector<16xi32>
          %parallel_loop3A_204 = arith.addi %mul3A_3, %parallel_loop3A_203 : vector<16xi32>
          tpu.vector_store_idx %arg11[%parallel_loop3A_204], %parallel_loop3A_200 : memref<16384xi32, #tpu.memory_space<vmem>>[vector<16xi32>], vector<16xi32>,
          %parallel_loop3A_205 = arith.constant 2 : i32
          %parallel_loop3A_206 = arith.muli %parallel_loop3A_205, %parallel_loop3A_94 : i32
          %parallel_loop3A_207 = arith.index_cast %parallel_loop3A_206 : i32 to index
          %parallel_loop3A_208 = arith.constant 96 : index
          %parallel_loop3A_209 = tpu.vector_load %arg8[%parallel_loop3A_207, %parallel_loop3A_208] {strides = array<i32>} : memref<64x256xf32, #tpu.memory_space<vmem>>, vector<16xf32>,
          %parallel_loop3A_210 = arith.constant 2 : i32
          %parallel_loop3A_211 = arith.muli %parallel_loop3A_210, %parallel_loop3A_94 : i32
          %parallel_loop3A_212 = arith.constant 1 : i32
          %parallel_loop3A_213 = arith.addi %parallel_loop3A_211, %parallel_loop3A_212 : i32
          %parallel_loop3A_214 = arith.index_cast %parallel_loop3A_213 : i32 to index
          %parallel_loop3A_215 = arith.constant 96 : index
          %parallel_loop3A_216 = tpu.vector_load %arg8[%parallel_loop3A_214, %parallel_loop3A_215] {strides = array<i32>} : memref<64x256xf32, #tpu.memory_space<vmem>>, vector<16xf32>,
          %parallel_loop3A_217 = tpu.pack_subelements %parallel_loop3A_209, %parallel_loop3A_216 {pack_format = #tpu.pack_format<interleaved>, positions = array<i32: 0, 1>} : vector<16xf32>, vector<16xf32> -> vector<32xbf16>
          %parallel_loop3A_218 = vector.bitcast %parallel_loop3A_217 : vector<32xbf16> to vector<16xi32>
          %parallel_loop3A_219 = arith.constant 6144 : i32
          %parallel_loop3A_220 = arith.addi %parallel_loop3A_219, %parallel_loop3A_96 : i32
          %parallel_loop3A_221 = vector.broadcast %parallel_loop3A_220 : i32 to vector<16xi32>
          %parallel_loop3A_222 = arith.addi %mul3A_3, %parallel_loop3A_221 : vector<16xi32>
          tpu.vector_store_idx %arg11[%parallel_loop3A_222], %parallel_loop3A_218 : memref<16384xi32, #tpu.memory_space<vmem>>[vector<16xi32>], vector<16xi32>,
          %parallel_loop3A_223 = arith.constant 2 : i32
          %parallel_loop3A_224 = arith.muli %parallel_loop3A_223, %parallel_loop3A_94 : i32
          %parallel_loop3A_225 = arith.index_cast %parallel_loop3A_224 : i32 to index
          %parallel_loop3A_226 = arith.constant 112 : index
          %parallel_loop3A_227 = tpu.vector_load %arg8[%parallel_loop3A_225, %parallel_loop3A_226] {strides = array<i32>} : memref<64x256xf32, #tpu.memory_space<vmem>>, vector<16xf32>,
          %parallel_loop3A_228 = arith.constant 2 : i32
          %parallel_loop3A_229 = arith.muli %parallel_loop3A_228, %parallel_loop3A_94 : i32
          %parallel_loop3A_230 = arith.constant 1 : i32
          %parallel_loop3A_231 = arith.addi %parallel_loop3A_229, %parallel_loop3A_230 : i32
          %parallel_loop3A_232 = arith.index_cast %parallel_loop3A_231 : i32 to index
          %parallel_loop3A_233 = arith.constant 112 : index
          %parallel_loop3A_234 = tpu.vector_load %arg8[%parallel_loop3A_232, %parallel_loop3A_233] {strides = array<i32>} : memref<64x256xf32, #tpu.memory_space<vmem>>, vector<16xf32>,
          %parallel_loop3A_235 = tpu.pack_subelements %parallel_loop3A_227, %parallel_loop3A_234 {pack_format = #tpu.pack_format<interleaved>, positions = array<i32: 0, 1>} : vector<16xf32>, vector<16xf32> -> vector<32xbf16>
          %parallel_loop3A_236 = vector.bitcast %parallel_loop3A_235 : vector<32xbf16> to vector<16xi32>
          %parallel_loop3A_237 = arith.constant 7168 : i32
          %parallel_loop3A_238 = arith.addi %parallel_loop3A_237, %parallel_loop3A_96 : i32
          %parallel_loop3A_239 = vector.broadcast %parallel_loop3A_238 : i32 to vector<16xi32>
          %parallel_loop3A_240 = arith.addi %mul3A_3, %parallel_loop3A_239 : vector<16xi32>
          tpu.vector_store_idx %arg11[%parallel_loop3A_240], %parallel_loop3A_236 : memref<16384xi32, #tpu.memory_space<vmem>>[vector<16xi32>], vector<16xi32>,
          %parallel_loop3A_241 = arith.constant 2 : i32
          %parallel_loop3A_242 = arith.muli %parallel_loop3A_241, %parallel_loop3A_94 : i32
          %parallel_loop3A_243 = arith.index_cast %parallel_loop3A_242 : i32 to index
          %parallel_loop3A_244 = arith.constant 128 : index
          %parallel_loop3A_245 = tpu.vector_load %arg8[%parallel_loop3A_243, %parallel_loop3A_244] {strides = array<i32>} : memref<64x256xf32, #tpu.memory_space<vmem>>, vector<16xf32>,
          %parallel_loop3A_246 = arith.constant 2 : i32
          %parallel_loop3A_247 = arith.muli %parallel_loop3A_246, %parallel_loop3A_94 : i32
          %parallel_loop3A_248 = arith.constant 1 : i32
          %parallel_loop3A_249 = arith.addi %parallel_loop3A_247, %parallel_loop3A_248 : i32
          %parallel_loop3A_250 = arith.index_cast %parallel_loop3A_249 : i32 to index
          %parallel_loop3A_251 = arith.constant 128 : index
          %parallel_loop3A_252 = tpu.vector_load %arg8[%parallel_loop3A_250, %parallel_loop3A_251] {strides = array<i32>} : memref<64x256xf32, #tpu.memory_space<vmem>>, vector<16xf32>,
          %parallel_loop3A_253 = tpu.pack_subelements %parallel_loop3A_245, %parallel_loop3A_252 {pack_format = #tpu.pack_format<interleaved>, positions = array<i32: 0, 1>} : vector<16xf32>, vector<16xf32> -> vector<32xbf16>
          %parallel_loop3A_254 = vector.bitcast %parallel_loop3A_253 : vector<32xbf16> to vector<16xi32>
          %parallel_loop3A_255 = arith.constant 8192 : i32
          %parallel_loop3A_256 = arith.addi %parallel_loop3A_255, %parallel_loop3A_96 : i32
          %parallel_loop3A_257 = vector.broadcast %parallel_loop3A_256 : i32 to vector<16xi32>
          %parallel_loop3A_258 = arith.addi %mul3A_3, %parallel_loop3A_257 : vector<16xi32>
          tpu.vector_store_idx %arg11[%parallel_loop3A_258], %parallel_loop3A_254 : memref<16384xi32, #tpu.memory_space<vmem>>[vector<16xi32>], vector<16xi32>,
          %parallel_loop3A_259 = arith.constant 2 : i32
          %parallel_loop3A_260 = arith.muli %parallel_loop3A_259, %parallel_loop3A_94 : i32
          %parallel_loop3A_261 = arith.index_cast %parallel_loop3A_260 : i32 to index
          %parallel_loop3A_262 = arith.constant 144 : index
          %parallel_loop3A_263 = tpu.vector_load %arg8[%parallel_loop3A_261, %parallel_loop3A_262] {strides = array<i32>} : memref<64x256xf32, #tpu.memory_space<vmem>>, vector<16xf32>,
          %parallel_loop3A_264 = arith.constant 2 : i32
          %parallel_loop3A_265 = arith.muli %parallel_loop3A_264, %parallel_loop3A_94 : i32
          %parallel_loop3A_266 = arith.constant 1 : i32
          %parallel_loop3A_267 = arith.addi %parallel_loop3A_265, %parallel_loop3A_266 : i32
          %parallel_loop3A_268 = arith.index_cast %parallel_loop3A_267 : i32 to index
          %parallel_loop3A_269 = arith.constant 144 : index
          %parallel_loop3A_270 = tpu.vector_load %arg8[%parallel_loop3A_268, %parallel_loop3A_269] {strides = array<i32>} : memref<64x256xf32, #tpu.memory_space<vmem>>, vector<16xf32>,
          %parallel_loop3A_271 = tpu.pack_subelements %parallel_loop3A_263, %parallel_loop3A_270 {pack_format = #tpu.pack_format<interleaved>, positions = array<i32: 0, 1>} : vector<16xf32>, vector<16xf32> -> vector<32xbf16>
          %parallel_loop3A_272 = vector.bitcast %parallel_loop3A_271 : vector<32xbf16> to vector<16xi32>
          %parallel_loop3A_273 = arith.constant 9216 : i32
          %parallel_loop3A_274 = arith.addi %parallel_loop3A_273, %parallel_loop3A_96 : i32
          %parallel_loop3A_275 = vector.broadcast %parallel_loop3A_274 : i32 to vector<16xi32>
          %parallel_loop3A_276 = arith.addi %mul3A_3, %parallel_loop3A_275 : vector<16xi32>
          tpu.vector_store_idx %arg11[%parallel_loop3A_276], %parallel_loop3A_272 : memref<16384xi32, #tpu.memory_space<vmem>>[vector<16xi32>], vector<16xi32>,
          %parallel_loop3A_277 = arith.constant 2 : i32
          %parallel_loop3A_278 = arith.muli %parallel_loop3A_277, %parallel_loop3A_94 : i32
          %parallel_loop3A_279 = arith.index_cast %parallel_loop3A_278 : i32 to index
          %parallel_loop3A_280 = arith.constant 160 : index
          %parallel_loop3A_281 = tpu.vector_load %arg8[%parallel_loop3A_279, %parallel_loop3A_280] {strides = array<i32>} : memref<64x256xf32, #tpu.memory_space<vmem>>, vector<16xf32>,
          %parallel_loop3A_282 = arith.constant 2 : i32
          %parallel_loop3A_283 = arith.muli %parallel_loop3A_282, %parallel_loop3A_94 : i32
          %parallel_loop3A_284 = arith.constant 1 : i32
          %parallel_loop3A_285 = arith.addi %parallel_loop3A_283, %parallel_loop3A_284 : i32
          %parallel_loop3A_286 = arith.index_cast %parallel_loop3A_285 : i32 to index
          %parallel_loop3A_287 = arith.constant 160 : index
          %parallel_loop3A_288 = tpu.vector_load %arg8[%parallel_loop3A_286, %parallel_loop3A_287] {strides = array<i32>} : memref<64x256xf32, #tpu.memory_space<vmem>>, vector<16xf32>,
          %parallel_loop3A_289 = tpu.pack_subelements %parallel_loop3A_281, %parallel_loop3A_288 {pack_format = #tpu.pack_format<interleaved>, positions = array<i32: 0, 1>} : vector<16xf32>, vector<16xf32> -> vector<32xbf16>
          %parallel_loop3A_290 = vector.bitcast %parallel_loop3A_289 : vector<32xbf16> to vector<16xi32>
          %parallel_loop3A_291 = arith.constant 10240 : i32
          %parallel_loop3A_292 = arith.addi %parallel_loop3A_291, %parallel_loop3A_96 : i32
          %parallel_loop3A_293 = vector.broadcast %parallel_loop3A_292 : i32 to vector<16xi32>
          %parallel_loop3A_294 = arith.addi %mul3A_3, %parallel_loop3A_293 : vector<16xi32>
          tpu.vector_store_idx %arg11[%parallel_loop3A_294], %parallel_loop3A_290 : memref<16384xi32, #tpu.memory_space<vmem>>[vector<16xi32>], vector<16xi32>,
          %parallel_loop3A_295 = arith.constant 2 : i32
          %parallel_loop3A_296 = arith.muli %parallel_loop3A_295, %parallel_loop3A_94 : i32
          %parallel_loop3A_297 = arith.index_cast %parallel_loop3A_296 : i32 to index
          %parallel_loop3A_298 = arith.constant 176 : index
          %parallel_loop3A_299 = tpu.vector_load %arg8[%parallel_loop3A_297, %parallel_loop3A_298] {strides = array<i32>} : memref<64x256xf32, #tpu.memory_space<vmem>>, vector<16xf32>,
          %parallel_loop3A_300 = arith.constant 2 : i32
          %parallel_loop3A_301 = arith.muli %parallel_loop3A_300, %parallel_loop3A_94 : i32
          %parallel_loop3A_302 = arith.constant 1 : i32
          %parallel_loop3A_303 = arith.addi %parallel_loop3A_301, %parallel_loop3A_302 : i32
          %parallel_loop3A_304 = arith.index_cast %parallel_loop3A_303 : i32 to index
          %parallel_loop3A_305 = arith.constant 176 : index
          %parallel_loop3A_306 = tpu.vector_load %arg8[%parallel_loop3A_304, %parallel_loop3A_305] {strides = array<i32>} : memref<64x256xf32, #tpu.memory_space<vmem>>, vector<16xf32>,
          %parallel_loop3A_307 = tpu.pack_subelements %parallel_loop3A_299, %parallel_loop3A_306 {pack_format = #tpu.pack_format<interleaved>, positions = array<i32: 0, 1>} : vector<16xf32>, vector<16xf32> -> vector<32xbf16>
          %parallel_loop3A_308 = vector.bitcast %parallel_loop3A_307 : vector<32xbf16> to vector<16xi32>
          %parallel_loop3A_309 = arith.constant 11264 : i32
          %parallel_loop3A_310 = arith.addi %parallel_loop3A_309, %parallel_loop3A_96 : i32
          %parallel_loop3A_311 = vector.broadcast %parallel_loop3A_310 : i32 to vector<16xi32>
          %parallel_loop3A_312 = arith.addi %mul3A_3, %parallel_loop3A_311 : vector<16xi32>
          tpu.vector_store_idx %arg11[%parallel_loop3A_312], %parallel_loop3A_308 : memref<16384xi32, #tpu.memory_space<vmem>>[vector<16xi32>], vector<16xi32>,
          %parallel_loop3A_313 = arith.constant 2 : i32
          %parallel_loop3A_314 = arith.muli %parallel_loop3A_313, %parallel_loop3A_94 : i32
          %parallel_loop3A_315 = arith.index_cast %parallel_loop3A_314 : i32 to index
          %parallel_loop3A_316 = arith.constant 192 : index
          %parallel_loop3A_317 = tpu.vector_load %arg8[%parallel_loop3A_315, %parallel_loop3A_316] {strides = array<i32>} : memref<64x256xf32, #tpu.memory_space<vmem>>, vector<16xf32>,
          %parallel_loop3A_318 = arith.constant 2 : i32
          %parallel_loop3A_319 = arith.muli %parallel_loop3A_318, %parallel_loop3A_94 : i32
          %parallel_loop3A_320 = arith.constant 1 : i32
          %parallel_loop3A_321 = arith.addi %parallel_loop3A_319, %parallel_loop3A_320 : i32
          %parallel_loop3A_322 = arith.index_cast %parallel_loop3A_321 : i32 to index
          %parallel_loop3A_323 = arith.constant 192 : index
          %parallel_loop3A_324 = tpu.vector_load %arg8[%parallel_loop3A_322, %parallel_loop3A_323] {strides = array<i32>} : memref<64x256xf32, #tpu.memory_space<vmem>>, vector<16xf32>,
          %parallel_loop3A_325 = tpu.pack_subelements %parallel_loop3A_317, %parallel_loop3A_324 {pack_format = #tpu.pack_format<interleaved>, positions = array<i32: 0, 1>} : vector<16xf32>, vector<16xf32> -> vector<32xbf16>
          %parallel_loop3A_326 = vector.bitcast %parallel_loop3A_325 : vector<32xbf16> to vector<16xi32>
          %parallel_loop3A_327 = arith.constant 12288 : i32
          %parallel_loop3A_328 = arith.addi %parallel_loop3A_327, %parallel_loop3A_96 : i32
          %parallel_loop3A_329 = vector.broadcast %parallel_loop3A_328 : i32 to vector<16xi32>
          %parallel_loop3A_330 = arith.addi %mul3A_3, %parallel_loop3A_329 : vector<16xi32>
          tpu.vector_store_idx %arg11[%parallel_loop3A_330], %parallel_loop3A_326 : memref<16384xi32, #tpu.memory_space<vmem>>[vector<16xi32>], vector<16xi32>,
          %parallel_loop3A_331 = arith.constant 2 : i32
          %parallel_loop3A_332 = arith.muli %parallel_loop3A_331, %parallel_loop3A_94 : i32
          %parallel_loop3A_333 = arith.index_cast %parallel_loop3A_332 : i32 to index
          %parallel_loop3A_334 = arith.constant 208 : index
          %parallel_loop3A_335 = tpu.vector_load %arg8[%parallel_loop3A_333, %parallel_loop3A_334] {strides = array<i32>} : memref<64x256xf32, #tpu.memory_space<vmem>>, vector<16xf32>,
          %parallel_loop3A_336 = arith.constant 2 : i32
          %parallel_loop3A_337 = arith.muli %parallel_loop3A_336, %parallel_loop3A_94 : i32
          %parallel_loop3A_338 = arith.constant 1 : i32
          %parallel_loop3A_339 = arith.addi %parallel_loop3A_337, %parallel_loop3A_338 : i32
          %parallel_loop3A_340 = arith.index_cast %parallel_loop3A_339 : i32 to index
          %parallel_loop3A_341 = arith.constant 208 : index
          %parallel_loop3A_342 = tpu.vector_load %arg8[%parallel_loop3A_340, %parallel_loop3A_341] {strides = array<i32>} : memref<64x256xf32, #tpu.memory_space<vmem>>, vector<16xf32>,
          %parallel_loop3A_343 = tpu.pack_subelements %parallel_loop3A_335, %parallel_loop3A_342 {pack_format = #tpu.pack_format<interleaved>, positions = array<i32: 0, 1>} : vector<16xf32>, vector<16xf32> -> vector<32xbf16>
          %parallel_loop3A_344 = vector.bitcast %parallel_loop3A_343 : vector<32xbf16> to vector<16xi32>
          %parallel_loop3A_345 = arith.constant 13312 : i32
          %parallel_loop3A_346 = arith.addi %parallel_loop3A_345, %parallel_loop3A_96 : i32
          %parallel_loop3A_347 = vector.broadcast %parallel_loop3A_346 : i32 to vector<16xi32>
          %parallel_loop3A_348 = arith.addi %mul3A_3, %parallel_loop3A_347 : vector<16xi32>
          tpu.vector_store_idx %arg11[%parallel_loop3A_348], %parallel_loop3A_344 : memref<16384xi32, #tpu.memory_space<vmem>>[vector<16xi32>], vector<16xi32>,
          %parallel_loop3A_349 = arith.constant 2 : i32
          %parallel_loop3A_350 = arith.muli %parallel_loop3A_349, %parallel_loop3A_94 : i32
          %parallel_loop3A_351 = arith.index_cast %parallel_loop3A_350 : i32 to index
          %parallel_loop3A_352 = arith.constant 224 : index
          %parallel_loop3A_353 = tpu.vector_load %arg8[%parallel_loop3A_351, %parallel_loop3A_352] {strides = array<i32>} : memref<64x256xf32, #tpu.memory_space<vmem>>, vector<16xf32>,
          %parallel_loop3A_354 = arith.constant 2 : i32
          %parallel_loop3A_355 = arith.muli %parallel_loop3A_354, %parallel_loop3A_94 : i32
          %parallel_loop3A_356 = arith.constant 1 : i32
          %parallel_loop3A_357 = arith.addi %parallel_loop3A_355, %parallel_loop3A_356 : i32
          %parallel_loop3A_358 = arith.index_cast %parallel_loop3A_357 : i32 to index
          %parallel_loop3A_359 = arith.constant 224 : index
          %parallel_loop3A_360 = tpu.vector_load %arg8[%parallel_loop3A_358, %parallel_loop3A_359] {strides = array<i32>} : memref<64x256xf32, #tpu.memory_space<vmem>>, vector<16xf32>,
          %parallel_loop3A_361 = tpu.pack_subelements %parallel_loop3A_353, %parallel_loop3A_360 {pack_format = #tpu.pack_format<interleaved>, positions = array<i32: 0, 1>} : vector<16xf32>, vector<16xf32> -> vector<32xbf16>
          %parallel_loop3A_362 = vector.bitcast %parallel_loop3A_361 : vector<32xbf16> to vector<16xi32>
          %parallel_loop3A_363 = arith.constant 14336 : i32
          %parallel_loop3A_364 = arith.addi %parallel_loop3A_363, %parallel_loop3A_96 : i32
          %parallel_loop3A_365 = vector.broadcast %parallel_loop3A_364 : i32 to vector<16xi32>
          %parallel_loop3A_366 = arith.addi %mul3A_3, %parallel_loop3A_365 : vector<16xi32>
          tpu.vector_store_idx %arg11[%parallel_loop3A_366], %parallel_loop3A_362 : memref<16384xi32, #tpu.memory_space<vmem>>[vector<16xi32>], vector<16xi32>,
          %parallel_loop3A_367 = arith.constant 2 : i32
          %parallel_loop3A_368 = arith.muli %parallel_loop3A_367, %parallel_loop3A_94 : i32
          %parallel_loop3A_369 = arith.index_cast %parallel_loop3A_368 : i32 to index
          %parallel_loop3A_370 = arith.constant 240 : index
          %parallel_loop3A_371 = tpu.vector_load %arg8[%parallel_loop3A_369, %parallel_loop3A_370] {strides = array<i32>} : memref<64x256xf32, #tpu.memory_space<vmem>>, vector<16xf32>,
          %parallel_loop3A_372 = arith.constant 2 : i32
          %parallel_loop3A_373 = arith.muli %parallel_loop3A_372, %parallel_loop3A_94 : i32
          %parallel_loop3A_374 = arith.constant 1 : i32
          %parallel_loop3A_375 = arith.addi %parallel_loop3A_373, %parallel_loop3A_374 : i32
          %parallel_loop3A_376 = arith.index_cast %parallel_loop3A_375 : i32 to index
          %parallel_loop3A_377 = arith.constant 240 : index
          %parallel_loop3A_378 = tpu.vector_load %arg8[%parallel_loop3A_376, %parallel_loop3A_377] {strides = array<i32>} : memref<64x256xf32, #tpu.memory_space<vmem>>, vector<16xf32>,
          %parallel_loop3A_379 = tpu.pack_subelements %parallel_loop3A_371, %parallel_loop3A_378 {pack_format = #tpu.pack_format<interleaved>, positions = array<i32: 0, 1>} : vector<16xf32>, vector<16xf32> -> vector<32xbf16>
          %parallel_loop3A_380 = vector.bitcast %parallel_loop3A_379 : vector<32xbf16> to vector<16xi32>
          %parallel_loop3A_381 = arith.constant 15360 : i32
          %parallel_loop3A_382 = arith.addi %parallel_loop3A_381, %parallel_loop3A_96 : i32
          %parallel_loop3A_383 = vector.broadcast %parallel_loop3A_382 : i32 to vector<16xi32>
          %parallel_loop3A_384 = arith.addi %mul3A_3, %parallel_loop3A_383 : vector<16xi32>
          tpu.vector_store_idx %arg11[%parallel_loop3A_384], %parallel_loop3A_380 : memref<16384xi32, #tpu.memory_space<vmem>>[vector<16xi32>], vector<16xi32>,
          %parallel_loop3A_385 = arith.constant 32 : i32
          %parallel_loop3A_386 = arith.addi %parallel_loop3A_385, %parallel_loop3A_94 : i32
          %parallel_loop3A_387 = arith.constant 2 : i32
          %parallel_loop3A_388 = arith.muli %parallel_loop3A_387, %parallel_loop3A_94 : i32
          %parallel_loop3A_389 = arith.index_cast %parallel_loop3A_388 : i32 to index
          %parallel_loop3A_390 = arith.constant 0 : index
          %parallel_loop3A_391 = tpu.vector_load %arg9[%parallel_loop3A_389, %parallel_loop3A_390] {strides = array<i32>} : memref<64x256xf32, #tpu.memory_space<vmem>>, vector<16xf32>,
          %parallel_loop3A_392 = arith.constant 2 : i32
          %parallel_loop3A_393 = arith.muli %parallel_loop3A_392, %parallel_loop3A_94 : i32
          %parallel_loop3A_394 = arith.constant 1 : i32
          %parallel_loop3A_395 = arith.addi %parallel_loop3A_393, %parallel_loop3A_394 : i32
          %parallel_loop3A_396 = arith.index_cast %parallel_loop3A_395 : i32 to index
          %parallel_loop3A_397 = arith.constant 0 : index
          %parallel_loop3A_398 = tpu.vector_load %arg9[%parallel_loop3A_396, %parallel_loop3A_397] {strides = array<i32>} : memref<64x256xf32, #tpu.memory_space<vmem>>, vector<16xf32>,
          %parallel_loop3A_399 = tpu.pack_subelements %parallel_loop3A_391, %parallel_loop3A_398 {pack_format = #tpu.pack_format<interleaved>, positions = array<i32: 0, 1>} : vector<16xf32>, vector<16xf32> -> vector<32xbf16>
          %parallel_loop3A_400 = vector.bitcast %parallel_loop3A_399 : vector<32xbf16> to vector<16xi32>
          %parallel_loop3A_401 = arith.constant 0 : i32
          %parallel_loop3A_402 = arith.addi %parallel_loop3A_401, %parallel_loop3A_386 : i32
          %parallel_loop3A_403 = vector.broadcast %parallel_loop3A_402 : i32 to vector<16xi32>
          %parallel_loop3A_404 = arith.addi %mul3A_3, %parallel_loop3A_403 : vector<16xi32>
          tpu.vector_store_idx %arg11[%parallel_loop3A_404], %parallel_loop3A_400 : memref<16384xi32, #tpu.memory_space<vmem>>[vector<16xi32>], vector<16xi32>,
          %parallel_loop3A_405 = arith.constant 2 : i32
          %parallel_loop3A_406 = arith.muli %parallel_loop3A_405, %parallel_loop3A_94 : i32
          %parallel_loop3A_407 = arith.index_cast %parallel_loop3A_406 : i32 to index
          %parallel_loop3A_408 = arith.constant 16 : index
          %parallel_loop3A_409 = tpu.vector_load %arg9[%parallel_loop3A_407, %parallel_loop3A_408] {strides = array<i32>} : memref<64x256xf32, #tpu.memory_space<vmem>>, vector<16xf32>,
          %parallel_loop3A_410 = arith.constant 2 : i32
          %parallel_loop3A_411 = arith.muli %parallel_loop3A_410, %parallel_loop3A_94 : i32
          %parallel_loop3A_412 = arith.constant 1 : i32
          %parallel_loop3A_413 = arith.addi %parallel_loop3A_411, %parallel_loop3A_412 : i32
          %parallel_loop3A_414 = arith.index_cast %parallel_loop3A_413 : i32 to index
          %parallel_loop3A_415 = arith.constant 16 : index
          %parallel_loop3A_416 = tpu.vector_load %arg9[%parallel_loop3A_414, %parallel_loop3A_415] {strides = array<i32>} : memref<64x256xf32, #tpu.memory_space<vmem>>, vector<16xf32>,
          %parallel_loop3A_417 = tpu.pack_subelements %parallel_loop3A_409, %parallel_loop3A_416 {pack_format = #tpu.pack_format<interleaved>, positions = array<i32: 0, 1>} : vector<16xf32>, vector<16xf32> -> vector<32xbf16>
          %parallel_loop3A_418 = vector.bitcast %parallel_loop3A_417 : vector<32xbf16> to vector<16xi32>
          %parallel_loop3A_419 = arith.constant 1024 : i32
          %parallel_loop3A_420 = arith.addi %parallel_loop3A_419, %parallel_loop3A_386 : i32
          %parallel_loop3A_421 = vector.broadcast %parallel_loop3A_420 : i32 to vector<16xi32>
          %parallel_loop3A_422 = arith.addi %mul3A_3, %parallel_loop3A_421 : vector<16xi32>
          tpu.vector_store_idx %arg11[%parallel_loop3A_422], %parallel_loop3A_418 : memref<16384xi32, #tpu.memory_space<vmem>>[vector<16xi32>], vector<16xi32>,
          %parallel_loop3A_423 = arith.constant 2 : i32
          %parallel_loop3A_424 = arith.muli %parallel_loop3A_423, %parallel_loop3A_94 : i32
          %parallel_loop3A_425 = arith.index_cast %parallel_loop3A_424 : i32 to index
          %parallel_loop3A_426 = arith.constant 32 : index
          %parallel_loop3A_427 = tpu.vector_load %arg9[%parallel_loop3A_425, %parallel_loop3A_426] {strides = array<i32>} : memref<64x256xf32, #tpu.memory_space<vmem>>, vector<16xf32>,
          %parallel_loop3A_428 = arith.constant 2 : i32
          %parallel_loop3A_429 = arith.muli %parallel_loop3A_428, %parallel_loop3A_94 : i32
          %parallel_loop3A_430 = arith.constant 1 : i32
          %parallel_loop3A_431 = arith.addi %parallel_loop3A_429, %parallel_loop3A_430 : i32
          %parallel_loop3A_432 = arith.index_cast %parallel_loop3A_431 : i32 to index
          %parallel_loop3A_433 = arith.constant 32 : index
          %parallel_loop3A_434 = tpu.vector_load %arg9[%parallel_loop3A_432, %parallel_loop3A_433] {strides = array<i32>} : memref<64x256xf32, #tpu.memory_space<vmem>>, vector<16xf32>,
          %parallel_loop3A_435 = tpu.pack_subelements %parallel_loop3A_427, %parallel_loop3A_434 {pack_format = #tpu.pack_format<interleaved>, positions = array<i32: 0, 1>} : vector<16xf32>, vector<16xf32> -> vector<32xbf16>
          %parallel_loop3A_436 = vector.bitcast %parallel_loop3A_435 : vector<32xbf16> to vector<16xi32>
          %parallel_loop3A_437 = arith.constant 2048 : i32
          %parallel_loop3A_438 = arith.addi %parallel_loop3A_437, %parallel_loop3A_386 : i32
          %parallel_loop3A_439 = vector.broadcast %parallel_loop3A_438 : i32 to vector<16xi32>
          %parallel_loop3A_440 = arith.addi %mul3A_3, %parallel_loop3A_439 : vector<16xi32>
          tpu.vector_store_idx %arg11[%parallel_loop3A_440], %parallel_loop3A_436 : memref<16384xi32, #tpu.memory_space<vmem>>[vector<16xi32>], vector<16xi32>,
          %parallel_loop3A_441 = arith.constant 2 : i32
          %parallel_loop3A_442 = arith.muli %parallel_loop3A_441, %parallel_loop3A_94 : i32
          %parallel_loop3A_443 = arith.index_cast %parallel_loop3A_442 : i32 to index
          %parallel_loop3A_444 = arith.constant 48 : index
          %parallel_loop3A_445 = tpu.vector_load %arg9[%parallel_loop3A_443, %parallel_loop3A_444] {strides = array<i32>} : memref<64x256xf32, #tpu.memory_space<vmem>>, vector<16xf32>,
          %parallel_loop3A_446 = arith.constant 2 : i32
          %parallel_loop3A_447 = arith.muli %parallel_loop3A_446, %parallel_loop3A_94 : i32
          %parallel_loop3A_448 = arith.constant 1 : i32
          %parallel_loop3A_449 = arith.addi %parallel_loop3A_447, %parallel_loop3A_448 : i32
          %parallel_loop3A_450 = arith.index_cast %parallel_loop3A_449 : i32 to index
          %parallel_loop3A_451 = arith.constant 48 : index
          %parallel_loop3A_452 = tpu.vector_load %arg9[%parallel_loop3A_450, %parallel_loop3A_451] {strides = array<i32>} : memref<64x256xf32, #tpu.memory_space<vmem>>, vector<16xf32>,
          %parallel_loop3A_453 = tpu.pack_subelements %parallel_loop3A_445, %parallel_loop3A_452 {pack_format = #tpu.pack_format<interleaved>, positions = array<i32: 0, 1>} : vector<16xf32>, vector<16xf32> -> vector<32xbf16>
          %parallel_loop3A_454 = vector.bitcast %parallel_loop3A_453 : vector<32xbf16> to vector<16xi32>
          %parallel_loop3A_455 = arith.constant 3072 : i32
          %parallel_loop3A_456 = arith.addi %parallel_loop3A_455, %parallel_loop3A_386 : i32
          %parallel_loop3A_457 = vector.broadcast %parallel_loop3A_456 : i32 to vector<16xi32>
          %parallel_loop3A_458 = arith.addi %mul3A_3, %parallel_loop3A_457 : vector<16xi32>
          tpu.vector_store_idx %arg11[%parallel_loop3A_458], %parallel_loop3A_454 : memref<16384xi32, #tpu.memory_space<vmem>>[vector<16xi32>], vector<16xi32>,
          %parallel_loop3A_459 = arith.constant 2 : i32
          %parallel_loop3A_460 = arith.muli %parallel_loop3A_459, %parallel_loop3A_94 : i32
          %parallel_loop3A_461 = arith.index_cast %parallel_loop3A_460 : i32 to index
          %parallel_loop3A_462 = arith.constant 64 : index
          %parallel_loop3A_463 = tpu.vector_load %arg9[%parallel_loop3A_461, %parallel_loop3A_462] {strides = array<i32>} : memref<64x256xf32, #tpu.memory_space<vmem>>, vector<16xf32>,
          %parallel_loop3A_464 = arith.constant 2 : i32
          %parallel_loop3A_465 = arith.muli %parallel_loop3A_464, %parallel_loop3A_94 : i32
          %parallel_loop3A_466 = arith.constant 1 : i32
          %parallel_loop3A_467 = arith.addi %parallel_loop3A_465, %parallel_loop3A_466 : i32
          %parallel_loop3A_468 = arith.index_cast %parallel_loop3A_467 : i32 to index
          %parallel_loop3A_469 = arith.constant 64 : index
          %parallel_loop3A_470 = tpu.vector_load %arg9[%parallel_loop3A_468, %parallel_loop3A_469] {strides = array<i32>} : memref<64x256xf32, #tpu.memory_space<vmem>>, vector<16xf32>,
          %parallel_loop3A_471 = tpu.pack_subelements %parallel_loop3A_463, %parallel_loop3A_470 {pack_format = #tpu.pack_format<interleaved>, positions = array<i32: 0, 1>} : vector<16xf32>, vector<16xf32> -> vector<32xbf16>
          %parallel_loop3A_472 = vector.bitcast %parallel_loop3A_471 : vector<32xbf16> to vector<16xi32>
          %parallel_loop3A_473 = arith.constant 4096 : i32
          %parallel_loop3A_474 = arith.addi %parallel_loop3A_473, %parallel_loop3A_386 : i32
          %parallel_loop3A_475 = vector.broadcast %parallel_loop3A_474 : i32 to vector<16xi32>
          %parallel_loop3A_476 = arith.addi %mul3A_3, %parallel_loop3A_475 : vector<16xi32>
          tpu.vector_store_idx %arg11[%parallel_loop3A_476], %parallel_loop3A_472 : memref<16384xi32, #tpu.memory_space<vmem>>[vector<16xi32>], vector<16xi32>,
          %parallel_loop3A_477 = arith.constant 2 : i32
          %parallel_loop3A_478 = arith.muli %parallel_loop3A_477, %parallel_loop3A_94 : i32
          %parallel_loop3A_479 = arith.index_cast %parallel_loop3A_478 : i32 to index
          %parallel_loop3A_480 = arith.constant 80 : index
          %parallel_loop3A_481 = tpu.vector_load %arg9[%parallel_loop3A_479, %parallel_loop3A_480] {strides = array<i32>} : memref<64x256xf32, #tpu.memory_space<vmem>>, vector<16xf32>,
          %parallel_loop3A_482 = arith.constant 2 : i32
          %parallel_loop3A_483 = arith.muli %parallel_loop3A_482, %parallel_loop3A_94 : i32
          %parallel_loop3A_484 = arith.constant 1 : i32
          %parallel_loop3A_485 = arith.addi %parallel_loop3A_483, %parallel_loop3A_484 : i32
          %parallel_loop3A_486 = arith.index_cast %parallel_loop3A_485 : i32 to index
          %parallel_loop3A_487 = arith.constant 80 : index
          %parallel_loop3A_488 = tpu.vector_load %arg9[%parallel_loop3A_486, %parallel_loop3A_487] {strides = array<i32>} : memref<64x256xf32, #tpu.memory_space<vmem>>, vector<16xf32>,
          %parallel_loop3A_489 = tpu.pack_subelements %parallel_loop3A_481, %parallel_loop3A_488 {pack_format = #tpu.pack_format<interleaved>, positions = array<i32: 0, 1>} : vector<16xf32>, vector<16xf32> -> vector<32xbf16>
          %parallel_loop3A_490 = vector.bitcast %parallel_loop3A_489 : vector<32xbf16> to vector<16xi32>
          %parallel_loop3A_491 = arith.constant 5120 : i32
          %parallel_loop3A_492 = arith.addi %parallel_loop3A_491, %parallel_loop3A_386 : i32
          %parallel_loop3A_493 = vector.broadcast %parallel_loop3A_492 : i32 to vector<16xi32>
          %parallel_loop3A_494 = arith.addi %mul3A_3, %parallel_loop3A_493 : vector<16xi32>
          tpu.vector_store_idx %arg11[%parallel_loop3A_494], %parallel_loop3A_490 : memref<16384xi32, #tpu.memory_space<vmem>>[vector<16xi32>], vector<16xi32>,
          %parallel_loop3A_495 = arith.constant 2 : i32
          %parallel_loop3A_496 = arith.muli %parallel_loop3A_495, %parallel_loop3A_94 : i32
          %parallel_loop3A_497 = arith.index_cast %parallel_loop3A_496 : i32 to index
          %parallel_loop3A_498 = arith.constant 96 : index
          %parallel_loop3A_499 = tpu.vector_load %arg9[%parallel_loop3A_497, %parallel_loop3A_498] {strides = array<i32>} : memref<64x256xf32, #tpu.memory_space<vmem>>, vector<16xf32>,
          %parallel_loop3A_500 = arith.constant 2 : i32
          %parallel_loop3A_501 = arith.muli %parallel_loop3A_500, %parallel_loop3A_94 : i32
          %parallel_loop3A_502 = arith.constant 1 : i32
          %parallel_loop3A_503 = arith.addi %parallel_loop3A_501, %parallel_loop3A_502 : i32
          %parallel_loop3A_504 = arith.index_cast %parallel_loop3A_503 : i32 to index
          %parallel_loop3A_505 = arith.constant 96 : index
          %parallel_loop3A_506 = tpu.vector_load %arg9[%parallel_loop3A_504, %parallel_loop3A_505] {strides = array<i32>} : memref<64x256xf32, #tpu.memory_space<vmem>>, vector<16xf32>,
          %parallel_loop3A_507 = tpu.pack_subelements %parallel_loop3A_499, %parallel_loop3A_506 {pack_format = #tpu.pack_format<interleaved>, positions = array<i32: 0, 1>} : vector<16xf32>, vector<16xf32> -> vector<32xbf16>
          %parallel_loop3A_508 = vector.bitcast %parallel_loop3A_507 : vector<32xbf16> to vector<16xi32>
          %parallel_loop3A_509 = arith.constant 6144 : i32
          %parallel_loop3A_510 = arith.addi %parallel_loop3A_509, %parallel_loop3A_386 : i32
          %parallel_loop3A_511 = vector.broadcast %parallel_loop3A_510 : i32 to vector<16xi32>
          %parallel_loop3A_512 = arith.addi %mul3A_3, %parallel_loop3A_511 : vector<16xi32>
          tpu.vector_store_idx %arg11[%parallel_loop3A_512], %parallel_loop3A_508 : memref<16384xi32, #tpu.memory_space<vmem>>[vector<16xi32>], vector<16xi32>,
          %parallel_loop3A_513 = arith.constant 2 : i32
          %parallel_loop3A_514 = arith.muli %parallel_loop3A_513, %parallel_loop3A_94 : i32
          %parallel_loop3A_515 = arith.index_cast %parallel_loop3A_514 : i32 to index
          %parallel_loop3A_516 = arith.constant 112 : index
          %parallel_loop3A_517 = tpu.vector_load %arg9[%parallel_loop3A_515, %parallel_loop3A_516] {strides = array<i32>} : memref<64x256xf32, #tpu.memory_space<vmem>>, vector<16xf32>,
          %parallel_loop3A_518 = arith.constant 2 : i32
          %parallel_loop3A_519 = arith.muli %parallel_loop3A_518, %parallel_loop3A_94 : i32
          %parallel_loop3A_520 = arith.constant 1 : i32
          %parallel_loop3A_521 = arith.addi %parallel_loop3A_519, %parallel_loop3A_520 : i32
          %parallel_loop3A_522 = arith.index_cast %parallel_loop3A_521 : i32 to index
          %parallel_loop3A_523 = arith.constant 112 : index
          %parallel_loop3A_524 = tpu.vector_load %arg9[%parallel_loop3A_522, %parallel_loop3A_523] {strides = array<i32>} : memref<64x256xf32, #tpu.memory_space<vmem>>, vector<16xf32>,
          %parallel_loop3A_525 = tpu.pack_subelements %parallel_loop3A_517, %parallel_loop3A_524 {pack_format = #tpu.pack_format<interleaved>, positions = array<i32: 0, 1>} : vector<16xf32>, vector<16xf32> -> vector<32xbf16>
          %parallel_loop3A_526 = vector.bitcast %parallel_loop3A_525 : vector<32xbf16> to vector<16xi32>
          %parallel_loop3A_527 = arith.constant 7168 : i32
          %parallel_loop3A_528 = arith.addi %parallel_loop3A_527, %parallel_loop3A_386 : i32
          %parallel_loop3A_529 = vector.broadcast %parallel_loop3A_528 : i32 to vector<16xi32>
          %parallel_loop3A_530 = arith.addi %mul3A_3, %parallel_loop3A_529 : vector<16xi32>
          tpu.vector_store_idx %arg11[%parallel_loop3A_530], %parallel_loop3A_526 : memref<16384xi32, #tpu.memory_space<vmem>>[vector<16xi32>], vector<16xi32>,
          %parallel_loop3A_531 = arith.constant 2 : i32
          %parallel_loop3A_532 = arith.muli %parallel_loop3A_531, %parallel_loop3A_94 : i32
          %parallel_loop3A_533 = arith.index_cast %parallel_loop3A_532 : i32 to index
          %parallel_loop3A_534 = arith.constant 128 : index
          %parallel_loop3A_535 = tpu.vector_load %arg9[%parallel_loop3A_533, %parallel_loop3A_534] {strides = array<i32>} : memref<64x256xf32, #tpu.memory_space<vmem>>, vector<16xf32>,
          %parallel_loop3A_536 = arith.constant 2 : i32
          %parallel_loop3A_537 = arith.muli %parallel_loop3A_536, %parallel_loop3A_94 : i32
          %parallel_loop3A_538 = arith.constant 1 : i32
          %parallel_loop3A_539 = arith.addi %parallel_loop3A_537, %parallel_loop3A_538 : i32
          %parallel_loop3A_540 = arith.index_cast %parallel_loop3A_539 : i32 to index
          %parallel_loop3A_541 = arith.constant 128 : index
          %parallel_loop3A_542 = tpu.vector_load %arg9[%parallel_loop3A_540, %parallel_loop3A_541] {strides = array<i32>} : memref<64x256xf32, #tpu.memory_space<vmem>>, vector<16xf32>,
          %parallel_loop3A_543 = tpu.pack_subelements %parallel_loop3A_535, %parallel_loop3A_542 {pack_format = #tpu.pack_format<interleaved>, positions = array<i32: 0, 1>} : vector<16xf32>, vector<16xf32> -> vector<32xbf16>
          %parallel_loop3A_544 = vector.bitcast %parallel_loop3A_543 : vector<32xbf16> to vector<16xi32>
          %parallel_loop3A_545 = arith.constant 8192 : i32
          %parallel_loop3A_546 = arith.addi %parallel_loop3A_545, %parallel_loop3A_386 : i32
          %parallel_loop3A_547 = vector.broadcast %parallel_loop3A_546 : i32 to vector<16xi32>
          %parallel_loop3A_548 = arith.addi %mul3A_3, %parallel_loop3A_547 : vector<16xi32>
          tpu.vector_store_idx %arg11[%parallel_loop3A_548], %parallel_loop3A_544 : memref<16384xi32, #tpu.memory_space<vmem>>[vector<16xi32>], vector<16xi32>,
          %parallel_loop3A_549 = arith.constant 2 : i32
          %parallel_loop3A_550 = arith.muli %parallel_loop3A_549, %parallel_loop3A_94 : i32
          %parallel_loop3A_551 = arith.index_cast %parallel_loop3A_550 : i32 to index
          %parallel_loop3A_552 = arith.constant 144 : index
          %parallel_loop3A_553 = tpu.vector_load %arg9[%parallel_loop3A_551, %parallel_loop3A_552] {strides = array<i32>} : memref<64x256xf32, #tpu.memory_space<vmem>>, vector<16xf32>,
          %parallel_loop3A_554 = arith.constant 2 : i32
          %parallel_loop3A_555 = arith.muli %parallel_loop3A_554, %parallel_loop3A_94 : i32
          %parallel_loop3A_556 = arith.constant 1 : i32
          %parallel_loop3A_557 = arith.addi %parallel_loop3A_555, %parallel_loop3A_556 : i32
          %parallel_loop3A_558 = arith.index_cast %parallel_loop3A_557 : i32 to index
          %parallel_loop3A_559 = arith.constant 144 : index
          %parallel_loop3A_560 = tpu.vector_load %arg9[%parallel_loop3A_558, %parallel_loop3A_559] {strides = array<i32>} : memref<64x256xf32, #tpu.memory_space<vmem>>, vector<16xf32>,
          %parallel_loop3A_561 = tpu.pack_subelements %parallel_loop3A_553, %parallel_loop3A_560 {pack_format = #tpu.pack_format<interleaved>, positions = array<i32: 0, 1>} : vector<16xf32>, vector<16xf32> -> vector<32xbf16>
          %parallel_loop3A_562 = vector.bitcast %parallel_loop3A_561 : vector<32xbf16> to vector<16xi32>
          %parallel_loop3A_563 = arith.constant 9216 : i32
          %parallel_loop3A_564 = arith.addi %parallel_loop3A_563, %parallel_loop3A_386 : i32
          %parallel_loop3A_565 = vector.broadcast %parallel_loop3A_564 : i32 to vector<16xi32>
          %parallel_loop3A_566 = arith.addi %mul3A_3, %parallel_loop3A_565 : vector<16xi32>
          tpu.vector_store_idx %arg11[%parallel_loop3A_566], %parallel_loop3A_562 : memref<16384xi32, #tpu.memory_space<vmem>>[vector<16xi32>], vector<16xi32>,
          %parallel_loop3A_567 = arith.constant 2 : i32
          %parallel_loop3A_568 = arith.muli %parallel_loop3A_567, %parallel_loop3A_94 : i32
          %parallel_loop3A_569 = arith.index_cast %parallel_loop3A_568 : i32 to index
          %parallel_loop3A_570 = arith.constant 160 : index
          %parallel_loop3A_571 = tpu.vector_load %arg9[%parallel_loop3A_569, %parallel_loop3A_570] {strides = array<i32>} : memref<64x256xf32, #tpu.memory_space<vmem>>, vector<16xf32>,
          %parallel_loop3A_572 = arith.constant 2 : i32
          %parallel_loop3A_573 = arith.muli %parallel_loop3A_572, %parallel_loop3A_94 : i32
          %parallel_loop3A_574 = arith.constant 1 : i32
          %parallel_loop3A_575 = arith.addi %parallel_loop3A_573, %parallel_loop3A_574 : i32
          %parallel_loop3A_576 = arith.index_cast %parallel_loop3A_575 : i32 to index
          %parallel_loop3A_577 = arith.constant 160 : index
          %parallel_loop3A_578 = tpu.vector_load %arg9[%parallel_loop3A_576, %parallel_loop3A_577] {strides = array<i32>} : memref<64x256xf32, #tpu.memory_space<vmem>>, vector<16xf32>,
          %parallel_loop3A_579 = tpu.pack_subelements %parallel_loop3A_571, %parallel_loop3A_578 {pack_format = #tpu.pack_format<interleaved>, positions = array<i32: 0, 1>} : vector<16xf32>, vector<16xf32> -> vector<32xbf16>
          %parallel_loop3A_580 = vector.bitcast %parallel_loop3A_579 : vector<32xbf16> to vector<16xi32>
          %parallel_loop3A_581 = arith.constant 10240 : i32
          %parallel_loop3A_582 = arith.addi %parallel_loop3A_581, %parallel_loop3A_386 : i32
          %parallel_loop3A_583 = vector.broadcast %parallel_loop3A_582 : i32 to vector<16xi32>
          %parallel_loop3A_584 = arith.addi %mul3A_3, %parallel_loop3A_583 : vector<16xi32>
          tpu.vector_store_idx %arg11[%parallel_loop3A_584], %parallel_loop3A_580 : memref<16384xi32, #tpu.memory_space<vmem>>[vector<16xi32>], vector<16xi32>,
          %parallel_loop3A_585 = arith.constant 2 : i32
          %parallel_loop3A_586 = arith.muli %parallel_loop3A_585, %parallel_loop3A_94 : i32
          %parallel_loop3A_587 = arith.index_cast %parallel_loop3A_586 : i32 to index
          %parallel_loop3A_588 = arith.constant 176 : index
          %parallel_loop3A_589 = tpu.vector_load %arg9[%parallel_loop3A_587, %parallel_loop3A_588] {strides = array<i32>} : memref<64x256xf32, #tpu.memory_space<vmem>>, vector<16xf32>,
          %parallel_loop3A_590 = arith.constant 2 : i32
          %parallel_loop3A_591 = arith.muli %parallel_loop3A_590, %parallel_loop3A_94 : i32
          %parallel_loop3A_592 = arith.constant 1 : i32
          %parallel_loop3A_593 = arith.addi %parallel_loop3A_591, %parallel_loop3A_592 : i32
          %parallel_loop3A_594 = arith.index_cast %parallel_loop3A_593 : i32 to index
          %parallel_loop3A_595 = arith.constant 176 : index
          %parallel_loop3A_596 = tpu.vector_load %arg9[%parallel_loop3A_594, %parallel_loop3A_595] {strides = array<i32>} : memref<64x256xf32, #tpu.memory_space<vmem>>, vector<16xf32>,
          %parallel_loop3A_597 = tpu.pack_subelements %parallel_loop3A_589, %parallel_loop3A_596 {pack_format = #tpu.pack_format<interleaved>, positions = array<i32: 0, 1>} : vector<16xf32>, vector<16xf32> -> vector<32xbf16>
          %parallel_loop3A_598 = vector.bitcast %parallel_loop3A_597 : vector<32xbf16> to vector<16xi32>
          %parallel_loop3A_599 = arith.constant 11264 : i32
          %parallel_loop3A_600 = arith.addi %parallel_loop3A_599, %parallel_loop3A_386 : i32
          %parallel_loop3A_601 = vector.broadcast %parallel_loop3A_600 : i32 to vector<16xi32>
          %parallel_loop3A_602 = arith.addi %mul3A_3, %parallel_loop3A_601 : vector<16xi32>
          tpu.vector_store_idx %arg11[%parallel_loop3A_602], %parallel_loop3A_598 : memref<16384xi32, #tpu.memory_space<vmem>>[vector<16xi32>], vector<16xi32>,
          %parallel_loop3A_603 = arith.constant 2 : i32
          %parallel_loop3A_604 = arith.muli %parallel_loop3A_603, %parallel_loop3A_94 : i32
          %parallel_loop3A_605 = arith.index_cast %parallel_loop3A_604 : i32 to index
          %parallel_loop3A_606 = arith.constant 192 : index
          %parallel_loop3A_607 = tpu.vector_load %arg9[%parallel_loop3A_605, %parallel_loop3A_606] {strides = array<i32>} : memref<64x256xf32, #tpu.memory_space<vmem>>, vector<16xf32>,
          %parallel_loop3A_608 = arith.constant 2 : i32
          %parallel_loop3A_609 = arith.muli %parallel_loop3A_608, %parallel_loop3A_94 : i32
          %parallel_loop3A_610 = arith.constant 1 : i32
          %parallel_loop3A_611 = arith.addi %parallel_loop3A_609, %parallel_loop3A_610 : i32
          %parallel_loop3A_612 = arith.index_cast %parallel_loop3A_611 : i32 to index
          %parallel_loop3A_613 = arith.constant 192 : index
          %parallel_loop3A_614 = tpu.vector_load %arg9[%parallel_loop3A_612, %parallel_loop3A_613] {strides = array<i32>} : memref<64x256xf32, #tpu.memory_space<vmem>>, vector<16xf32>,
          %parallel_loop3A_615 = tpu.pack_subelements %parallel_loop3A_607, %parallel_loop3A_614 {pack_format = #tpu.pack_format<interleaved>, positions = array<i32: 0, 1>} : vector<16xf32>, vector<16xf32> -> vector<32xbf16>
          %parallel_loop3A_616 = vector.bitcast %parallel_loop3A_615 : vector<32xbf16> to vector<16xi32>
          %parallel_loop3A_617 = arith.constant 12288 : i32
          %parallel_loop3A_618 = arith.addi %parallel_loop3A_617, %parallel_loop3A_386 : i32
          %parallel_loop3A_619 = vector.broadcast %parallel_loop3A_618 : i32 to vector<16xi32>
          %parallel_loop3A_620 = arith.addi %mul3A_3, %parallel_loop3A_619 : vector<16xi32>
          tpu.vector_store_idx %arg11[%parallel_loop3A_620], %parallel_loop3A_616 : memref<16384xi32, #tpu.memory_space<vmem>>[vector<16xi32>], vector<16xi32>,
          %parallel_loop3A_621 = arith.constant 2 : i32
          %parallel_loop3A_622 = arith.muli %parallel_loop3A_621, %parallel_loop3A_94 : i32
          %parallel_loop3A_623 = arith.index_cast %parallel_loop3A_622 : i32 to index
          %parallel_loop3A_624 = arith.constant 208 : index
          %parallel_loop3A_625 = tpu.vector_load %arg9[%parallel_loop3A_623, %parallel_loop3A_624] {strides = array<i32>} : memref<64x256xf32, #tpu.memory_space<vmem>>, vector<16xf32>,
          %parallel_loop3A_626 = arith.constant 2 : i32
          %parallel_loop3A_627 = arith.muli %parallel_loop3A_626, %parallel_loop3A_94 : i32
          %parallel_loop3A_628 = arith.constant 1 : i32
          %parallel_loop3A_629 = arith.addi %parallel_loop3A_627, %parallel_loop3A_628 : i32
          %parallel_loop3A_630 = arith.index_cast %parallel_loop3A_629 : i32 to index
          %parallel_loop3A_631 = arith.constant 208 : index
          %parallel_loop3A_632 = tpu.vector_load %arg9[%parallel_loop3A_630, %parallel_loop3A_631] {strides = array<i32>} : memref<64x256xf32, #tpu.memory_space<vmem>>, vector<16xf32>,
          %parallel_loop3A_633 = tpu.pack_subelements %parallel_loop3A_625, %parallel_loop3A_632 {pack_format = #tpu.pack_format<interleaved>, positions = array<i32: 0, 1>} : vector<16xf32>, vector<16xf32> -> vector<32xbf16>
          %parallel_loop3A_634 = vector.bitcast %parallel_loop3A_633 : vector<32xbf16> to vector<16xi32>
          %parallel_loop3A_635 = arith.constant 13312 : i32
          %parallel_loop3A_636 = arith.addi %parallel_loop3A_635, %parallel_loop3A_386 : i32
          %parallel_loop3A_637 = vector.broadcast %parallel_loop3A_636 : i32 to vector<16xi32>
          %parallel_loop3A_638 = arith.addi %mul3A_3, %parallel_loop3A_637 : vector<16xi32>
          tpu.vector_store_idx %arg11[%parallel_loop3A_638], %parallel_loop3A_634 : memref<16384xi32, #tpu.memory_space<vmem>>[vector<16xi32>], vector<16xi32>,
          %parallel_loop3A_639 = arith.constant 2 : i32
          %parallel_loop3A_640 = arith.muli %parallel_loop3A_639, %parallel_loop3A_94 : i32
          %parallel_loop3A_641 = arith.index_cast %parallel_loop3A_640 : i32 to index
          %parallel_loop3A_642 = arith.constant 224 : index
          %parallel_loop3A_643 = tpu.vector_load %arg9[%parallel_loop3A_641, %parallel_loop3A_642] {strides = array<i32>} : memref<64x256xf32, #tpu.memory_space<vmem>>, vector<16xf32>,
          %parallel_loop3A_644 = arith.constant 2 : i32
          %parallel_loop3A_645 = arith.muli %parallel_loop3A_644, %parallel_loop3A_94 : i32
          %parallel_loop3A_646 = arith.constant 1 : i32
          %parallel_loop3A_647 = arith.addi %parallel_loop3A_645, %parallel_loop3A_646 : i32
          %parallel_loop3A_648 = arith.index_cast %parallel_loop3A_647 : i32 to index
          %parallel_loop3A_649 = arith.constant 224 : index
          %parallel_loop3A_650 = tpu.vector_load %arg9[%parallel_loop3A_648, %parallel_loop3A_649] {strides = array<i32>} : memref<64x256xf32, #tpu.memory_space<vmem>>, vector<16xf32>,
          %parallel_loop3A_651 = tpu.pack_subelements %parallel_loop3A_643, %parallel_loop3A_650 {pack_format = #tpu.pack_format<interleaved>, positions = array<i32: 0, 1>} : vector<16xf32>, vector<16xf32> -> vector<32xbf16>
          %parallel_loop3A_652 = vector.bitcast %parallel_loop3A_651 : vector<32xbf16> to vector<16xi32>
          %parallel_loop3A_653 = arith.constant 14336 : i32
          %parallel_loop3A_654 = arith.addi %parallel_loop3A_653, %parallel_loop3A_386 : i32
          %parallel_loop3A_655 = vector.broadcast %parallel_loop3A_654 : i32 to vector<16xi32>
          %parallel_loop3A_656 = arith.addi %mul3A_3, %parallel_loop3A_655 : vector<16xi32>
          tpu.vector_store_idx %arg11[%parallel_loop3A_656], %parallel_loop3A_652 : memref<16384xi32, #tpu.memory_space<vmem>>[vector<16xi32>], vector<16xi32>,
          %parallel_loop3A_657 = arith.constant 2 : i32
          %parallel_loop3A_658 = arith.muli %parallel_loop3A_657, %parallel_loop3A_94 : i32
          %parallel_loop3A_659 = arith.index_cast %parallel_loop3A_658 : i32 to index
          %parallel_loop3A_660 = arith.constant 240 : index
          %parallel_loop3A_661 = tpu.vector_load %arg9[%parallel_loop3A_659, %parallel_loop3A_660] {strides = array<i32>} : memref<64x256xf32, #tpu.memory_space<vmem>>, vector<16xf32>,
          %parallel_loop3A_662 = arith.constant 2 : i32
          %parallel_loop3A_663 = arith.muli %parallel_loop3A_662, %parallel_loop3A_94 : i32
          %parallel_loop3A_664 = arith.constant 1 : i32
          %parallel_loop3A_665 = arith.addi %parallel_loop3A_663, %parallel_loop3A_664 : i32
          %parallel_loop3A_666 = arith.index_cast %parallel_loop3A_665 : i32 to index
          %parallel_loop3A_667 = arith.constant 240 : index
          %parallel_loop3A_668 = tpu.vector_load %arg9[%parallel_loop3A_666, %parallel_loop3A_667] {strides = array<i32>} : memref<64x256xf32, #tpu.memory_space<vmem>>, vector<16xf32>,
          %parallel_loop3A_669 = tpu.pack_subelements %parallel_loop3A_661, %parallel_loop3A_668 {pack_format = #tpu.pack_format<interleaved>, positions = array<i32: 0, 1>} : vector<16xf32>, vector<16xf32> -> vector<32xbf16>
          %parallel_loop3A_670 = vector.bitcast %parallel_loop3A_669 : vector<32xbf16> to vector<16xi32>
          %parallel_loop3A_671 = arith.constant 15360 : i32
          %parallel_loop3A_672 = arith.addi %parallel_loop3A_671, %parallel_loop3A_386 : i32
          %parallel_loop3A_673 = vector.broadcast %parallel_loop3A_672 : i32 to vector<16xi32>
          %parallel_loop3A_674 = arith.addi %mul3A_3, %parallel_loop3A_673 : vector<16xi32>
          tpu.vector_store_idx %arg11[%parallel_loop3A_674], %parallel_loop3A_670 : memref<16384xi32, #tpu.memory_space<vmem>>[vector<16xi32>], vector<16xi32>,
        } {sc.loop_unroll_factor = 4 : i64, sc.parallel_access}
        %mul3A_91 = arith.constant 64 : i32
        %mul3A_92 = arith.muli %multiple_of3A, %mul3A_91 : i32
        %dma_start3A = tpu.memref_slice %arg5[%mul3A_92] : memref<64000000xi32, #tpu.memory_space<hbm>> -> memref<16384xi32, #tpu.memory_space<hbm>>
        %dma_start3A_93 = tpu.memref_slice %arg5[%mul3A_92] : memref<64000000xi32, #tpu.memory_space<hbm>> -> memref<16384xi32, #tpu.memory_space<hbm>>
        tpu.enqueue_dma source(%arg11 : memref<16384xi32, #tpu.memory_space<vmem>>) target(%dma_start3A_93 : memref<16384xi32, #tpu.memory_space<hbm>>) target_semaphore(%arg15 : memref<!tpu.dma_semaphore, #tpu.memory_space<semaphore_mem>>)
      } else {
      }
    }
    %scan3A_10 = arith.constant 63 : i32
    %eq3A = arith.constant 31 : i32
    %eq3A_11 = arith.cmpi eq, %add3A, %eq3A : i32
    %convert_element_type3A_12 = arith.extui %eq3A_11 : i1 to i32
    %cond3A_13 = arith.constant 0 : i32
    %cond3A_14 = arith.cmpi ne, %convert_element_type3A_12, %cond3A_13 : i32
    scf.if %cond3A_14 {
      "tpu.region"() ({
        %run_scoped3A = tpu.sem_alloc : memref<!tpu.dma_semaphore, #tpu.memory_space<semaphore_mem>>
        %dma_start3A = arith.constant 0 : i32
        %dma_start3A_15 = tpu.memref_slice %arg10[%dma_start3A] : memref<16384xi32, #tpu.memory_space<vmem>> -> memref<4096xi32, #tpu.memory_space<vmem>>
        %dma_start3A_16 = arith.constant 0 : i32
        %dma_start3A_17 = tpu.memref_slice %arg10[%dma_start3A_16] : memref<16384xi32, #tpu.memory_space<vmem>> -> memref<4096xi32, #tpu.memory_space<vmem>>
        tpu.enqueue_dma source(%arg4 : memref<4096xi32, #tpu.memory_space<hbm>>) target(%dma_start3A_17 : memref<4096xi32, #tpu.memory_space<vmem>>) target_semaphore(%run_scoped3A : memref<!tpu.dma_semaphore, #tpu.memory_space<semaphore_mem>>)
        %dma_wait3A = arith.constant 0 : i32
        %dma_wait3A_18 = tpu.memref_slice %arg10[%dma_wait3A] : memref<16384xi32, #tpu.memory_space<vmem>> -> memref<4096xi32, #tpu.memory_space<vmem>>
        %dma_wait3A_19 = arith.constant 0 : i32
        %dma_wait3A_20 = tpu.memref_slice %arg10[%dma_wait3A_19] : memref<16384xi32, #tpu.memory_space<vmem>> -> memref<4096xi32, #tpu.memory_space<vmem>>
        tpu.wait_dma2 semaphore(%run_scoped3A : memref<!tpu.dma_semaphore, #tpu.memory_space<semaphore_mem>>) src(%arg4 : memref<4096xi32, #tpu.memory_space<hbm>>) dst(%dma_wait3A_20 : memref<4096xi32, #tpu.memory_space<vmem>>)
        tpu.yield
      }) : () -> ()
      "tpu.region"() ({
        %run_scoped3A = tpu.sem_alloc : memref<!tpu.dma_semaphore, #tpu.memory_space<semaphore_mem>>
        %dma_start3A = arith.constant 0 : i32
        %dma_start3A_15 = tpu.memref_slice %arg10[%dma_start3A] : memref<16384xi32, #tpu.memory_space<vmem>> -> memref<4096xi32, #tpu.memory_space<vmem>>
        %dma_start3A_16 = arith.constant 63995904 : i32
        %dma_start3A_17 = tpu.memref_slice %arg5[%dma_start3A_16] : memref<64000000xi32, #tpu.memory_space<hbm>> -> memref<4096xi32, #tpu.memory_space<hbm>>
        %dma_start3A_18 = arith.constant 63995904 : i32
        %dma_start3A_19 = tpu.memref_slice %arg5[%dma_start3A_18] : memref<64000000xi32, #tpu.memory_space<hbm>> -> memref<4096xi32, #tpu.memory_space<hbm>>
        %dma_start3A_20 = arith.constant 0 : i32
        %dma_start3A_21 = tpu.memref_slice %arg10[%dma_start3A_20] : memref<16384xi32, #tpu.memory_space<vmem>> -> memref<4096xi32, #tpu.memory_space<vmem>>
        tpu.enqueue_dma source(%dma_start3A_21 : memref<4096xi32, #tpu.memory_space<vmem>>) target(%dma_start3A_19 : memref<4096xi32, #tpu.memory_space<hbm>>) target_semaphore(%run_scoped3A : memref<!tpu.dma_semaphore, #tpu.memory_space<semaphore_mem>>)
        %dma_wait3A = arith.constant 0 : i32
        %dma_wait3A_22 = tpu.memref_slice %arg10[%dma_wait3A] : memref<16384xi32, #tpu.memory_space<vmem>> -> memref<4096xi32, #tpu.memory_space<vmem>>
        %dma_wait3A_23 = arith.constant 63995904 : i32
        %dma_wait3A_24 = tpu.memref_slice %arg5[%dma_wait3A_23] : memref<64000000xi32, #tpu.memory_space<hbm>> -> memref<4096xi32, #tpu.memory_space<hbm>>
        %dma_wait3A_25 = arith.constant 63995904 : i32
        %dma_wait3A_26 = tpu.memref_slice %arg5[%dma_wait3A_25] : memref<64000000xi32, #tpu.memory_space<hbm>> -> memref<4096xi32, #tpu.memory_space<hbm>>
        %dma_wait3A_27 = arith.constant 0 : i32
        %dma_wait3A_28 = tpu.memref_slice %arg10[%dma_wait3A_27] : memref<16384xi32, #tpu.memory_space<vmem>> -> memref<4096xi32, #tpu.memory_space<vmem>>
        tpu.wait_dma2 semaphore(%run_scoped3A : memref<!tpu.dma_semaphore, #tpu.memory_space<semaphore_mem>>) src(%dma_wait3A_28 : memref<4096xi32, #tpu.memory_space<vmem>>) dst(%dma_wait3A_26 : memref<4096xi32, #tpu.memory_space<hbm>>)
        tpu.yield
      }) : () -> ()
    } else {
    }
    return
  }
}

</mosaic_0001>

<sc_bundles>
// kernel: _sc_relayout.3.cloned.1.call-start
scs
__scs_entry_jumppad:
0x0: {  	(pc) =	sbr.rel $0x88, $3  }
0x1: {  	(tag) =	ssettag $0x0;
	lr =	simm.s32 $0x1  }
0x2: {  	[smem:$0x3F9E] =	sst lr;
	_ =	strace $0xD0000000  }
0x3: {  	_ = 	snop  }
0x4: {  	_ = 	snop  }
0x5: {  	_ = 	snop  }
0x6: {  	_ = 	snop  }
0x7: {  	_ = 	snop  }
__scs_overlays_trampoline_lowered:
0x8: {  	[smem:$0x3FAD] =	sst s0  }
0x9: {  	[smem:$0x3FAE] =	sst s1  }
0xa: {  	[smem:$0x3FAF] =	sst s2  }
0xb: {  	[smem:$0x3FB0] =	sst s3  }
0xc: {  	[smem:$0x3FB1] =	sst s4  }
0xd: {  	[smem:$0x3FB2] =	sst s5  }
0xe: {  	[smem:$0x3FB3] =	sst s6  }
0xf: {  	[smem:$0x3FB4] =	sst s7  }
0x10: {  	[smem:$0x3FB5] =	sst s8  }
0x11: {  	[smem:$0x3FB6] =	sst s9;
	s0 =	simm.s32 @!p0 $0x0  }
0x12: {  	s1 =	sld [smem:$0x3F9C];
	s0 =	simm.s32 @p0 $0x1  }
0x13: {  	[smem:$0x3FB7] =	sst s0;
	s0 =	simm.s32 @!p1 $0x0  }
0x14: {  	s2 =	sld [smem:$0x3F9B];
	s0 =	simm.s32 @p1 $0x1  }
0x15: {  	[smem:$0x3FB8] =	sst s0;
	s0 =	simm.s32 @!p2 $0x0  }
0x16: {  	s3 =	sld [smem:$0x3FDB];
	s0 =	simm.s32 @p2 $0x1  }
0x17: {  	s4 =	simm.s32 $0x1BF5;
	[smem:$0x3FBA] =	sst s0  }
0x18: {  	s0 =	sld [smem:$0x3F9D];
	_ =	swait.ge [sflag:s4], $0x0  }
0x19: {  	s7 =	sld [smem:$0x3F9E]  }
0x1a: {  	s8 =	sadd.s32 $0xFFFFE003, lr  }
0x1b: {  	s9 =	sadd.s32 $0xFFFFFEF7, lr;
	s5 =	simm.s32 $0xFFFFFFFF;
	p2 =	slt.u32 s8, $0xFFFFF086  }
0x1c: {  	p1 =	slt.u32 s9, $0xF7A;
	s5 =	simm.s32 @!p2 $0x0  }
0x1d: {  	s5 =	simm.s32 @p1 $0x1;
	p0 =	seq.s32 s7, s2  }
0x1e: {  	s7 =	smul.u32 @!p0 $0xF7A, s2;
	p2 =	seq.s32 @!p0 s5, $0x0  }
0x1f: {  	s9 =	smul.u32 $0xF7A, s1;
	s8 =	simm.s32 @!p0 $0x1BF5;
	p2 =	por !p2, p0  }
0x20: {  	[sflag:s8] =	ssyncset.s32 @!p0 $0xFFFFF086;
	s6 =	sadd.s32 @!p0 s3, s7;
	s7 =	simm.s32 @!p0 $0x108  }
0x21: {  	s3 =	sadd.s32 s3, s9;
	s6 =	sadd.s32 @!p0 $0x88, s6;
	s7 =	simm.s32 @p2 $0x1082  }
0x22: {  	[simem:s7], [sflag:s8] =	dma.local @!p0 [hbm:s6], $0xF7A  }
0x23: {  	s9 =	sor.u32 $0xD0000000, s2;
	s6 =	simm.s32 $0x108;
	_ =	swait.ge @!p0 [sflag:s8], $0x0  }
0x24: {  	s3 =	sadd.s32 $0x88, s3;
	s6 =	simm.s32 @!p1 $0x1082;
	[sflag:s4] =	ssyncset.s32 $0xFFFFF086  }
0x25: {  	[simem:s6], [sflag:s4] =	dma.local [hbm:s3], $0xF7A  }
0x26: {  	[smem:$0x3F9E] =	sst s1;
	(tag) =	ssettag s2;
	_ =	strace s9  }
0x27: {  	s1 =	sld [smem:$0x3FAE]  }
0x28: {  	s2 =	sld [smem:$0x3FAF]  }
0x29: {  	s4 =	sld [smem:$0x3FB1]  }
0x2a: {  	p0 =	seq.s32 s5, $0x0;
	s5 =	sld [smem:$0x3FB2]  }
0x2b: {  	s6 =	sld [smem:$0x3FB3]  }
0x2c: {  	s7 =	sld [smem:$0x3FB4]  }
0x2d: {  	s3 =	simm.s32 $0x108;
	s8 =	sld [smem:$0x3FB5]  }
0x2e: {  	s3 =	simm.s32 @!p0 $0x1082;
	s9 =	sld [smem:$0x3FB6]  }
0x2f: {  	lr =	sadd.s32 s0, s3;
	s0 =	sld [smem:$0x3FAD]  }
0x30: {  	s3 =	sld [smem:$0x3FB0]  }
0x31: {  	[smem:$0x3FB9] =	sst s10  }
0x32: {  	s10 =	sld [smem:$0x3FB7];
	_ =	sdelay $0x3  }
0x33: {  	p0 =	seq.s32 s10, $0x1;
	s10 =	sld [smem:$0x3FB9];
	_ =	sdelay $0x3  }
0x34: {  	[smem:$0x3FB9] =	sst s10  }
0x35: {  	s10 =	sld [smem:$0x3FB8];
	_ =	sdelay $0x3  }
0x36: {  	p1 =	seq.s32 s10, $0x1;
	s10 =	sld [smem:$0x3FB9];
	_ =	sdelay $0x3  }
0x37: {  	[smem:$0x3FB9] =	sst s10  }
0x38: {  	s10 =	sld [smem:$0x3FBA]  }
0x39: {  	_ = 	snop;
	(pc) =	sbr.ind lr, $3  }
0x3a: {  	_ = 	snop  }
0x3b: {  	_ = 	snop  }
0x3c: {  	p2 =	seq.s32 s10, $0x1;
	s10 =	sld [smem:$0x3FB9]  }
0x3d: {  	_ =	shalt  }
0x3e: {  	_ =	shalt  }
0x3f: {  	_ =	shalt  }
0x40: {  	_ =	shalt  }
0x41: {  	_ =	shalt  }
0x42: {  	_ =	shalt  }
0x43: {  	_ =	shalt  }
0x44: {  	_ =	shalt  }
0x45: {  	_ =	shalt  }
0x46: {  	_ =	shalt  }
0x47: {  	_ =	shalt  }
0x48: {  	_ =	shalt  }
0x49: {  	_ =	shalt  }
0x4a: {  	_ =	shalt  }
0x4b: {  	_ =	shalt  }
0x4c: {  	_ =	shalt  }
0x4d: {  	_ =	shalt  }
0x4e: {  	_ =	shalt  }
0x4f: {  	_ =	shalt  }
0x50: {  	_ =	shalt  }
0x51: {  	_ =	shalt  }
0x52: {  	_ =	shalt  }
0x53: {  	_ =	shalt  }
0x54: {  	_ =	shalt  }
0x55: {  	_ =	shalt  }
0x56: {  	_ =	shalt  }
0x57: {  	_ =	shalt  }
0x58: {  	_ =	shalt  }
0x59: {  	_ =	shalt  }
0x5a: {  	_ =	shalt  }
0x5b: {  	_ =	shalt  }
0x5c: {  	_ =	shalt  }
0x5d: {  	_ =	shalt  }
0x5e: {  	_ =	shalt  }
0x5f: {  	_ =	shalt  }
0x60: {  	_ =	shalt  }
0x61: {  	_ =	shalt  }
0x62: {  	_ =	shalt  }
0x63: {  	_ =	shalt  }
0x64: {  	_ =	shalt  }
0x65: {  	_ =	shalt  }
0x66: {  	_ =	shalt  }
0x67: {  	_ =	shalt  }
0x68: {  	_ =	shalt  }
0x69: {  	_ =	shalt  }
0x6a: {  	_ =	shalt  }
0x6b: {  	_ =	shalt  }
0x6c: {  	_ =	shalt  }
0x6d: {  	_ =	shalt  }
0x6e: {  	_ =	shalt  }
0x6f: {  	_ =	shalt  }
0x70: {  	_ =	shalt  }
0x71: {  	_ =	shalt  }
0x72: {  	_ =	shalt  }
0x73: {  	_ =	shalt  }
0x74: {  	_ =	shalt  }
0x75: {  	_ =	shalt  }
0x76: {  	_ =	shalt  }
0x77: {  	_ =	shalt  }
0x78: {  	_ =	shalt  }
0x79: {  	_ =	shalt  }
0x7a: {  	_ =	shalt  }
0x7b: {  	_ =	shalt  }
0x7c: {  	_ =	shalt  }
0x7d: {  	_ =	shalt  }
0x7e: {  	_ =	shalt  }
0x7f: {  	_ =	shalt  }
0x80: {  	_ =	shalt  }
0x81: {  	_ =	shalt  }
0x82: {  	_ =	shalt  }
0x83: {  	_ =	shalt  }
0x84: {  	_ =	shalt  }
0x85: {  	_ =	shalt  }
0x86: {  	_ =	shalt  }
0x87: {  	_ =	shalt  }
.Lfunc_end0:
.L_simem_size_0:
called_computation_lowered:
.L_overlay_start_0:
0x88: {  	s2 =	sld [smem:$0x3FD9]  }
0x89: {  	s3 =	sld [smem:$0x3FFE];
	_ =	sdelay $0x1  }
0x8a: {  	s1 =	srdreg.scid  }
0x8b: {  	s0 =	sand.u32 $0x1, s1  }
0x8c: {  	s18 =	sshll.u32 s0, $0xA;
	s2 =	sadd.s32 s3, s2  }
0x8d: {  	s2 =	sadd.s32 s2, s18  }
0x8e: {  	[smem:$0x3FC5] =	sst s2  }
0x8f: {  	_ = 	snop  }
0x90: {  	s2 =	sld [smem:$0x3FC9]  }
0x91: {  	s19 =	sld [smem:$0x3FC8]  }
0x92: {  	s4 =	sld [smem:$0x3FC7]  }
0x93: {  	s5 =	sld [smem:$0x3FD0];
	(tm) =	ssettm $0x1  }
0x94: {  	s6 =	sld [smem:$0x3FFB];
	_ =	sdelay $0x3  }
0x95: {  	_ =	strace s6  }
0x96: {  	s6 =	sld [smem:$0x3FFC];
	_ =	sdelay $0x3  }
0x97: {  	_ =	strace s6  }
0x98: {  	s6 =	sld [smem:$0x3FFD];
	_ =	sdelay $0x3  }
0x99: {  	_ =	strace s6  }
0x9a: {  	_ =	strace $0x8FFFFFFF  }
0x9b: {  	s20 =	sld [smem:$0x3FDB];
	_ =	sdelay $0x1  }
0x9c: {  	s7 =	simm.s32 $_scs_section_size  }
0x9d: {  	s8 =	simm.s32 $_size__tile_overlayer_lowered;
	s9 =	simm.s32 $_tile_overlayer_lowered  }
0x9e: {  	s23 =	simm.s32 $0x1BFF;
	s22 =	sshll.u32 s9, $0x1;
	s6 =	sadd.s32 s7, s20  }
0x9f: {  	s10 =	simm.s32 $0x0;
	s21 =	sshll.u32 s8, $0x1;
	s8 =	sadd.s32 s22, s6  }
0xa0: {  	[timem:s10], [sflag:s23] =	dma.local [hbm:s8], s21  }
0xa1: {  	_ =	swait.ge [sflag:s23], s21  }
0xa2: {  	s7 =	ssub.s32 $0x0, s21;
	[sflag:s23] =	ssyncset.done $0x0  }
0xa3: {  	[sflag:s23] =	ssyncadd.s32 s7;
	_ =	sdelay $0x1  }
0xa4: {  	s24 =	simm.s32 $0x1B8B  }
0xa5: {  	_ =	swait.ge [sflag:s24], $0x1  }
0xa6: {  	[sflag:s24] =	ssyncset.done $0x0  }
0xa7: {  	s25 =	simm.s32 $0x1B8E;
	[sflag:s24] =	ssyncadd.s32 $0xFFFFFFFF  }
0xa8: {  	s26 =	simm.s32 $execute0_lowered;
	[smem:$0x3FD2] =	sst s25  }
0xa9: {  	s7 =	sshll.u32 s26, $0x1;
	_ =	strace $0x80000046;
	[dreg:$0x1] =	wrdreg $0xFFFFFFFF  }
0xaa: {  	s28 =	simm.s32 $_size_execute0_lowered;
	s6 =	sadd.s32 s6, s7;
	[dreg:$0x0] =	wrdreg $0x0  }
0xab: {  	s7 =	sshll.u32 s28, $0x1;
	[dreg:$0x2] =	wrdreg s6  }
0xac: {  	[dreg:$0x3] =	wrdreg s7  }
0xad: {  	[dreg:$0x4] =	wrdreg $0xC0  }
0xae: {  	_ =	task [dreg:s10], $0x5FFFF  }
0xaf: {  	[dreg:$0x1] =	wrdreg $0xFFFFFFFF  }
0xb0: {  	[dreg:$0x0] =	wrdreg $0x60  }
0xb1: {  	[dreg:$0x2] =	wrdreg s2  }
0xb2: {  	[dreg:$0x3] =	wrdreg s19  }
0xb3: {  	[dreg:$0x4] =	wrdreg s4  }
0xb4: {  	[dreg:$0x5] =	wrdreg s5  }
0xb5: {  	[dreg:$0x6] =	wrdreg $0x9  }
0xb6: {  	_ =	task.clear_ibuf [dreg:s10], $0x7FFFF;
	_ =	strace $0x90000046  }
0xb7: {  	s29 =	simm.s32 $0x9;
	_ =	strace $0x80000048  }
0xb8: {  	_ =	swait.ge [sflag:s29], $0x1  }
0xb9: {  	[sflag:s29] =	ssyncadd.s32 $0xFFFFFFFF  }
0xba: {  	_ =	strace $0x90000048  }
0xbb: {  	_ =	sfence  }
0xbc: {  	s30 =	sld [smem:$0x0];
	_ =	sdelay $0x2  }
0xbd: {  	s31 =	sshll.u32 s1, $0xD;
	s1 =	sshrl.u32 s1, $0x2  }
0xbe: {  	s3 =	sand.u32 $0x4000, s31;
	s1 =	sadd.s32 s1, s30  }
0xbf: {  	s0 =	sor.u32 s3, s0;
	s1 =	sshll.u32 s1, $0x11  }
0xc0: {  	s0 =	sor.u32 s1, s0  }
0xc1: {  	s0 =	sadd.s32 $0x8F2B, s0  }
0xc2: {  	[sflag:s0] =	ssyncadd.remote.s32 $0x1  }
0xc3: {  	_ =	sfence.sel $0xFFFF  }
0xc4: {  	[dreg:$0x0] =	wrdreg $0xFFFFFFFF;
	(pc) =	sbr.abs _section_cstart, $3  }
0xc5: {  	[dreg:$0x1] =	wrdreg $0xFFFFFFFF  }
0xc6: {  	_ =	task.clear_ibuf [dreg:s10], $0x2FFFF;
	_ =	strace $0x9FFFFFFF  }
0xc7: {  	(tm) =	ssettm $0x7FFFFFFF  }
tec
execute0_lowered:
.L_overlay_start_1:
0x0: {  	(tag) =	ssettag $0x1  }
0x1: {  	s1 =	rddreg [dreg:$0x0]  }
0x2: {  	s3 =	rddreg [dreg:$0x1]  }
0x3: {  	s4 =	rddreg [dreg:$0x2]  }
0x4: {  	s5 =	rddreg [dreg:$0x3];
	s6 =	srdreg.scid  }
0x5: {  	s2 =	stileid.u32;
	s0 =	rddreg [dreg:$0x4]  }
0x6: {  	s13 =	simm.s32 $0x800;
	s14 =	simm.s32 $0x7A1400;
	s15 =	simm.s32 $0x4000  }
0x7: {  	s16 =	simm.s32 $0x1;
	s17 =	simm.s32 $0x10000;
	s18 =	simm.s32 $0x14000  }
0x8: {  	s19 =	simm.s32 $0x0;
	s7 =	sand.u32 $0x1, s6;
	s8 =	sshll.u32 s2, $0x1  }
.Ltmp0:
0x9: {  	s6 =	simm.s32 $0x0;
	s11 =	sadd.s32 $0x7A1000, s5;
	(pc) =	sbr.rel .LBB2_1-.Ltmp0, $4  }
0xa: {  	s9 =	ssub.s32 $0x2, s7;
	s7 =	sor.u32 s7, s8;
	[smem:$0x7FF] =	sst s6  }
0xb: {  	s31 =	sshrl.u32 s9, $0x1;
	s10 =	sshll.u32 s7, $0x8;
	_ =	strace $0x80000047  }
0xc: {  	v0 =	vlaneseq.u32;
	p0 =	sne.s32 s7, $0x1F;
	s12 =	ssub.s32 s9, s31;
	s8 =	sadd.s32 s1, s10  }
0xd: {  	v0 =	vmul.u32 $0x40, v0;
	s9 =	sadd.s32 s3, s10;
	s10 =	sor.u32 $0x40, s7;
	s12 =	smax.u32 s12, $0x1  }
.LBB2_11:
0xe: {  	s20 =	simm.s32 @!p0 $0x0;
	s21 =	simm.s32 @!p0 $0x10000;
	s22 =	simm.s32 @!p0 $0x5  }
0xf: {  	[tilespmem:s21], [sflag:$0x5] =	stream.linear.gather @!p0 [hbm4b:s4+s20], $0x1000, $0x38;
	[tilespmem:$0x18000] =	vst v63  }
0x10: {  	s19 =	sadd.s32 $0x1, s19;
	_ =	swait.ge @!p0 [sflag:s22], $0x1000  }
0x11: {  	p1 =	sne.s32 s19, s12;
	[sflag:s22] =	ssyncset.done @!p0 $0x0  }
.Ltmp1:
0x12: {  	[sflag:s22] =	ssyncadd.s32 @!p0 $0xFFFFF000;
	(pc) =	sbr.rel @!p1 .LBB2_12-.Ltmp1, $4  }
0x13: {  	[hbm4b:s11+s20] =	stream.linear.scatter @!p0 [tilespmem:s21], [sflag:$0x5], $0x1000, $0x38;
	[tilespmem:$0x18000] =	vst v63  }
0x14: {  	_ =	swait.ge @!p0 [sflag:s22], $0x1000  }
0x15: {  	[sflag:s22] =	ssyncset.done @!p0 $0x0  }
0x16: {  	[sflag:s22] =	ssyncadd.s32 @!p0 $0xFFFFF000  }
.LBB2_1:
.Ltmp2:
0x17: {  	(pc) =	sbr.rel .LBB2_2-.Ltmp2, $4  }
0x18: {  	_ = 	snop  }
0x19: {  	[tilespmem:s6], [sflag:$0x1] =	stream.strided.gather [hbm4b:s8+s13], $0x4000, s14, s13, $0x38;
	[tilespmem:$0x18000] =	vst v63  }
0x1a: {  	s20 =	simm.s32 $0x0  }
0x1b: {  	[tilespmem:s15], [sflag:$0x1] =	stream.strided.gather [hbm4b:s9+s13], $0x4000, s14, s13, $0x38;
	[tilespmem:$0x18000] =	vst v63  }
.LBB2_10:
0x1c: {  	s20 =	sadd.s32 $0x1, s20  }
0x1d: {  	p1 =	sne.s32 s20, $0x3F  }
.Ltmp3:
0x1e: {  	_ = 	snop;
	(pc) =	sbr.rel @!p1 .LBB2_11-.Ltmp3, $1  }
0x1f: {  	_ =	sdelay $0x3  }
.LBB2_2:
0x20: {  	s22 =	sshll.u32 s20, $0x6  }
0x21: {  	p1 =	seq.s32 s20, $0x0;
	s23 =	sor.u32 s7, s22  }
0x22: {  	p2 =	sgt.u32 @!p1 s23, $0xF81;
	p3 =	sgt.u32 s23, $0xF41  }
.Ltmp4:
0x23: {  	p2 =	por p2, p1;
	(pc) =	sbr.rel @p3 .LBB2_6-.Ltmp4, $4  }
0x24: {  	s24 =	simm.s32 @!p2 $0x3  }
0x25: {  	_ =	swait.ge @!p2 [sflag:s24], $0x4000  }
0x26: {  	[sflag:s24] =	ssyncset.done @!p2 $0x0  }
0x27: {  	s21 =	sor.u32 $0x20, s23;
	[sflag:s24] =	ssyncadd.s32 @!p2 $0xFFFFC000;
	p2 =	por $0x0, $0x0  }
0x28: {  	_ =	swait.ge [sflag:s16], $0x4000  }
0x29: {  	[sflag:s16] =	ssyncset.done $0x0  }
0x2a: {  	p2 =	sgt.u32 s21, $0xF41;
	[sflag:s16] =	ssyncadd.s32 $0xFFFFC000  }
0x2b: {  	s24 =	sshll.u32 @!p2 s21, $0x8;
	_ =	swait.ge [sflag:s16], $0x4000  }
0x2c: {  	s26 =	simm.s32 @!p2 $0x800;
	s28 =	simm.s32 @!p2 $0x7A1400;
	[sflag:s16] =	ssyncset.done $0x0  }
0x2d: {  	s29 =	simm.s32 @!p2 $0x8000;
	s25 =	sadd.s32 @!p2 s1, s24;
	[sflag:s16] =	ssyncadd.s32 $0xFFFFC000  }
0x2e: {  	[tilespmem:s29], [sflag:$0x2] =	stream.strided.gather @!p2 [hbm4b:s25+s26], $0x4000, s28, s26, $0x38;
	[tilespmem:$0x18000] =	vst v63  }
0x2f: {  	s24 =	sadd.s32 @!p2 s3, s24;
	s25 =	simm.s32 @!p2 $0xC000  }
0x30: {  	[tilespmem:s25], [sflag:$0x2] =	stream.strided.gather @!p2 [hbm4b:s24+s26], $0x4000, s28, s26, $0x38;
	[tilespmem:$0x18000] =	vst v63  }
0x31: {  	s25 =	simm.s32 $0x0  }
0x32: {  	v1 =	vld [tilespmem:s25+$0x0]  }
0x33: {  	s24 =	simm.s32 $0x0;
	v2 =	vld [tilespmem:s25+$0x80]  }
0x34: {  	v3 =	vor.u32 s24, v0;
	v4 =	vld [tilespmem:s25+$0x100]  }
0x35: {  	s31 =	sor.u32 $0x1, s24;
	v5 =	vld [tilespmem:s25+$0x180];
	s29 =	sor.u32 $0x200, s25  }
0x36: {  	s30 =	sor.u32 $0x280, s25;
	v6 =	vor.u32 s31, v0;
	v7 =	vld [tilespmem:s29+$0x0]  }
0x37: {  	s31 =	sor.u32 $0x2, s24;
	v8 =	vld [tilespmem:s30+$0x0];
	s29 =	sor.u32 $0x300, s25  }
0x38: {  	s30 =	sor.u32 $0x380, s25;
	v9 =	vor.u32 s31, v0;
	v1 =	vpack.i.f32.bf16 v2, v1;
	v2 =	vld [tilespmem:s29+$0x0]  }
0x39: {  	s31 =	sor.u32 $0x3, s24;
	[tilespmem:v3+s17+$0x0] =	vst.idx.msk $0xffff, v1;
	v1 =	vld [tilespmem:s30+$0x0]  }
0x3a: {  	v4 =	vpack.i.f32.bf16 v5, v4;
	v5 =	vor.u32 s31, v0;
	v3 =	vld [tilespmem:s25+$0x10]  }
0x3b: {  	s29 =	sor.u32 $0x400, s24;
	[tilespmem:v6+s17+$0x0] =	vst.idx.msk $0xffff, v4;
	v10 =	vld [tilespmem:s25+$0x90]  }
0x3c: {  	v4 =	vor.u32 s29, v0;
	v7 =	vpack.i.f32.bf16 v8, v7;
	v6 =	vld [tilespmem:s25+$0x110]  }
0x3d: {  	s31 =	sor.u32 $0x210, s25;
	s30 =	sor.u32 $0x401, s24;
	v8 =	vld [tilespmem:s25+$0x190];
	[tilespmem:v9+s17+$0x0] =	vst.idx.msk $0xffff, v7  }
0x3e: {  	s28 =	sor.u32 $0x290, s25;
	v7 =	vor.u32 s30, v0;
	v9 =	vld [tilespmem:s31+$0x0];
	v1 =	vpack.i.f32.bf16 v1, v2  }
0x3f: {  	s29 =	sor.u32 $0x402, s24;
	s30 =	sor.u32 $0x310, s25;
	v2 =	vld [tilespmem:s28+$0x0];
	[tilespmem:v5+s17+$0x0] =	vst.idx.msk $0xffff, v1  }
0x40: {  	s31 =	sor.u32 $0x390, s25;
	v1 =	vpack.i.f32.bf16 v10, v3;
	v3 =	vor.u32 s29, v0;
	v5 =	vld [tilespmem:s30+$0x0]  }
0x41: {  	s28 =	sor.u32 $0x403, s24;
	[tilespmem:v4+s17+$0x0] =	vst.idx.msk $0xffff, v1;
	v1 =	vld [tilespmem:s31+$0x0]  }
0x42: {  	v6 =	vpack.i.f32.bf16 v8, v6;
	v8 =	vor.u32 s28, v0;
	v4 =	vld [tilespmem:s25+$0x20]  }
0x43: {  	s29 =	sor.u32 $0x800, s24;
	[tilespmem:v7+s17+$0x0] =	vst.idx.msk $0xffff, v6;
	v56 =	vld [tilespmem:s25+$0xA0]  }
0x44: {  	v6 =	vor.u32 s29, v0;
	v7 =	vld [tilespmem:s25+$0x120];
	v2 =	vpack.i.f32.bf16 v2, v9  }
0x45: {  	s30 =	sor.u32 $0x801, s24;
	s31 =	sor.u32 $0x220, s25;
	v57 =	vld [tilespmem:s25+$0x1A0];
	[tilespmem:v3+s17+$0x0] =	vst.idx.msk $0xffff, v2  }
0x46: {  	s28 =	sor.u32 $0x2A0, s25;
	v2 =	vor.u32 s30, v0;
	v3 =	vld [tilespmem:s31+$0x0];
	v1 =	vpack.i.f32.bf16 v1, v5  }
0x47: {  	s29 =	sor.u32 $0x802, s24;
	s30 =	sor.u32 $0x320, s25;
	v5 =	vld [tilespmem:s28+$0x0];
	[tilespmem:v8+s17+$0x0] =	vst.idx.msk $0xffff, v1  }
0x48: {  	s31 =	sor.u32 $0x3A0, s25;
	v1 =	vpack.i.f32.bf16 v56, v4;
	v4 =	vor.u32 s29, v0;
	v8 =	vld [tilespmem:s30+$0x0]  }
0x49: {  	s28 =	sor.u32 $0x803, s24;
	[tilespmem:v6+s17+$0x0] =	vst.idx.msk $0xffff, v1;
	v1 =	vld [tilespmem:s31+$0x0]  }
0x4a: {  	v7 =	vpack.i.f32.bf16 v57, v7;
	v58 =	vor.u32 s28, v0;
	v6 =	vld [tilespmem:s25+$0x30]  }
0x4b: {  	s29 =	sor.u32 $0xC00, s24;
	v59 =	vld [tilespmem:s25+$0xB0];
	[tilespmem:v2+s17+$0x0] =	vst.idx.msk $0xffff, v7  }
0x4c: {  	v2 =	vor.u32 s29, v0;
	v7 =	vld [tilespmem:s25+$0x130];
	v3 =	vpack.i.f32.bf16 v5, v3  }
0x4d: {  	s30 =	sor.u32 $0xC01, s24;
	s31 =	sor.u32 $0x230, s25;
	v5 =	vld [tilespmem:s25+$0x1B0];
	[tilespmem:v4+s17+$0x0] =	vst.idx.msk $0xffff, v3  }
0x4e: {  	s28 =	sor.u32 $0x2B0, s25;
	v3 =	vor.u32 s30, v0;
	v4 =	vld [tilespmem:s31+$0x0];
	v1 =	vpack.i.f32.bf16 v1, v8  }
0x4f: {  	s29 =	sor.u32 $0xC02, s24;
	s30 =	sor.u32 $0x330, s25;
	v8 =	vld [tilespmem:s28+$0x0];
	[tilespmem:v58+s17+$0x0] =	vst.idx.msk $0xffff, v1  }
0x50: {  	s31 =	sor.u32 $0x3B0, s25;
	v1 =	vpack.i.f32.bf16 v59, v6;
	v6 =	vor.u32 s29, v0;
	v9 =	vld [tilespmem:s30+$0x0]  }
0x51: {  	s28 =	sor.u32 $0xC03, s24;
	[tilespmem:v2+s17+$0x0] =	vst.idx.msk $0xffff, v1;
	v1 =	vld [tilespmem:s31+$0x0]  }
0x52: {  	v2 =	vld [tilespmem:s25+$0x40];
	v5 =	vpack.i.f32.bf16 v5, v7;
	v7 =	vor.u32 s28, v0  }
0x53: {  	s29 =	sor.u32 $0x1000, s24;
	v60 =	vld [tilespmem:s25+$0xC0];
	[tilespmem:v3+s17+$0x0] =	vst.idx.msk $0xffff, v5  }
0x54: {  	v3 =	vor.u32 s29, v0;
	v5 =	vld [tilespmem:s25+$0x140];
	v4 =	vpack.i.f32.bf16 v8, v4  }
0x55: {  	s30 =	sor.u32 $0x1001, s24;
	s31 =	sor.u32 $0x240, s25;
	v8 =	vld [tilespmem:s25+$0x1C0];
	[tilespmem:v6+s17+$0x0] =	vst.idx.msk $0xffff, v4  }
0x56: {  	s28 =	sor.u32 $0x2C0, s25;
	v4 =	vor.u32 s30, v0;
	v6 =	vld [tilespmem:s31+$0x0];
	v1 =	vpack.i.f32.bf16 v1, v9  }
0x57: {  	s29 =	sor.u32 $0x1002, s24;
	s30 =	sor.u32 $0x340, s25;
	v61 =	vld [tilespmem:s28+$0x0];
	[tilespmem:v7+s17+$0x0] =	vst.idx.msk $0xffff, v1  }
0x58: {  	s31 =	sor.u32 $0x3C0, s25;
	v1 =	vpack.i.f32.bf16 v60, v2;
	v2 =	vor.u32 s29, v0;
	v7 =	vld [tilespmem:s30+$0x0]  }
0x59: {  	s28 =	sor.u32 $0x1003, s24;
	[tilespmem:v3+s17+$0x0] =	vst.idx.msk $0xffff, v1;
	v1 =	vld [tilespmem:s31+$0x0]  }
0x5a: {  	v3 =	vld [tilespmem:s25+$0x50];
	v5 =	vpack.i.f32.bf16 v8, v5;
	v8 =	vor.u32 s28, v0  }
0x5b: {  	s29 =	sor.u32 $0x1400, s24;
	v62 =	vld [tilespmem:s25+$0xD0];
	[tilespmem:v4+s17+$0x0] =	vst.idx.msk $0xffff, v5  }
0x5c: {  	v4 =	vor.u32 s29, v0;
	v5 =	vld [tilespmem:s25+$0x150];
	v6 =	vpack.i.f32.bf16 v61, v6  }
0x5d: {  	s30 =	sor.u32 $0x1401, s24;
	s31 =	sor.u32 $0x250, s25;
	v63 =	vld [tilespmem:s25+$0x1D0];
	[tilespmem:v2+s17+$0x0] =	vst.idx.msk $0xffff, v6  }
0x5e: {  	s28 =	sor.u32 $0x2D0, s25;
	v2 =	vor.u32 s30, v0;
	v6 =	vld [tilespmem:s31+$0x0];
	v1 =	vpack.i.f32.bf16 v1, v7  }
0x5f: {  	s29 =	sor.u32 $0x1402, s24;
	s30 =	sor.u32 $0x350, s25;
	v7 =	vld [tilespmem:s28+$0x0];
	[tilespmem:v8+s17+$0x0] =	vst.idx.msk $0xffff, v1  }
0x60: {  	s31 =	sor.u32 $0x3D0, s25;
	v1 =	vpack.i.f32.bf16 v62, v3;
	v3 =	vor.u32 s29, v0;
	v8 =	vld [tilespmem:s30+$0x0]  }
0x61: {  	s28 =	sor.u32 $0x1403, s24;
	[tilespmem:v4+s17+$0x0] =	vst.idx.msk $0xffff, v1;
	v1 =	vld [tilespmem:s31+$0x0]  }
0x62: {  	v12 =	vor.u32 s28, v0;
	v4 =	vld [tilespmem:s25+$0x60];
	v5 =	vpack.i.f32.bf16 v63, v5  }
0x63: {  	s29 =	sor.u32 $0x1800, s24;
	v13 =	vld [tilespmem:s25+$0xE0];
	[tilespmem:v2+s17+$0x0] =	vst.idx.msk $0xffff, v5  }
0x64: {  	v2 =	vor.u32 s29, v0;
	v5 =	vld [tilespmem:s25+$0x160];
	v6 =	vpack.i.f32.bf16 v7, v6  }
0x65: {  	s30 =	sor.u32 $0x1801, s24;
	s31 =	sor.u32 $0x260, s25;
	v7 =	vld [tilespmem:s25+$0x1E0];
	[tilespmem:v3+s17+$0x0] =	vst.idx.msk $0xffff, v6  }
0x66: {  	s29 =	sor.u32 $0x2E0, s25;
	v3 =	vor.u32 s30, v0;
	v6 =	vld [tilespmem:s31+$0x0];
	v1 =	vpack.i.f32.bf16 v1, v8  }
0x67: {  	s30 =	sor.u32 $0x1802, s24;
	v8 =	vld [tilespmem:s29+$0x0];
	s31 =	sor.u32 $0x360, s25;
	[tilespmem:v12+s17+$0x0] =	vst.idx.msk $0xffff, v1  }
0x68: {  	s28 =	sor.u32 $0x3E0, s25;
	v1 =	vpack.i.f32.bf16 v13, v4;
	v4 =	vor.u32 s30, v0;
	v9 =	vld [tilespmem:s31+$0x0]  }
0x69: {  	s29 =	sor.u32 $0x1803, s24;
	[tilespmem:v2+s17+$0x0] =	vst.idx.msk $0xffff, v1;
	v1 =	vld [tilespmem:s28+$0x0]  }
0x6a: {  	v2 =	vld [tilespmem:s25+$0x70];
	v5 =	vpack.i.f32.bf16 v7, v5;
	v7 =	vor.u32 s29, v0  }
0x6b: {  	s30 =	sor.u32 $0x1C00, s24;
	v14 =	vld [tilespmem:s25+$0xF0];
	[tilespmem:v3+s17+$0x0] =	vst.idx.msk $0xffff, v5  }
0x6c: {  	v3 =	vor.u32 s30, v0;
	v5 =	vld [tilespmem:s25+$0x170];
	v6 =	vpack.i.f32.bf16 v8, v6  }
0x6d: {  	s31 =	sor.u32 $0x1C01, s24;
	s29 =	sor.u32 $0x270, s25;
	v8 =	vld [tilespmem:s25+$0x1F0];
	[tilespmem:v4+s17+$0x0] =	vst.idx.msk $0xffff, v6  }
0x6e: {  	s30 =	sor.u32 $0x2F0, s25;
	v4 =	vor.u32 s31, v0;
	v6 =	vld [tilespmem:s29+$0x0];
	v1 =	vpack.i.f32.bf16 v1, v9  }
0x6f: {  	s31 =	sor.u32 $0x1C02, s24;
	v15 =	vld [tilespmem:s30+$0x0];
	s29 =	sor.u32 $0x370, s25;
	[tilespmem:v7+s17+$0x0] =	vst.idx.msk $0xffff, v1  }
0x70: {  	s30 =	sor.u32 $0x3F0, s25;
	v1 =	vpack.i.f32.bf16 v14, v2;
	v2 =	vor.u32 s31, v0;
	v7 =	vld [tilespmem:s29+$0x0]  }
0x71: {  	s31 =	sor.u32 $0x400, s25;
	[tilespmem:v3+s17+$0x0] =	vst.idx.msk $0xffff, v1;
	v1 =	vld [tilespmem:s30+$0x0];
	s29 =	sor.u32 $0x1C03, s24  }
0x72: {  	s30 =	sor.u32 $0x480, s25;
	v3 =	vld [tilespmem:s31+$0x0];
	v5 =	vpack.i.f32.bf16 v8, v5;
	v8 =	vor.u32 s29, v0  }
0x73: {  	v16 =	vld [tilespmem:s30+$0x0];
	s31 =	sor.u32 $0x2000, s24;
	s29 =	sor.u32 $0x500, s25;
	[tilespmem:v4+s17+$0x0] =	vst.idx.msk $0xffff, v5  }
0x74: {  	s30 =	sor.u32 $0x580, s25;
	v4 =	vor.u32 s31, v0;
	v5 =	vld [tilespmem:s29+$0x0];
	v6 =	vpack.i.f32.bf16 v15, v6  }
0x75: {  	s31 =	sor.u32 $0x2001, s24;
	v17 =	vld [tilespmem:s30+$0x0];
	s29 =	sor.u32 $0x600, s25;
	[tilespmem:v2+s17+$0x0] =	vst.idx.msk $0xffff, v6  }
0x76: {  	s30 =	sor.u32 $0x680, s25;
	v2 =	vor.u32 s31, v0;
	v6 =	vld [tilespmem:s29+$0x0];
	v1 =	vpack.i.f32.bf16 v1, v7  }
0x77: {  	s31 =	sor.u32 $0x2002, s24;
	v7 =	vld [tilespmem:s30+$0x0];
	s29 =	sor.u32 $0x700, s25;
	[tilespmem:v8+s17+$0x0] =	vst.idx.msk $0xffff, v1  }
0x78: {  	s30 =	sor.u32 $0x780, s25;
	v1 =	vpack.i.f32.bf16 v16, v3;
	v3 =	vor.u32 s31, v0;
	v8 =	vld [tilespmem:s29+$0x0]  }
0x79: {  	s31 =	sor.u32 $0x410, s25;
	[tilespmem:v4+s17+$0x0] =	vst.idx.msk $0xffff, v1;
	v1 =	vld [tilespmem:s30+$0x0];
	s29 =	sor.u32 $0x2003, s24  }
0x7a: {  	s30 =	sor.u32 $0x490, s25;
	v4 =	vld [tilespmem:s31+$0x0];
	v5 =	vpack.i.f32.bf16 v17, v5;
	v18 =	vor.u32 s29, v0  }
0x7b: {  	v19 =	vld [tilespmem:s30+$0x0];
	s31 =	sor.u32 $0x2400, s24;
	s29 =	sor.u32 $0x510, s25;
	[tilespmem:v2+s17+$0x0] =	vst.idx.msk $0xffff, v5  }
0x7c: {  	s30 =	sor.u32 $0x590, s25;
	v2 =	vor.u32 s31, v0;
	v5 =	vld [tilespmem:s29+$0x0];
	v6 =	vpack.i.f32.bf16 v7, v6  }
0x7d: {  	s31 =	sor.u32 $0x2401, s24;
	v7 =	vld [tilespmem:s30+$0x0];
	s29 =	sor.u32 $0x610, s25;
	[tilespmem:v3+s17+$0x0] =	vst.idx.msk $0xffff, v6  }
0x7e: {  	s30 =	sor.u32 $0x690, s25;
	v3 =	vor.u32 s31, v0;
	v6 =	vld [tilespmem:s29+$0x0];
	v1 =	vpack.i.f32.bf16 v1, v8  }
0x7f: {  	s31 =	sor.u32 $0x2402, s24;
	v8 =	vld [tilespmem:s30+$0x0];
	s29 =	sor.u32 $0x710, s25;
	[tilespmem:v18+s17+$0x0] =	vst.idx.msk $0xffff, v1  }
0x80: {  	s30 =	sor.u32 $0x790, s25;
	v1 =	vpack.i.f32.bf16 v19, v4;
	v4 =	vor.u32 s31, v0;
	v9 =	vld [tilespmem:s29+$0x0]  }
0x81: {  	s31 =	sor.u32 $0x420, s25;
	[tilespmem:v2+s17+$0x0] =	vst.idx.msk $0xffff, v1;
	v1 =	vld [tilespmem:s30+$0x0];
	s29 =	sor.u32 $0x2403, s24  }
0x82: {  	s30 =	sor.u32 $0x4A0, s25;
	v2 =	vld [tilespmem:s31+$0x0];
	v5 =	vpack.i.f32.bf16 v7, v5;
	v7 =	vor.u32 s29, v0  }
0x83: {  	v20 =	vld [tilespmem:s30+$0x0];
	s31 =	sor.u32 $0x2800, s24;
	s29 =	sor.u32 $0x520, s25;
	[tilespmem:v3+s17+$0x0] =	vst.idx.msk $0xffff, v5  }
0x84: {  	s30 =	sor.u32 $0x5A0, s25;
	v3 =	vor.u32 s31, v0;
	v5 =	vld [tilespmem:s29+$0x0];
	v6 =	vpack.i.f32.bf16 v8, v6  }
0x85: {  	s31 =	sor.u32 $0x2801, s24;
	v8 =	vld [tilespmem:s30+$0x0];
	s29 =	sor.u32 $0x620, s25;
	[tilespmem:v4+s17+$0x0] =	vst.idx.msk $0xffff, v6  }
0x86: {  	s30 =	sor.u32 $0x6A0, s25;
	v4 =	vor.u32 s31, v0;
	v6 =	vld [tilespmem:s29+$0x0];
	v1 =	vpack.i.f32.bf16 v1, v9  }
0x87: {  	s31 =	sor.u32 $0x2802, s24;
	v21 =	vld [tilespmem:s30+$0x0];
	s29 =	sor.u32 $0x720, s25;
	[tilespmem:v7+s17+$0x0] =	vst.idx.msk $0xffff, v1  }
0x88: {  	s30 =	sor.u32 $0x7A0, s25;
	v1 =	vpack.i.f32.bf16 v20, v2;
	v2 =	vor.u32 s31, v0;
	v7 =	vld [tilespmem:s29+$0x0]  }
0x89: {  	s31 =	sor.u32 $0x430, s25;
	[tilespmem:v3+s17+$0x0] =	vst.idx.msk $0xffff, v1;
	v1 =	vld [tilespmem:s30+$0x0];
	s29 =	sor.u32 $0x2803, s24  }
0x8a: {  	s30 =	sor.u32 $0x4B0, s25;
	v3 =	vld [tilespmem:s31+$0x0];
	v5 =	vpack.i.f32.bf16 v8, v5;
	v8 =	vor.u32 s29, v0  }
0x8b: {  	v22 =	vld [tilespmem:s30+$0x0];
	s31 =	sor.u32 $0x2C00, s24;
	s29 =	sor.u32 $0x530, s25;
	[tilespmem:v4+s17+$0x0] =	vst.idx.msk $0xffff, v5  }
0x8c: {  	s30 =	sor.u32 $0x5B0, s25;
	v4 =	vor.u32 s31, v0;
	v5 =	vld [tilespmem:s29+$0x0];
	v6 =	vpack.i.f32.bf16 v21, v6  }
0x8d: {  	s31 =	sor.u32 $0x2C01, s24;
	v23 =	vld [tilespmem:s30+$0x0];
	s29 =	sor.u32 $0x630, s25;
	[tilespmem:v2+s17+$0x0] =	vst.idx.msk $0xffff, v6  }
0x8e: {  	s30 =	sor.u32 $0x6B0, s25;
	v2 =	vor.u32 s31, v0;
	v6 =	vld [tilespmem:s29+$0x0];
	v1 =	vpack.i.f32.bf16 v1, v7  }
0x8f: {  	s31 =	sor.u32 $0x2C02, s24;
	v7 =	vld [tilespmem:s30+$0x0];
	s29 =	sor.u32 $0x730, s25;
	[tilespmem:v8+s17+$0x0] =	vst.idx.msk $0xffff, v1  }
0x90: {  	s30 =	sor.u32 $0x7B0, s25;
	v1 =	vpack.i.f32.bf16 v22, v3;
	v3 =	vor.u32 s31, v0;
	v8 =	vld [tilespmem:s29+$0x0]  }
0x91: {  	s31 =	sor.u32 $0x440, s25;
	[tilespmem:v4+s17+$0x0] =	vst.idx.msk $0xffff, v1;
	v1 =	vld [tilespmem:s30+$0x0];
	s29 =	sor.u32 $0x2C03, s24  }
0x92: {  	s30 =	sor.u32 $0x4C0, s25;
	v4 =	vld [tilespmem:s31+$0x0];
	v5 =	vpack.i.f32.bf16 v23, v5;
	v24 =	vor.u32 s29, v0  }
0x93: {  	v25 =	vld [tilespmem:s30+$0x0];
	s31 =	sor.u32 $0x3000, s24;
	s29 =	sor.u32 $0x540, s25;
	[tilespmem:v2+s17+$0x0] =	vst.idx.msk $0xffff, v5  }
0x94: {  	s30 =	sor.u32 $0x5C0, s25;
	v2 =	vor.u32 s31, v0;
	v5 =	vld [tilespmem:s29+$0x0];
	v6 =	vpack.i.f32.bf16 v7, v6  }
0x95: {  	s31 =	sor.u32 $0x3001, s24;
	v7 =	vld [tilespmem:s30+$0x0];
	s29 =	sor.u32 $0x640, s25;
	[tilespmem:v3+s17+$0x0] =	vst.idx.msk $0xffff, v6  }
0x96: {  	s30 =	sor.u32 $0x6C0, s25;
	v3 =	vor.u32 s31, v0;
	v6 =	vld [tilespmem:s29+$0x0];
	v1 =	vpack.i.f32.bf16 v1, v8  }
0x97: {  	s31 =	sor.u32 $0x3002, s24;
	v8 =	vld [tilespmem:s30+$0x0];
	s29 =	sor.u32 $0x740, s25;
	[tilespmem:v24+s17+$0x0] =	vst.idx.msk $0xffff, v1  }
0x98: {  	s30 =	sor.u32 $0x7C0, s25;
	v1 =	vpack.i.f32.bf16 v25, v4;
	v4 =	vor.u32 s31, v0;
	v9 =	vld [tilespmem:s29+$0x0]  }
0x99: {  	s31 =	sor.u32 $0x450, s25;
	[tilespmem:v2+s17+$0x0] =	vst.idx.msk $0xffff, v1;
	v1 =	vld [tilespmem:s30+$0x0];
	s29 =	sor.u32 $0x3003, s24  }
0x9a: {  	s30 =	sor.u32 $0x4D0, s25;
	v2 =	vld [tilespmem:s31+$0x0];
	v5 =	vpack.i.f32.bf16 v7, v5;
	v7 =	vor.u32 s29, v0  }
0x9b: {  	v26 =	vld [tilespmem:s30+$0x0];
	s31 =	sor.u32 $0x3400, s24;
	s29 =	sor.u32 $0x550, s25;
	[tilespmem:v3+s17+$0x0] =	vst.idx.msk $0xffff, v5  }
0x9c: {  	s30 =	sor.u32 $0x5D0, s25;
	v3 =	vor.u32 s31, v0;
	v5 =	vld [tilespmem:s29+$0x0];
	v6 =	vpack.i.f32.bf16 v8, v6  }
0x9d: {  	s31 =	sor.u32 $0x3401, s24;
	v8 =	vld [tilespmem:s30+$0x0];
	s29 =	sor.u32 $0x650, s25;
	[tilespmem:v4+s17+$0x0] =	vst.idx.msk $0xffff, v6  }
0x9e: {  	s30 =	sor.u32 $0x6D0, s25;
	v4 =	vor.u32 s31, v0;
	v6 =	vld [tilespmem:s29+$0x0];
	v1 =	vpack.i.f32.bf16 v1, v9  }
0x9f: {  	s31 =	sor.u32 $0x3402, s24;
	v27 =	vld [tilespmem:s30+$0x0];
	s29 =	sor.u32 $0x750, s25;
	[tilespmem:v7+s17+$0x0] =	vst.idx.msk $0xffff, v1  }
0xa0: {  	s30 =	sor.u32 $0x7D0, s25;
	v1 =	vpack.i.f32.bf16 v26, v2;
	v2 =	vor.u32 s31, v0;
	v7 =	vld [tilespmem:s29+$0x0]  }
0xa1: {  	s31 =	sor.u32 $0x460, s25;
	[tilespmem:v3+s17+$0x0] =	vst.idx.msk $0xffff, v1;
	v1 =	vld [tilespmem:s30+$0x0];
	s29 =	sor.u32 $0x3403, s24  }
0xa2: {  	s30 =	sor.u32 $0x4E0, s25;
	v3 =	vld [tilespmem:s31+$0x0];
	v5 =	vpack.i.f32.bf16 v8, v5;
	v8 =	vor.u32 s29, v0  }
0xa3: {  	v28 =	vld [tilespmem:s30+$0x0];
	s31 =	sor.u32 $0x3800, s24;
	s29 =	sor.u32 $0x560, s25;
	[tilespmem:v4+s17+$0x0] =	vst.idx.msk $0xffff, v5  }
0xa4: {  	s30 =	sor.u32 $0x5E0, s25;
	v4 =	vor.u32 s31, v0;
	v5 =	vld [tilespmem:s29+$0x0];
	v6 =	vpack.i.f32.bf16 v27, v6  }
0xa5: {  	s31 =	sor.u32 $0x3801, s24;
	v29 =	vld [tilespmem:s30+$0x0];
	s29 =	sor.u32 $0x660, s25;
	[tilespmem:v2+s17+$0x0] =	vst.idx.msk $0xffff, v6  }
0xa6: {  	s30 =	sor.u32 $0x6E0, s25;
	v2 =	vor.u32 s31, v0;
	v6 =	vld [tilespmem:s29+$0x0];
	v1 =	vpack.i.f32.bf16 v1, v7  }
0xa7: {  	s31 =	sor.u32 $0x3802, s24;
	v7 =	vld [tilespmem:s30+$0x0];
	s29 =	sor.u32 $0x760, s25;
	[tilespmem:v8+s17+$0x0] =	vst.idx.msk $0xffff, v1  }
0xa8: {  	s30 =	sor.u32 $0x7E0, s25;
	v1 =	vpack.i.f32.bf16 v28, v3;
	v3 =	vor.u32 s31, v0;
	v8 =	vld [tilespmem:s29+$0x0]  }
0xa9: {  	s31 =	sor.u32 $0x470, s25;
	[tilespmem:v4+s17+$0x0] =	vst.idx.msk $0xffff, v1;
	v1 =	vld [tilespmem:s30+$0x0];
	s29 =	sor.u32 $0x3803, s24  }
0xaa: {  	s30 =	sor.u32 $0x4F0, s25;
	v4 =	vld [tilespmem:s31+$0x0];
	v5 =	vpack.i.f32.bf16 v29, v5;
	v30 =	vor.u32 s29, v0  }
0xab: {  	v31 =	vld [tilespmem:s30+$0x0];
	s31 =	sor.u32 $0x3C00, s24;
	s29 =	sor.u32 $0x570, s25;
	[tilespmem:v2+s17+$0x0] =	vst.idx.msk $0xffff, v5  }
0xac: {  	s30 =	sor.u32 $0x5F0, s25;
	v2 =	vor.u32 s31, v0;
	v5 =	vld [tilespmem:s29+$0x0];
	v6 =	vpack.i.f32.bf16 v7, v6  }
0xad: {  	s31 =	sor.u32 $0x3C01, s24;
	v7 =	vld [tilespmem:s30+$0x0];
	s29 =	sor.u32 $0x670, s25;
	[tilespmem:v3+s17+$0x0] =	vst.idx.msk $0xffff, v6  }
0xae: {  	s30 =	sor.u32 $0x6F0, s25;
	v3 =	vor.u32 s31, v0;
	v6 =	vld [tilespmem:s29+$0x0];
	v1 =	vpack.i.f32.bf16 v1, v8  }
0xaf: {  	s31 =	sor.u32 $0x3C02, s24;
	v8 =	vld [tilespmem:s30+$0x0];
	s29 =	sor.u32 $0x770, s25;
	[tilespmem:v30+s17+$0x0] =	vst.idx.msk $0xffff, v1  }
0xb0: {  	s30 =	sor.u32 $0x7F0, s25;
	v1 =	vpack.i.f32.bf16 v31, v4;
	v4 =	vor.u32 s31, v0;
	v9 =	vld [tilespmem:s29+$0x0]  }
0xb1: {  	s31 =	sor.u32 $0x3C03, s24;
	[tilespmem:v2+s17+$0x0] =	vst.idx.msk $0xffff, v1;
	v1 =	vld [tilespmem:s30+$0x0]  }
0xb2: {  	v2 =	vld [tilespmem:s25+$0x4000];
	v5 =	vpack.i.f32.bf16 v7, v5;
	v7 =	vor.u32 s31, v0  }
0xb3: {  	s28 =	sor.u32 $0x20, s24;
	v32 =	vld [tilespmem:s25+$0x4080];
	[tilespmem:v3+s17+$0x0] =	vst.idx.msk $0xffff, v5  }
0xb4: {  	v3 =	vor.u32 s28, v0;
	v5 =	vld [tilespmem:s25+$0x4100];
	v6 =	vpack.i.f32.bf16 v8, v6  }
0xb5: {  	s29 =	sor.u32 $0x21, s24;
	v8 =	vld [tilespmem:s25+$0x4180];
	[tilespmem:v4+s17+$0x0] =	vst.idx.msk $0xffff, v6  }
0xb6: {  	v4 =	vor.u32 s29, v0;
	v6 =	vld [tilespmem:s25+$0x4200];
	v1 =	vpack.i.f32.bf16 v1, v9  }
0xb7: {  	s30 =	sor.u32 $0x22, s24;
	v33 =	vld [tilespmem:s25+$0x4280];
	[tilespmem:v7+s17+$0x0] =	vst.idx.msk $0xffff, v1  }
0xb8: {  	v1 =	vpack.i.f32.bf16 v32, v2;
	v2 =	vor.u32 s30, v0;
	v7 =	vld [tilespmem:s25+$0x4300]  }
0xb9: {  	s31 =	sor.u32 $0x23, s24;
	[tilespmem:v3+s17+$0x0] =	vst.idx.msk $0xffff, v1;
	v1 =	vld [tilespmem:s25+$0x4380]  }
0xba: {  	v3 =	vld [tilespmem:s25+$0x4010];
	v5 =	vpack.i.f32.bf16 v8, v5;
	v8 =	vor.u32 s31, v0  }
0xbb: {  	s28 =	sor.u32 $0x420, s24;
	v34 =	vld [tilespmem:s25+$0x4090];
	[tilespmem:v4+s17+$0x0] =	vst.idx.msk $0xffff, v5  }
0xbc: {  	v4 =	vor.u32 s28, v0;
	v5 =	vld [tilespmem:s25+$0x4110];
	v6 =	vpack.i.f32.bf16 v33, v6  }
0xbd: {  	s29 =	sor.u32 $0x421, s24;
	v35 =	vld [tilespmem:s25+$0x4190];
	[tilespmem:v2+s17+$0x0] =	vst.idx.msk $0xffff, v6  }
0xbe: {  	v2 =	vor.u32 s29, v0;
	v6 =	vld [tilespmem:s25+$0x4210];
	v1 =	vpack.i.f32.bf16 v1, v7  }
0xbf: {  	s30 =	sor.u32 $0x422, s24;
	v7 =	vld [tilespmem:s25+$0x4290];
	[tilespmem:v8+s17+$0x0] =	vst.idx.msk $0xffff, v1  }
0xc0: {  	v1 =	vpack.i.f32.bf16 v34, v3;
	v3 =	vor.u32 s30, v0;
	v8 =	vld [tilespmem:s25+$0x4310]  }
0xc1: {  	s31 =	sor.u32 $0x423, s24;
	[tilespmem:v4+s17+$0x0] =	vst.idx.msk $0xffff, v1;
	v1 =	vld [tilespmem:s25+$0x4390]  }
0xc2: {  	v36 =	vor.u32 s31, v0;
	v4 =	vld [tilespmem:s25+$0x4020];
	v5 =	vpack.i.f32.bf16 v35, v5  }
0xc3: {  	s28 =	sor.u32 $0x820, s24;
	v37 =	vld [tilespmem:s25+$0x40A0];
	[tilespmem:v2+s17+$0x0] =	vst.idx.msk $0xffff, v5  }
0xc4: {  	v2 =	vor.u32 s28, v0;
	v5 =	vld [tilespmem:s25+$0x4120];
	v6 =	vpack.i.f32.bf16 v7, v6  }
0xc5: {  	s29 =	sor.u32 $0x821, s24;
	v7 =	vld [tilespmem:s25+$0x41A0];
	[tilespmem:v3+s17+$0x0] =	vst.idx.msk $0xffff, v6  }
0xc6: {  	v3 =	vor.u32 s29, v0;
	v6 =	vld [tilespmem:s25+$0x4220];
	v1 =	vpack.i.f32.bf16 v1, v8  }
0xc7: {  	s30 =	sor.u32 $0x822, s24;
	v8 =	vld [tilespmem:s25+$0x42A0];
	[tilespmem:v36+s17+$0x0] =	vst.idx.msk $0xffff, v1  }
0xc8: {  	v1 =	vpack.i.f32.bf16 v37, v4;
	v4 =	vor.u32 s30, v0;
	v9 =	vld [tilespmem:s25+$0x4320]  }
0xc9: {  	s31 =	sor.u32 $0x823, s24;
	[tilespmem:v2+s17+$0x0] =	vst.idx.msk $0xffff, v1;
	v1 =	vld [tilespmem:s25+$0x43A0]  }
0xca: {  	v2 =	vld [tilespmem:s25+$0x4030];
	v5 =	vpack.i.f32.bf16 v7, v5;
	v7 =	vor.u32 s31, v0  }
0xcb: {  	s28 =	sor.u32 $0xC20, s24;
	v38 =	vld [tilespmem:s25+$0x40B0];
	[tilespmem:v3+s17+$0x0] =	vst.idx.msk $0xffff, v5  }
0xcc: {  	v3 =	vor.u32 s28, v0;
	v5 =	vld [tilespmem:s25+$0x4130];
	v6 =	vpack.i.f32.bf16 v8, v6  }
0xcd: {  	s29 =	sor.u32 $0xC21, s24;
	v8 =	vld [tilespmem:s25+$0x41B0];
	[tilespmem:v4+s17+$0x0] =	vst.idx.msk $0xffff, v6  }
0xce: {  	v4 =	vor.u32 s29, v0;
	v6 =	vld [tilespmem:s25+$0x4230];
	v1 =	vpack.i.f32.bf16 v1, v9  }
0xcf: {  	s30 =	sor.u32 $0xC22, s24;
	v39 =	vld [tilespmem:s25+$0x42B0];
	[tilespmem:v7+s17+$0x0] =	vst.idx.msk $0xffff, v1  }
0xd0: {  	v1 =	vpack.i.f32.bf16 v38, v2;
	v2 =	vor.u32 s30, v0;
	v7 =	vld [tilespmem:s25+$0x4330]  }
0xd1: {  	s31 =	sor.u32 $0xC23, s24;
	[tilespmem:v3+s17+$0x0] =	vst.idx.msk $0xffff, v1;
	v1 =	vld [tilespmem:s25+$0x43B0]  }
0xd2: {  	v3 =	vld [tilespmem:s25+$0x4040];
	v5 =	vpack.i.f32.bf16 v8, v5;
	v8 =	vor.u32 s31, v0  }
0xd3: {  	s28 =	sor.u32 $0x1020, s24;
	v40 =	vld [tilespmem:s25+$0x40C0];
	[tilespmem:v4+s17+$0x0] =	vst.idx.msk $0xffff, v5  }
0xd4: {  	v4 =	vor.u32 s28, v0;
	v5 =	vld [tilespmem:s25+$0x4140];
	v6 =	vpack.i.f32.bf16 v39, v6  }
0xd5: {  	s29 =	sor.u32 $0x1021, s24;
	v41 =	vld [tilespmem:s25+$0x41C0];
	[tilespmem:v2+s17+$0x0] =	vst.idx.msk $0xffff, v6  }
0xd6: {  	v2 =	vor.u32 s29, v0;
	v6 =	vld [tilespmem:s25+$0x4240];
	v1 =	vpack.i.f32.bf16 v1, v7  }
0xd7: {  	s30 =	sor.u32 $0x1022, s24;
	v7 =	vld [tilespmem:s25+$0x42C0];
	[tilespmem:v8+s17+$0x0] =	vst.idx.msk $0xffff, v1  }
0xd8: {  	v1 =	vpack.i.f32.bf16 v40, v3;
	v3 =	vor.u32 s30, v0;
	v8 =	vld [tilespmem:s25+$0x4340]  }
0xd9: {  	s31 =	sor.u32 $0x1023, s24;
	[tilespmem:v4+s17+$0x0] =	vst.idx.msk $0xffff, v1;
	v1 =	vld [tilespmem:s25+$0x43C0]  }
0xda: {  	v42 =	vor.u32 s31, v0;
	v4 =	vld [tilespmem:s25+$0x4050];
	v5 =	vpack.i.f32.bf16 v41, v5  }
0xdb: {  	s28 =	sor.u32 $0x1420, s24;
	v43 =	vld [tilespmem:s25+$0x40D0];
	[tilespmem:v2+s17+$0x0] =	vst.idx.msk $0xffff, v5  }
0xdc: {  	v2 =	vor.u32 s28, v0;
	v5 =	vld [tilespmem:s25+$0x4150];
	v6 =	vpack.i.f32.bf16 v7, v6  }
0xdd: {  	s29 =	sor.u32 $0x1421, s24;
	v7 =	vld [tilespmem:s25+$0x41D0];
	[tilespmem:v3+s17+$0x0] =	vst.idx.msk $0xffff, v6  }
0xde: {  	v3 =	vor.u32 s29, v0;
	v6 =	vld [tilespmem:s25+$0x4250];
	v1 =	vpack.i.f32.bf16 v1, v8  }
0xdf: {  	s30 =	sor.u32 $0x1422, s24;
	v8 =	vld [tilespmem:s25+$0x42D0];
	[tilespmem:v42+s17+$0x0] =	vst.idx.msk $0xffff, v1  }
0xe0: {  	v1 =	vpack.i.f32.bf16 v43, v4;
	v4 =	vor.u32 s30, v0;
	v9 =	vld [tilespmem:s25+$0x4350]  }
0xe1: {  	s31 =	sor.u32 $0x1423, s24;
	[tilespmem:v2+s17+$0x0] =	vst.idx.msk $0xffff, v1;
	v1 =	vld [tilespmem:s25+$0x43D0]  }
0xe2: {  	v2 =	vld [tilespmem:s25+$0x4060];
	v5 =	vpack.i.f32.bf16 v7, v5;
	v7 =	vor.u32 s31, v0  }
0xe3: {  	s28 =	sor.u32 $0x1820, s24;
	v44 =	vld [tilespmem:s25+$0x40E0];
	[tilespmem:v3+s17+$0x0] =	vst.idx.msk $0xffff, v5  }
0xe4: {  	v3 =	vor.u32 s28, v0;
	v5 =	vld [tilespmem:s25+$0x4160];
	v6 =	vpack.i.f32.bf16 v8, v6  }
0xe5: {  	s29 =	sor.u32 $0x1821, s24;
	v8 =	vld [tilespmem:s25+$0x41E0];
	[tilespmem:v4+s17+$0x0] =	vst.idx.msk $0xffff, v6  }
0xe6: {  	v4 =	vor.u32 s29, v0;
	v6 =	vld [tilespmem:s25+$0x4260];
	v1 =	vpack.i.f32.bf16 v1, v9  }
0xe7: {  	s30 =	sor.u32 $0x1822, s24;
	v45 =	vld [tilespmem:s25+$0x42E0];
	[tilespmem:v7+s17+$0x0] =	vst.idx.msk $0xffff, v1  }
0xe8: {  	v1 =	vpack.i.f32.bf16 v44, v2;
	v2 =	vor.u32 s30, v0;
	v7 =	vld [tilespmem:s25+$0x4360]  }
0xe9: {  	s31 =	sor.u32 $0x1823, s24;
	[tilespmem:v3+s17+$0x0] =	vst.idx.msk $0xffff, v1;
	v1 =	vld [tilespmem:s25+$0x43E0]  }
0xea: {  	v3 =	vld [tilespmem:s25+$0x4070];
	v5 =	vpack.i.f32.bf16 v8, v5;
	v8 =	vor.u32 s31, v0  }
0xeb: {  	s28 =	sor.u32 $0x1C20, s24;
	v46 =	vld [tilespmem:s25+$0x40F0];
	[tilespmem:v4+s17+$0x0] =	vst.idx.msk $0xffff, v5  }
0xec: {  	v4 =	vor.u32 s28, v0;
	v5 =	vld [tilespmem:s25+$0x4170];
	v6 =	vpack.i.f32.bf16 v45, v6  }
0xed: {  	s29 =	sor.u32 $0x1C21, s24;
	v47 =	vld [tilespmem:s25+$0x41F0];
	[tilespmem:v2+s17+$0x0] =	vst.idx.msk $0xffff, v6  }
0xee: {  	v2 =	vor.u32 s29, v0;
	v6 =	vld [tilespmem:s25+$0x4270];
	v1 =	vpack.i.f32.bf16 v1, v7  }
0xef: {  	s30 =	sor.u32 $0x1C22, s24;
	v7 =	vld [tilespmem:s25+$0x42F0];
	[tilespmem:v8+s17+$0x0] =	vst.idx.msk $0xffff, v1  }
0xf0: {  	v1 =	vpack.i.f32.bf16 v46, v3;
	v3 =	vor.u32 s30, v0;
	v8 =	vld [tilespmem:s25+$0x4370]  }
0xf1: {  	s31 =	sor.u32 $0x1C23, s24;
	[tilespmem:v4+s17+$0x0] =	vst.idx.msk $0xffff, v1;
	v1 =	vld [tilespmem:s25+$0x43F0]  }
0xf2: {  	v48 =	vor.u32 s31, v0;
	v4 =	vld [tilespmem:s25+$0x4400];
	v5 =	vpack.i.f32.bf16 v47, v5  }
0xf3: {  	s28 =	sor.u32 $0x2020, s24;
	v49 =	vld [tilespmem:s25+$0x4480];
	[tilespmem:v2+s17+$0x0] =	vst.idx.msk $0xffff, v5  }
0xf4: {  	v2 =	vor.u32 s28, v0;
	v5 =	vld [tilespmem:s25+$0x4500];
	v6 =	vpack.i.f32.bf16 v7, v6  }
0xf5: {  	s29 =	sor.u32 $0x2021, s24;
	v7 =	vld [tilespmem:s25+$0x4580];
	[tilespmem:v3+s17+$0x0] =	vst.idx.msk $0xffff, v6  }
0xf6: {  	v3 =	vor.u32 s29, v0;
	v6 =	vld [tilespmem:s25+$0x4600];
	v1 =	vpack.i.f32.bf16 v1, v8  }
0xf7: {  	s30 =	sor.u32 $0x2022, s24;
	v8 =	vld [tilespmem:s25+$0x4680];
	[tilespmem:v48+s17+$0x0] =	vst.idx.msk $0xffff, v1  }
0xf8: {  	v1 =	vpack.i.f32.bf16 v49, v4;
	v4 =	vor.u32 s30, v0;
	v9 =	vld [tilespmem:s25+$0x4700]  }
0xf9: {  	s31 =	sor.u32 $0x2023, s24;
	[tilespmem:v2+s17+$0x0] =	vst.idx.msk $0xffff, v1;
	v1 =	vld [tilespmem:s25+$0x4780]  }
0xfa: {  	v2 =	vld [tilespmem:s25+$0x4410];
	v5 =	vpack.i.f32.bf16 v7, v5;
	v7 =	vor.u32 s31, v0  }
0xfb: {  	s28 =	sor.u32 $0x2420, s24;
	v50 =	vld [tilespmem:s25+$0x4490];
	[tilespmem:v3+s17+$0x0] =	vst.idx.msk $0xffff, v5  }
0xfc: {  	v3 =	vor.u32 s28, v0;
	v5 =	vld [tilespmem:s25+$0x4510];
	v6 =	vpack.i.f32.bf16 v8, v6  }
0xfd: {  	s29 =	sor.u32 $0x2421, s24;
	v8 =	vld [tilespmem:s25+$0x4590];
	[tilespmem:v4+s17+$0x0] =	vst.idx.msk $0xffff, v6  }
0xfe: {  	v4 =	vor.u32 s29, v0;
	v6 =	vld [tilespmem:s25+$0x4610];
	v1 =	vpack.i.f32.bf16 v1, v9  }
0xff: {  	s30 =	sor.u32 $0x2422, s24;
	v51 =	vld [tilespmem:s25+$0x4690];
	[tilespmem:v7+s17+$0x0] =	vst.idx.msk $0xffff, v1  }
0x100: {  	v1 =	vpack.i.f32.bf16 v50, v2;
	v2 =	vor.u32 s30, v0;
	v7 =	vld [tilespmem:s25+$0x4710]  }
0x101: {  	s31 =	sor.u32 $0x2423, s24;
	[tilespmem:v3+s17+$0x0] =	vst.idx.msk $0xffff, v1;
	v1 =	vld [tilespmem:s25+$0x4790]  }
0x102: {  	v3 =	vld [tilespmem:s25+$0x4420];
	v5 =	vpack.i.f32.bf16 v8, v5;
	v8 =	vor.u32 s31, v0  }
0x103: {  	s28 =	sor.u32 $0x2820, s24;
	v52 =	vld [tilespmem:s25+$0x44A0];
	[tilespmem:v4+s17+$0x0] =	vst.idx.msk $0xffff, v5  }
0x104: {  	v4 =	vor.u32 s28, v0;
	v5 =	vld [tilespmem:s25+$0x4520];
	v6 =	vpack.i.f32.bf16 v51, v6  }
0x105: {  	s29 =	sor.u32 $0x2821, s24;
	v53 =	vld [tilespmem:s25+$0x45A0];
	[tilespmem:v2+s17+$0x0] =	vst.idx.msk $0xffff, v6  }
0x106: {  	v2 =	vor.u32 s29, v0;
	v6 =	vld [tilespmem:s25+$0x4620];
	v1 =	vpack.i.f32.bf16 v1, v7  }
0x107: {  	s30 =	sor.u32 $0x2822, s24;
	v7 =	vld [tilespmem:s25+$0x46A0];
	[tilespmem:v8+s17+$0x0] =	vst.idx.msk $0xffff, v1  }
0x108: {  	v1 =	vpack.i.f32.bf16 v52, v3;
	v3 =	vor.u32 s30, v0;
	v8 =	vld [tilespmem:s25+$0x4720]  }
0x109: {  	s31 =	sor.u32 $0x2823, s24;
	[tilespmem:v4+s17+$0x0] =	vst.idx.msk $0xffff, v1;
	v1 =	vld [tilespmem:s25+$0x47A0]  }
0x10a: {  	v54 =	vor.u32 s31, v0;
	v4 =	vld [tilespmem:s25+$0x4430];
	v5 =	vpack.i.f32.bf16 v53, v5  }
0x10b: {  	s28 =	sor.u32 $0x2C20, s24;
	v55 =	vld [tilespmem:s25+$0x44B0];
	[tilespmem:v2+s17+$0x0] =	vst.idx.msk $0xffff, v5  }
0x10c: {  	v2 =	vor.u32 s28, v0;
	v5 =	vld [tilespmem:s25+$0x4530];
	v6 =	vpack.i.f32.bf16 v7, v6  }
0x10d: {  	s29 =	sor.u32 $0x2C21, s24;
	v7 =	vld [tilespmem:s25+$0x45B0];
	[tilespmem:v3+s17+$0x0] =	vst.idx.msk $0xffff, v6  }
0x10e: {  	v3 =	vor.u32 s29, v0;
	v6 =	vld [tilespmem:s25+$0x4630];
	v1 =	vpack.i.f32.bf16 v1, v8  }
0x10f: {  	s30 =	sor.u32 $0x2C22, s24;
	v8 =	vld [tilespmem:s25+$0x46B0];
	[tilespmem:v54+s17+$0x0] =	vst.idx.msk $0xffff, v1  }
0x110: {  	v1 =	vpack.i.f32.bf16 v55, v4;
	v4 =	vor.u32 s30, v0;
	v9 =	vld [tilespmem:s25+$0x4730]  }
0x111: {  	s31 =	sor.u32 $0x2C23, s24;
	[tilespmem:v2+s17+$0x0] =	vst.idx.msk $0xffff, v1;
	v1 =	vld [tilespmem:s25+$0x47B0]  }
0x112: {  	v2 =	vld [tilespmem:s25+$0x4440];
	v5 =	vpack.i.f32.bf16 v7, v5;
	v7 =	vor.u32 s31, v0  }
0x113: {  	s28 =	sor.u32 $0x3020, s24;
	v56 =	vld [tilespmem:s25+$0x44C0];
	[tilespmem:v3+s17+$0x0] =	vst.idx.msk $0xffff, v5  }
0x114: {  	v3 =	vor.u32 s28, v0;
	v5 =	vld [tilespmem:s25+$0x4540];
	v6 =	vpack.i.f32.bf16 v8, v6  }
0x115: {  	s29 =	sor.u32 $0x3021, s24;
	v8 =	vld [tilespmem:s25+$0x45C0];
	[tilespmem:v4+s17+$0x0] =	vst.idx.msk $0xffff, v6  }
0x116: {  	v4 =	vor.u32 s29, v0;
	v6 =	vld [tilespmem:s25+$0x4640];
	v1 =	vpack.i.f32.bf16 v1, v9  }
0x117: {  	s30 =	sor.u32 $0x3022, s24;
	v57 =	vld [tilespmem:s25+$0x46C0];
	[tilespmem:v7+s17+$0x0] =	vst.idx.msk $0xffff, v1  }
0x118: {  	v1 =	vpack.i.f32.bf16 v56, v2;
	v2 =	vor.u32 s30, v0;
	v7 =	vld [tilespmem:s25+$0x4740]  }
0x119: {  	s31 =	sor.u32 $0x3023, s24;
	[tilespmem:v3+s17+$0x0] =	vst.idx.msk $0xffff, v1;
	v1 =	vld [tilespmem:s25+$0x47C0]  }
0x11a: {  	v3 =	vld [tilespmem:s25+$0x4450];
	v5 =	vpack.i.f32.bf16 v8, v5;
	v8 =	vor.u32 s31, v0  }
0x11b: {  	s28 =	sor.u32 $0x3420, s24;
	v58 =	vld [tilespmem:s25+$0x44D0];
	[tilespmem:v4+s17+$0x0] =	vst.idx.msk $0xffff, v5  }
0x11c: {  	v4 =	vor.u32 s28, v0;
	v5 =	vld [tilespmem:s25+$0x4550];
	v6 =	vpack.i.f32.bf16 v57, v6  }
0x11d: {  	s29 =	sor.u32 $0x3421, s24;
	v59 =	vld [tilespmem:s25+$0x45D0];
	[tilespmem:v2+s17+$0x0] =	vst.idx.msk $0xffff, v6  }
0x11e: {  	v2 =	vor.u32 s29, v0;
	v6 =	vld [tilespmem:s25+$0x4650];
	v1 =	vpack.i.f32.bf16 v1, v7  }
0x11f: {  	s30 =	sor.u32 $0x3422, s24;
	v7 =	vld [tilespmem:s25+$0x46D0];
	[tilespmem:v8+s17+$0x0] =	vst.idx.msk $0xffff, v1  }
0x120: {  	v1 =	vpack.i.f32.bf16 v58, v3;
	v3 =	vor.u32 s30, v0;
	v8 =	vld [tilespmem:s25+$0x4750]  }
0x121: {  	s31 =	sor.u32 $0x3423, s24;
	[tilespmem:v4+s17+$0x0] =	vst.idx.msk $0xffff, v1;
	v1 =	vld [tilespmem:s25+$0x47D0]  }
0x122: {  	v4 =	vor.u32 s31, v0;
	v60 =	vld [tilespmem:s25+$0x4460];
	v5 =	vpack.i.f32.bf16 v59, v5  }
0x123: {  	s28 =	sor.u32 $0x3820, s24;
	v61 =	vld [tilespmem:s25+$0x44E0];
	[tilespmem:v2+s17+$0x0] =	vst.idx.msk $0xffff, v5  }
0x124: {  	v2 =	vor.u32 s28, v0;
	v5 =	vld [tilespmem:s25+$0x4560];
	v6 =	vpack.i.f32.bf16 v7, v6  }
0x125: {  	s29 =	sor.u32 $0x3821, s24;
	v7 =	vld [tilespmem:s25+$0x45E0];
	[tilespmem:v3+s17+$0x0] =	vst.idx.msk $0xffff, v6  }
0x126: {  	v3 =	vor.u32 s29, v0;
	v6 =	vld [tilespmem:s25+$0x4660];
	v1 =	vpack.i.f32.bf16 v1, v8  }
0x127: {  	v8 =	vld [tilespmem:s25+$0x46E0];
	[tilespmem:v4+s17+$0x0] =	vst.idx.msk $0xffff, v1  }
0x128: {  	s30 =	sor.u32 $0x3822, s24;
	v1 =	vpack.i.f32.bf16 v61, v60;
	v4 =	vld [tilespmem:s25+$0x4760]  }
0x129: {  	[tilespmem:v2+s17+$0x0] =	vst.idx.msk $0xffff, v1;
	v2 =	vld [tilespmem:s25+$0x47E0];
	v1 =	vor.u32 s30, v0  }
0x12a: {  	s31 =	sor.u32 $0x3823, s24;
	v62 =	vld [tilespmem:s25+$0x4470];
	v5 =	vpack.i.f32.bf16 v7, v5  }
0x12b: {  	v7 =	vld [tilespmem:s25+$0x44F0];
	[tilespmem:v3+s17+$0x0] =	vst.idx.msk $0xffff, v5;
	v3 =	vor.u32 s31, v0  }
0x12c: {  	v5 =	vld [tilespmem:s25+$0x4570]  }
0x12d: {  	s28 =	sor.u32 $0x3C20, s24;
	v11 =	vld [tilespmem:s25+$0x45F0];
	v6 =	vpack.i.f32.bf16 v8, v6  }
0x12e: {  	v63 =	vor.u32 s28, v0;
	s29 =	sor.u32 $0x3C21, s24;
	[tilespmem:v1+s17+$0x0] =	vst.idx.msk $0xffff, v6  }
0x12f: {  	v8 =	vor.u32 s29, v0;
	v4 =	vpack.i.f32.bf16 v2, v4;
	v1 =	vld [tilespmem:s25+$0x4670]  }
0x130: {  	v2 =	vld [tilespmem:s25+$0x46F0];
	[tilespmem:v3+s17+$0x0] =	vst.idx.msk $0xffff, v4  }
0x131: {  	v3 =	vld [tilespmem:s25+$0x4770]  }
0x132: {  	s31 =	sor.u32 $0x3C23, s24;
	v4 =	vpack.i.f32.bf16 v7, v62;
	v7 =	vpack.i.f32.bf16 v11, v5;
	v5 =	vld [tilespmem:s25+$0x47F0]  }
0x133: {  	s30 =	sor.u32 $0x3C22, s24;
	v6 =	vor.u32 s31, v0;
	[tilespmem:v63+s17+$0x0] =	vst.idx.msk $0xffff, v4  }
0x134: {  	p2 =	slt.u32 s21, $0xF42;
	s24 =	simm.s32 $0x4;
	v4 =	vor.u32 s30, v0;
	[tilespmem:v8+s17+$0x0] =	vst.idx.msk $0xffff, v7  }
.LBB2_4:
0x135: {  	s25 =	sshll.u32 s24, $0x9;
	s26 =	sor.u32 $0x1, s24;
	s28 =	sor.u32 $0x2, s24  }
0x136: {  	p3 =	slt.u32 s24, $0x1C;
	v7 =	vld [tilespmem:s25+$0x0];
	v8 =	vor.u32 s26, v0;
	v9 =	vor.u32 s28, v0;
	s26 =	smov.u32 s24;
	s24 =	sadd.s32 $0x4, s24  }
0x137: {  	v1 =	vpack.i.f32.bf16 v2, v1;
	v10 =	vld [tilespmem:s25+$0x80];
	v2 =	vpack.i.f32.bf16 v5, v3  }
0x138: {  	v3 =	vor.u32 s26, v0;
	v5 =	vld [tilespmem:s25+$0x100];
	[tilespmem:v6+s17+$0x0] =	vst.idx.msk $0xffff, v2  }
0x139: {  	s28 =	sor.u32 $0x200, s25;
	v2 =	vld [tilespmem:s25+$0x180];
	[tilespmem:v4+s17+$0x0] =	vst.idx.msk $0xffff, v1  }
0x13a: {  	v1 =	vld [tilespmem:s28+$0x0];
	s28 =	sor.u32 $0x280, s25  }
0x13b: {  	v4 =	vld [tilespmem:s28+$0x0];
	s28 =	sor.u32 $0x300, s25  }
0x13c: {  	v6 =	vpack.i.f32.bf16 v10, v7;
	v7 =	vld [tilespmem:s28+$0x0];
	s28 =	sor.u32 $0x380, s25  }
0x13d: {  	s29 =	sor.u32 $0x3, s26;
	[tilespmem:v3+s17+$0x0] =	vst.idx.msk $0xffff, v6;
	v3 =	vld [tilespmem:s28+$0x0]  }
0x13e: {  	v6 =	vld [tilespmem:s25+$0x10];
	v2 =	vpack.i.f32.bf16 v2, v5;
	v5 =	vor.u32 s29, v0  }
0x13f: {  	s28 =	sor.u32 $0x400, s26;
	v10 =	vld [tilespmem:s25+$0x90];
	[tilespmem:v8+s17+$0x0] =	vst.idx.msk $0xffff, v2  }
0x140: {  	v2 =	vor.u32 s28, v0;
	v8 =	vld [tilespmem:s25+$0x110];
	v1 =	vpack.i.f32.bf16 v4, v1  }
0x141: {  	s29 =	sor.u32 $0x210, s25;
	s28 =	sor.u32 $0x401, s26;
	v4 =	vld [tilespmem:s25+$0x190];
	[tilespmem:v9+s17+$0x0] =	vst.idx.msk $0xffff, v1  }
0x142: {  	v1 =	vor.u32 s28, v0;
	s28 =	sor.u32 $0x290, s25;
	v9 =	vld [tilespmem:s29+$0x0];
	v3 =	vpack.i.f32.bf16 v3, v7  }
0x143: {  	s29 =	sor.u32 $0x310, s25;
	v7 =	vld [tilespmem:s28+$0x0];
	s28 =	sor.u32 $0x402, s26;
	[tilespmem:v5+s17+$0x0] =	vst.idx.msk $0xffff, v3  }
0x144: {  	v3 =	vpack.i.f32.bf16 v10, v6;
	v5 =	vor.u32 s28, v0;
	v6 =	vld [tilespmem:s29+$0x0];
	s28 =	sor.u32 $0x390, s25  }
0x145: {  	[tilespmem:v2+s17+$0x0] =	vst.idx.msk $0xffff, v3;
	v2 =	vld [tilespmem:s28+$0x0];
	s28 =	sor.u32 $0x403, s26  }
0x146: {  	v3 =	vld [tilespmem:s25+$0x20];
	v4 =	vpack.i.f32.bf16 v4, v8;
	v8 =	vor.u32 s28, v0  }
0x147: {  	s28 =	sor.u32 $0x800, s26;
	v10 =	vld [tilespmem:s25+$0xA0];
	[tilespmem:v1+s17+$0x0] =	vst.idx.msk $0xffff, v4  }
0x148: {  	v1 =	vor.u32 s28, v0;
	v4 =	vld [tilespmem:s25+$0x120];
	v7 =	vpack.i.f32.bf16 v7, v9  }
0x149: {  	s29 =	sor.u32 $0x220, s25;
	s28 =	sor.u32 $0x801, s26;
	v9 =	vld [tilespmem:s25+$0x1A0];
	[tilespmem:v5+s17+$0x0] =	vst.idx.msk $0xffff, v7  }
0x14a: {  	v5 =	vor.u32 s28, v0;
	s28 =	sor.u32 $0x2A0, s25;
	v7 =	vld [tilespmem:s29+$0x0];
	v2 =	vpack.i.f32.bf16 v2, v6  }
0x14b: {  	s29 =	sor.u32 $0x320, s25;
	v6 =	vld [tilespmem:s28+$0x0];
	s28 =	sor.u32 $0x802, s26;
	[tilespmem:v8+s17+$0x0] =	vst.idx.msk $0xffff, v2  }
0x14c: {  	v2 =	vpack.i.f32.bf16 v10, v3;
	v3 =	vor.u32 s28, v0;
	v8 =	vld [tilespmem:s29+$0x0];
	s28 =	sor.u32 $0x3A0, s25  }
0x14d: {  	[tilespmem:v1+s17+$0x0] =	vst.idx.msk $0xffff, v2;
	v1 =	vld [tilespmem:s28+$0x0];
	s28 =	sor.u32 $0x803, s26  }
0x14e: {  	v2 =	vld [tilespmem:s25+$0x30];
	v4 =	vpack.i.f32.bf16 v9, v4;
	v9 =	vor.u32 s28, v0  }
0x14f: {  	s28 =	sor.u32 $0xC00, s26;
	v10 =	vld [tilespmem:s25+$0xB0];
	[tilespmem:v5+s17+$0x0] =	vst.idx.msk $0xffff, v4  }
0x150: {  	v4 =	vor.u32 s28, v0;
	v5 =	vld [tilespmem:s25+$0x130];
	v6 =	vpack.i.f32.bf16 v6, v7  }
0x151: {  	s29 =	sor.u32 $0x230, s25;
	s28 =	sor.u32 $0xC01, s26;
	v7 =	vld [tilespmem:s25+$0x1B0];
	[tilespmem:v3+s17+$0x0] =	vst.idx.msk $0xffff, v6  }
0x152: {  	v3 =	vor.u32 s28, v0;
	s28 =	sor.u32 $0x2B0, s25;
	v6 =	vld [tilespmem:s29+$0x0];
	v1 =	vpack.i.f32.bf16 v1, v8  }
0x153: {  	s29 =	sor.u32 $0x330, s25;
	v8 =	vld [tilespmem:s28+$0x0];
	s28 =	sor.u32 $0xC02, s26;
	[tilespmem:v9+s17+$0x0] =	vst.idx.msk $0xffff, v1  }
0x154: {  	v1 =	vpack.i.f32.bf16 v10, v2;
	v2 =	vor.u32 s28, v0;
	v9 =	vld [tilespmem:s29+$0x0];
	s28 =	sor.u32 $0x3B0, s25  }
0x155: {  	[tilespmem:v4+s17+$0x0] =	vst.idx.msk $0xffff, v1;
	v1 =	vld [tilespmem:s28+$0x0];
	s28 =	sor.u32 $0xC03, s26  }
0x156: {  	v4 =	vld [tilespmem:s25+$0x40];
	v5 =	vpack.i.f32.bf16 v7, v5;
	v7 =	vor.u32 s28, v0  }
0x157: {  	s28 =	sor.u32 $0x1000, s26;
	v10 =	vld [tilespmem:s25+$0xC0];
	[tilespmem:v3+s17+$0x0] =	vst.idx.msk $0xffff, v5  }
0x158: {  	v3 =	vor.u32 s28, v0;
	v5 =	vld [tilespmem:s25+$0x140];
	v6 =	vpack.i.f32.bf16 v8, v6  }
0x159: {  	s29 =	sor.u32 $0x240, s25;
	s28 =	sor.u32 $0x1001, s26;
	v8 =	vld [tilespmem:s25+$0x1C0];
	[tilespmem:v2+s17+$0x0] =	vst.idx.msk $0xffff, v6  }
0x15a: {  	v2 =	vor.u32 s28, v0;
	s28 =	sor.u32 $0x2C0, s25;
	v6 =	vld [tilespmem:s29+$0x0];
	v1 =	vpack.i.f32.bf16 v1, v9  }
0x15b: {  	s29 =	sor.u32 $0x340, s25;
	v9 =	vld [tilespmem:s28+$0x0];
	s28 =	sor.u32 $0x1002, s26;
	[tilespmem:v7+s17+$0x0] =	vst.idx.msk $0xffff, v1  }
0x15c: {  	v1 =	vpack.i.f32.bf16 v10, v4;
	v4 =	vor.u32 s28, v0;
	v7 =	vld [tilespmem:s29+$0x0];
	s28 =	sor.u32 $0x3C0, s25  }
0x15d: {  	[tilespmem:v3+s17+$0x0] =	vst.idx.msk $0xffff, v1;
	v1 =	vld [tilespmem:s28+$0x0];
	s28 =	sor.u32 $0x1003, s26  }
0x15e: {  	v3 =	vld [tilespmem:s25+$0x50];
	v5 =	vpack.i.f32.bf16 v8, v5;
	v8 =	vor.u32 s28, v0  }
0x15f: {  	s28 =	sor.u32 $0x1400, s26;
	v10 =	vld [tilespmem:s25+$0xD0];
	[tilespmem:v2+s17+$0x0] =	vst.idx.msk $0xffff, v5  }
0x160: {  	v2 =	vor.u32 s28, v0;
	v5 =	vld [tilespmem:s25+$0x150];
	v6 =	vpack.i.f32.bf16 v9, v6  }
0x161: {  	s29 =	sor.u32 $0x250, s25;
	s28 =	sor.u32 $0x1401, s26;
	v9 =	vld [tilespmem:s25+$0x1D0];
	[tilespmem:v4+s17+$0x0] =	vst.idx.msk $0xffff, v6  }
0x162: {  	v4 =	vor.u32 s28, v0;
	s28 =	sor.u32 $0x2D0, s25;
	v6 =	vld [tilespmem:s29+$0x0];
	v1 =	vpack.i.f32.bf16 v1, v7  }
0x163: {  	s29 =	sor.u32 $0x350, s25;
	v7 =	vld [tilespmem:s28+$0x0];
	s28 =	sor.u32 $0x1402, s26;
	[tilespmem:v8+s17+$0x0] =	vst.idx.msk $0xffff, v1  }
0x164: {  	v1 =	vpack.i.f32.bf16 v10, v3;
	v3 =	vor.u32 s28, v0;
	v8 =	vld [tilespmem:s29+$0x0];
	s28 =	sor.u32 $0x3D0, s25  }
0x165: {  	[tilespmem:v2+s17+$0x0] =	vst.idx.msk $0xffff, v1;
	v1 =	vld [tilespmem:s28+$0x0];
	s28 =	sor.u32 $0x1403, s26  }
0x166: {  	v2 =	vld [tilespmem:s25+$0x60];
	v5 =	vpack.i.f32.bf16 v9, v5;
	v9 =	vor.u32 s28, v0  }
0x167: {  	s28 =	sor.u32 $0x1800, s26;
	v10 =	vld [tilespmem:s25+$0xE0];
	[tilespmem:v4+s17+$0x0] =	vst.idx.msk $0xffff, v5  }
0x168: {  	v4 =	vor.u32 s28, v0;
	v5 =	vld [tilespmem:s25+$0x160];
	v6 =	vpack.i.f32.bf16 v7, v6  }
0x169: {  	s29 =	sor.u32 $0x260, s25;
	s28 =	sor.u32 $0x1801, s26;
	v7 =	vld [tilespmem:s25+$0x1E0];
	[tilespmem:v3+s17+$0x0] =	vst.idx.msk $0xffff, v6  }
0x16a: {  	v3 =	vor.u32 s28, v0;
	s28 =	sor.u32 $0x2E0, s25;
	v6 =	vld [tilespmem:s29+$0x0];
	v1 =	vpack.i.f32.bf16 v1, v8  }
0x16b: {  	s29 =	sor.u32 $0x360, s25;
	v8 =	vld [tilespmem:s28+$0x0];
	s28 =	sor.u32 $0x1802, s26;
	[tilespmem:v9+s17+$0x0] =	vst.idx.msk $0xffff, v1  }
0x16c: {  	v1 =	vpack.i.f32.bf16 v10, v2;
	v2 =	vor.u32 s28, v0;
	v9 =	vld [tilespmem:s29+$0x0];
	s28 =	sor.u32 $0x3E0, s25  }
0x16d: {  	[tilespmem:v4+s17+$0x0] =	vst.idx.msk $0xffff, v1;
	v1 =	vld [tilespmem:s28+$0x0];
	s28 =	sor.u32 $0x1803, s26  }
0x16e: {  	v4 =	vld [tilespmem:s25+$0x70];
	v5 =	vpack.i.f32.bf16 v7, v5;
	v7 =	vor.u32 s28, v0  }
0x16f: {  	s28 =	sor.u32 $0x1C00, s26;
	v10 =	vld [tilespmem:s25+$0xF0];
	[tilespmem:v3+s17+$0x0] =	vst.idx.msk $0xffff, v5  }
0x170: {  	v3 =	vor.u32 s28, v0;
	v5 =	vld [tilespmem:s25+$0x170];
	v6 =	vpack.i.f32.bf16 v8, v6  }
0x171: {  	s29 =	sor.u32 $0x270, s25;
	s28 =	sor.u32 $0x1C01, s26;
	v8 =	vld [tilespmem:s25+$0x1F0];
	[tilespmem:v2+s17+$0x0] =	vst.idx.msk $0xffff, v6  }
0x172: {  	v2 =	vor.u32 s28, v0;
	s28 =	sor.u32 $0x2F0, s25;
	v6 =	vld [tilespmem:s29+$0x0];
	v1 =	vpack.i.f32.bf16 v1, v9  }
0x173: {  	s29 =	sor.u32 $0x370, s25;
	v9 =	vld [tilespmem:s28+$0x0];
	s28 =	sor.u32 $0x1C02, s26;
	[tilespmem:v7+s17+$0x0] =	vst.idx.msk $0xffff, v1  }
0x174: {  	v1 =	vpack.i.f32.bf16 v10, v4;
	v4 =	vor.u32 s28, v0;
	v7 =	vld [tilespmem:s29+$0x0];
	s28 =	sor.u32 $0x3F0, s25  }
0x175: {  	s29 =	sor.u32 $0x400, s25;
	[tilespmem:v3+s17+$0x0] =	vst.idx.msk $0xffff, v1;
	v1 =	vld [tilespmem:s28+$0x0];
	s28 =	sor.u32 $0x1C03, s26  }
0x176: {  	v3 =	vld [tilespmem:s29+$0x0];
	s29 =	sor.u32 $0x480, s25;
	v5 =	vpack.i.f32.bf16 v8, v5;
	v8 =	vor.u32 s28, v0  }
0x177: {  	s28 =	sor.u32 $0x2000, s26;
	v10 =	vld [tilespmem:s29+$0x0];
	[tilespmem:v2+s17+$0x0] =	vst.idx.msk $0xffff, v5;
	s29 =	sor.u32 $0x500, s25  }
0x178: {  	v2 =	vor.u32 s28, v0;
	s28 =	sor.u32 $0x580, s25;
	v5 =	vld [tilespmem:s29+$0x0];
	v6 =	vpack.i.f32.bf16 v9, v6  }
0x179: {  	s29 =	sor.u32 $0x600, s25;
	v9 =	vld [tilespmem:s28+$0x0];
	s28 =	sor.u32 $0x2001, s26;
	[tilespmem:v4+s17+$0x0] =	vst.idx.msk $0xffff, v6  }
0x17a: {  	v4 =	vor.u32 s28, v0;
	v6 =	vld [tilespmem:s29+$0x0];
	s28 =	sor.u32 $0x680, s25;
	v1 =	vpack.i.f32.bf16 v1, v7  }
0x17b: {  	s29 =	sor.u32 $0x700, s25;
	v7 =	vld [tilespmem:s28+$0x0];
	s28 =	sor.u32 $0x2002, s26;
	[tilespmem:v8+s17+$0x0] =	vst.idx.msk $0xffff, v1  }
0x17c: {  	v1 =	vpack.i.f32.bf16 v10, v3;
	v3 =	vor.u32 s28, v0;
	v8 =	vld [tilespmem:s29+$0x0];
	s28 =	sor.u32 $0x780, s25  }
0x17d: {  	s29 =	sor.u32 $0x410, s25;
	[tilespmem:v2+s17+$0x0] =	vst.idx.msk $0xffff, v1;
	v1 =	vld [tilespmem:s28+$0x0];
	s28 =	sor.u32 $0x2003, s26  }
0x17e: {  	v2 =	vld [tilespmem:s29+$0x0];
	s29 =	sor.u32 $0x490, s25;
	v5 =	vpack.i.f32.bf16 v9, v5;
	v9 =	vor.u32 s28, v0  }
0x17f: {  	s28 =	sor.u32 $0x2400, s26;
	v10 =	vld [tilespmem:s29+$0x0];
	[tilespmem:v4+s17+$0x0] =	vst.idx.msk $0xffff, v5;
	s29 =	sor.u32 $0x510, s25  }
0x180: {  	v4 =	vor.u32 s28, v0;
	s28 =	sor.u32 $0x590, s25;
	v5 =	vld [tilespmem:s29+$0x0];
	v6 =	vpack.i.f32.bf16 v7, v6  }
0x181: {  	s29 =	sor.u32 $0x610, s25;
	v7 =	vld [tilespmem:s28+$0x0];
	s28 =	sor.u32 $0x2401, s26;
	[tilespmem:v3+s17+$0x0] =	vst.idx.msk $0xffff, v6  }
0x182: {  	v3 =	vor.u32 s28, v0;
	v6 =	vld [tilespmem:s29+$0x0];
	s28 =	sor.u32 $0x690, s25;
	v1 =	vpack.i.f32.bf16 v1, v8  }
0x183: {  	s29 =	sor.u32 $0x710, s25;
	v8 =	vld [tilespmem:s28+$0x0];
	s28 =	sor.u32 $0x2402, s26;
	[tilespmem:v9+s17+$0x0] =	vst.idx.msk $0xffff, v1  }
0x184: {  	v1 =	vpack.i.f32.bf16 v10, v2;
	v2 =	vor.u32 s28, v0;
	v9 =	vld [tilespmem:s29+$0x0];
	s28 =	sor.u32 $0x790, s25  }
0x185: {  	s29 =	sor.u32 $0x420, s25;
	[tilespmem:v4+s17+$0x0] =	vst.idx.msk $0xffff, v1;
	v1 =	vld [tilespmem:s28+$0x0];
	s28 =	sor.u32 $0x2403, s26  }
0x186: {  	v4 =	vld [tilespmem:s29+$0x0];
	s29 =	sor.u32 $0x4A0, s25;
	v5 =	vpack.i.f32.bf16 v7, v5;
	v7 =	vor.u32 s28, v0  }
0x187: {  	s28 =	sor.u32 $0x2800, s26;
	v10 =	vld [tilespmem:s29+$0x0];
	[tilespmem:v3+s17+$0x0] =	vst.idx.msk $0xffff, v5;
	s29 =	sor.u32 $0x520, s25  }
0x188: {  	v3 =	vor.u32 s28, v0;
	s28 =	sor.u32 $0x5A0, s25;
	v5 =	vld [tilespmem:s29+$0x0];
	v6 =	vpack.i.f32.bf16 v8, v6  }
0x189: {  	s29 =	sor.u32 $0x620, s25;
	v8 =	vld [tilespmem:s28+$0x0];
	s28 =	sor.u32 $0x2801, s26;
	[tilespmem:v2+s17+$0x0] =	vst.idx.msk $0xffff, v6  }
0x18a: {  	v2 =	vor.u32 s28, v0;
	v6 =	vld [tilespmem:s29+$0x0];
	s28 =	sor.u32 $0x6A0, s25;
	v1 =	vpack.i.f32.bf16 v1, v9  }
0x18b: {  	s29 =	sor.u32 $0x720, s25;
	v9 =	vld [tilespmem:s28+$0x0];
	s28 =	sor.u32 $0x2802, s26;
	[tilespmem:v7+s17+$0x0] =	vst.idx.msk $0xffff, v1  }
0x18c: {  	v1 =	vpack.i.f32.bf16 v10, v4;
	v4 =	vor.u32 s28, v0;
	v7 =	vld [tilespmem:s29+$0x0];
	s28 =	sor.u32 $0x7A0, s25  }
0x18d: {  	s29 =	sor.u32 $0x430, s25;
	[tilespmem:v3+s17+$0x0] =	vst.idx.msk $0xffff, v1;
	v1 =	vld [tilespmem:s28+$0x0];
	s28 =	sor.u32 $0x2803, s26  }
0x18e: {  	v3 =	vld [tilespmem:s29+$0x0];
	s29 =	sor.u32 $0x4B0, s25;
	v5 =	vpack.i.f32.bf16 v8, v5;
	v8 =	vor.u32 s28, v0  }
0x18f: {  	s28 =	sor.u32 $0x2C00, s26;
	v10 =	vld [tilespmem:s29+$0x0];
	[tilespmem:v2+s17+$0x0] =	vst.idx.msk $0xffff, v5;
	s29 =	sor.u32 $0x530, s25  }
0x190: {  	v2 =	vor.u32 s28, v0;
	s28 =	sor.u32 $0x5B0, s25;
	v5 =	vld [tilespmem:s29+$0x0];
	v6 =	vpack.i.f32.bf16 v9, v6  }
0x191: {  	s29 =	sor.u32 $0x630, s25;
	v9 =	vld [tilespmem:s28+$0x0];
	s28 =	sor.u32 $0x2C01, s26;
	[tilespmem:v4+s17+$0x0] =	vst.idx.msk $0xffff, v6  }
0x192: {  	v4 =	vor.u32 s28, v0;
	v6 =	vld [tilespmem:s29+$0x0];
	s28 =	sor.u32 $0x6B0, s25;
	v1 =	vpack.i.f32.bf16 v1, v7  }
0x193: {  	s29 =	sor.u32 $0x730, s25;
	v7 =	vld [tilespmem:s28+$0x0];
	s28 =	sor.u32 $0x2C02, s26;
	[tilespmem:v8+s17+$0x0] =	vst.idx.msk $0xffff, v1  }
0x194: {  	v1 =	vpack.i.f32.bf16 v10, v3;
	v3 =	vor.u32 s28, v0;
	v8 =	vld [tilespmem:s29+$0x0];
	s28 =	sor.u32 $0x7B0, s25  }
0x195: {  	s29 =	sor.u32 $0x440, s25;
	[tilespmem:v2+s17+$0x0] =	vst.idx.msk $0xffff, v1;
	v1 =	vld [tilespmem:s28+$0x0];
	s28 =	sor.u32 $0x2C03, s26  }
0x196: {  	v2 =	vld [tilespmem:s29+$0x0];
	s29 =	sor.u32 $0x4C0, s25;
	v5 =	vpack.i.f32.bf16 v9, v5;
	v9 =	vor.u32 s28, v0  }
0x197: {  	s28 =	sor.u32 $0x3000, s26;
	v10 =	vld [tilespmem:s29+$0x0];
	[tilespmem:v4+s17+$0x0] =	vst.idx.msk $0xffff, v5;
	s29 =	sor.u32 $0x540, s25  }
0x198: {  	v4 =	vor.u32 s28, v0;
	s28 =	sor.u32 $0x5C0, s25;
	v5 =	vld [tilespmem:s29+$0x0];
	v6 =	vpack.i.f32.bf16 v7, v6  }
0x199: {  	s29 =	sor.u32 $0x640, s25;
	v7 =	vld [tilespmem:s28+$0x0];
	s28 =	sor.u32 $0x3001, s26;
	[tilespmem:v3+s17+$0x0] =	vst.idx.msk $0xffff, v6  }
0x19a: {  	v3 =	vor.u32 s28, v0;
	v6 =	vld [tilespmem:s29+$0x0];
	s28 =	sor.u32 $0x6C0, s25;
	v1 =	vpack.i.f32.bf16 v1, v8  }
0x19b: {  	s29 =	sor.u32 $0x740, s25;
	v8 =	vld [tilespmem:s28+$0x0];
	s28 =	sor.u32 $0x3002, s26;
	[tilespmem:v9+s17+$0x0] =	vst.idx.msk $0xffff, v1  }
0x19c: {  	v1 =	vpack.i.f32.bf16 v10, v2;
	v2 =	vor.u32 s28, v0;
	v9 =	vld [tilespmem:s29+$0x0];
	s28 =	sor.u32 $0x7C0, s25  }
0x19d: {  	s29 =	sor.u32 $0x450, s25;
	[tilespmem:v4+s17+$0x0] =	vst.idx.msk $0xffff, v1;
	v1 =	vld [tilespmem:s28+$0x0];
	s28 =	sor.u32 $0x3003, s26  }
0x19e: {  	v4 =	vld [tilespmem:s29+$0x0];
	s29 =	sor.u32 $0x4D0, s25;
	v5 =	vpack.i.f32.bf16 v7, v5;
	v7 =	vor.u32 s28, v0  }
0x19f: {  	s28 =	sor.u32 $0x3400, s26;
	v10 =	vld [tilespmem:s29+$0x0];
	[tilespmem:v3+s17+$0x0] =	vst.idx.msk $0xffff, v5;
	s29 =	sor.u32 $0x550, s25  }
0x1a0: {  	v3 =	vor.u32 s28, v0;
	s28 =	sor.u32 $0x5D0, s25;
	v5 =	vld [tilespmem:s29+$0x0];
	v6 =	vpack.i.f32.bf16 v8, v6  }
0x1a1: {  	s29 =	sor.u32 $0x650, s25;
	v8 =	vld [tilespmem:s28+$0x0];
	s28 =	sor.u32 $0x3401, s26;
	[tilespmem:v2+s17+$0x0] =	vst.idx.msk $0xffff, v6  }
0x1a2: {  	v2 =	vor.u32 s28, v0;
	v6 =	vld [tilespmem:s29+$0x0];
	s28 =	sor.u32 $0x6D0, s25;
	v1 =	vpack.i.f32.bf16 v1, v9  }
0x1a3: {  	s29 =	sor.u32 $0x750, s25;
	v9 =	vld [tilespmem:s28+$0x0];
	s28 =	sor.u32 $0x3402, s26;
	[tilespmem:v7+s17+$0x0] =	vst.idx.msk $0xffff, v1  }
0x1a4: {  	v1 =	vpack.i.f32.bf16 v10, v4;
	v4 =	vor.u32 s28, v0;
	v7 =	vld [tilespmem:s29+$0x0];
	s28 =	sor.u32 $0x7D0, s25  }
0x1a5: {  	s29 =	sor.u32 $0x460, s25;
	[tilespmem:v3+s17+$0x0] =	vst.idx.msk $0xffff, v1;
	v1 =	vld [tilespmem:s28+$0x0];
	s28 =	sor.u32 $0x3403, s26  }
0x1a6: {  	v3 =	vld [tilespmem:s29+$0x0];
	s29 =	sor.u32 $0x4E0, s25;
	v5 =	vpack.i.f32.bf16 v8, v5;
	v8 =	vor.u32 s28, v0  }
0x1a7: {  	s28 =	sor.u32 $0x3800, s26;
	v10 =	vld [tilespmem:s29+$0x0];
	[tilespmem:v2+s17+$0x0] =	vst.idx.msk $0xffff, v5;
	s29 =	sor.u32 $0x560, s25  }
0x1a8: {  	v2 =	vor.u32 s28, v0;
	s28 =	sor.u32 $0x5E0, s25;
	v5 =	vld [tilespmem:s29+$0x0];
	v6 =	vpack.i.f32.bf16 v9, v6  }
0x1a9: {  	s29 =	sor.u32 $0x660, s25;
	v9 =	vld [tilespmem:s28+$0x0];
	s28 =	sor.u32 $0x3801, s26;
	[tilespmem:v4+s17+$0x0] =	vst.idx.msk $0xffff, v6  }
0x1aa: {  	v4 =	vor.u32 s28, v0;
	v6 =	vld [tilespmem:s29+$0x0];
	s28 =	sor.u32 $0x6E0, s25;
	v1 =	vpack.i.f32.bf16 v1, v7  }
0x1ab: {  	s29 =	sor.u32 $0x760, s25;
	v7 =	vld [tilespmem:s28+$0x0];
	s28 =	sor.u32 $0x3802, s26;
	[tilespmem:v8+s17+$0x0] =	vst.idx.msk $0xffff, v1  }
0x1ac: {  	v1 =	vpack.i.f32.bf16 v10, v3;
	v3 =	vor.u32 s28, v0;
	v8 =	vld [tilespmem:s29+$0x0];
	s28 =	sor.u32 $0x7E0, s25  }
0x1ad: {  	s29 =	sor.u32 $0x470, s25;
	[tilespmem:v2+s17+$0x0] =	vst.idx.msk $0xffff, v1;
	v1 =	vld [tilespmem:s28+$0x0];
	s28 =	sor.u32 $0x3803, s26  }
0x1ae: {  	v2 =	vld [tilespmem:s29+$0x0];
	s29 =	sor.u32 $0x4F0, s25;
	v5 =	vpack.i.f32.bf16 v9, v5;
	v9 =	vor.u32 s28, v0  }
0x1af: {  	s28 =	sor.u32 $0x3C00, s26;
	v10 =	vld [tilespmem:s29+$0x0];
	[tilespmem:v4+s17+$0x0] =	vst.idx.msk $0xffff, v5;
	s29 =	sor.u32 $0x570, s25  }
0x1b0: {  	v4 =	vor.u32 s28, v0;
	s28 =	sor.u32 $0x5F0, s25;
	v5 =	vld [tilespmem:s29+$0x0];
	v6 =	vpack.i.f32.bf16 v7, v6  }
0x1b1: {  	s29 =	sor.u32 $0x670, s25;
	v7 =	vld [tilespmem:s28+$0x0];
	s28 =	sor.u32 $0x3C01, s26;
	[tilespmem:v3+s17+$0x0] =	vst.idx.msk $0xffff, v6  }
0x1b2: {  	v3 =	vor.u32 s28, v0;
	v6 =	vld [tilespmem:s29+$0x0];
	s28 =	sor.u32 $0x6F0, s25;
	v1 =	vpack.i.f32.bf16 v1, v8  }
0x1b3: {  	s29 =	sor.u32 $0x770, s25;
	v8 =	vld [tilespmem:s28+$0x0];
	s28 =	sor.u32 $0x3C02, s26;
	[tilespmem:v9+s17+$0x0] =	vst.idx.msk $0xffff, v1  }
0x1b4: {  	v1 =	vpack.i.f32.bf16 v10, v2;
	v2 =	vor.u32 s28, v0;
	v9 =	vld [tilespmem:s29+$0x0];
	s28 =	sor.u32 $0x7F0, s25  }
0x1b5: {  	[tilespmem:v4+s17+$0x0] =	vst.idx.msk $0xffff, v1;
	v1 =	vld [tilespmem:s28+$0x0];
	s28 =	sor.u32 $0x3C03, s26  }
0x1b6: {  	v4 =	vld [tilespmem:s25+$0x4000];
	v5 =	vpack.i.f32.bf16 v7, v5;
	v7 =	vor.u32 s28, v0  }
0x1b7: {  	s28 =	sor.u32 $0x20, s26;
	v10 =	vld [tilespmem:s25+$0x4080];
	[tilespmem:v3+s17+$0x0] =	vst.idx.msk $0xffff, v5  }
0x1b8: {  	v3 =	vor.u32 s28, v0;
	v5 =	vld [tilespmem:s25+$0x4100];
	v6 =	vpack.i.f32.bf16 v8, v6  }
0x1b9: {  	s28 =	sor.u32 $0x21, s26;
	v8 =	vld [tilespmem:s25+$0x4180];
	[tilespmem:v2+s17+$0x0] =	vst.idx.msk $0xffff, v6  }
0x1ba: {  	v2 =	vor.u32 s28, v0;
	v6 =	vld [tilespmem:s25+$0x4200];
	v1 =	vpack.i.f32.bf16 v1, v9  }
0x1bb: {  	s28 =	sor.u32 $0x22, s26;
	v9 =	vld [tilespmem:s25+$0x4280];
	[tilespmem:v7+s17+$0x0] =	vst.idx.msk $0xffff, v1  }
0x1bc: {  	v1 =	vpack.i.f32.bf16 v10, v4;
	v4 =	vor.u32 s28, v0;
	v7 =	vld [tilespmem:s25+$0x4300]  }
0x1bd: {  	s28 =	sor.u32 $0x23, s26;
	[tilespmem:v3+s17+$0x0] =	vst.idx.msk $0xffff, v1;
	v1 =	vld [tilespmem:s25+$0x4380]  }
0x1be: {  	v3 =	vld [tilespmem:s25+$0x4010];
	v5 =	vpack.i.f32.bf16 v8, v5;
	v8 =	vor.u32 s28, v0  }
0x1bf: {  	s28 =	sor.u32 $0x420, s26;
	v10 =	vld [tilespmem:s25+$0x4090];
	[tilespmem:v2+s17+$0x0] =	vst.idx.msk $0xffff, v5  }
0x1c0: {  	v2 =	vor.u32 s28, v0;
	v5 =	vld [tilespmem:s25+$0x4110];
	v6 =	vpack.i.f32.bf16 v9, v6  }
0x1c1: {  	s28 =	sor.u32 $0x421, s26;
	v9 =	vld [tilespmem:s25+$0x4190];
	[tilespmem:v4+s17+$0x0] =	vst.idx.msk $0xffff, v6  }
0x1c2: {  	v4 =	vor.u32 s28, v0;
	v6 =	vld [tilespmem:s25+$0x4210];
	v1 =	vpack.i.f32.bf16 v1, v7  }
0x1c3: {  	s28 =	sor.u32 $0x422, s26;
	v7 =	vld [tilespmem:s25+$0x4290];
	[tilespmem:v8+s17+$0x0] =	vst.idx.msk $0xffff, v1  }
0x1c4: {  	v1 =	vpack.i.f32.bf16 v10, v3;
	v3 =	vor.u32 s28, v0;
	v8 =	vld [tilespmem:s25+$0x4310]  }
0x1c5: {  	s28 =	sor.u32 $0x423, s26;
	[tilespmem:v2+s17+$0x0] =	vst.idx.msk $0xffff, v1;
	v1 =	vld [tilespmem:s25+$0x4390]  }
0x1c6: {  	v2 =	vld [tilespmem:s25+$0x4020];
	v5 =	vpack.i.f32.bf16 v9, v5;
	v9 =	vor.u32 s28, v0  }
0x1c7: {  	s28 =	sor.u32 $0x820, s26;
	v10 =	vld [tilespmem:s25+$0x40A0];
	[tilespmem:v4+s17+$0x0] =	vst.idx.msk $0xffff, v5  }
0x1c8: {  	v4 =	vor.u32 s28, v0;
	v5 =	vld [tilespmem:s25+$0x4120];
	v6 =	vpack.i.f32.bf16 v7, v6  }
0x1c9: {  	s28 =	sor.u32 $0x821, s26;
	v7 =	vld [tilespmem:s25+$0x41A0];
	[tilespmem:v3+s17+$0x0] =	vst.idx.msk $0xffff, v6  }
0x1ca: {  	v3 =	vor.u32 s28, v0;
	v6 =	vld [tilespmem:s25+$0x4220];
	v1 =	vpack.i.f32.bf16 v1, v8  }
0x1cb: {  	s28 =	sor.u32 $0x822, s26;
	v8 =	vld [tilespmem:s25+$0x42A0];
	[tilespmem:v9+s17+$0x0] =	vst.idx.msk $0xffff, v1  }
0x1cc: {  	v1 =	vpack.i.f32.bf16 v10, v2;
	v2 =	vor.u32 s28, v0;
	v9 =	vld [tilespmem:s25+$0x4320]  }
0x1cd: {  	s28 =	sor.u32 $0x823, s26;
	[tilespmem:v4+s17+$0x0] =	vst.idx.msk $0xffff, v1;
	v1 =	vld [tilespmem:s25+$0x43A0]  }
0x1ce: {  	v4 =	vld [tilespmem:s25+$0x4030];
	v5 =	vpack.i.f32.bf16 v7, v5;
	v7 =	vor.u32 s28, v0  }
0x1cf: {  	s28 =	sor.u32 $0xC20, s26;
	v10 =	vld [tilespmem:s25+$0x40B0];
	[tilespmem:v3+s17+$0x0] =	vst.idx.msk $0xffff, v5  }
0x1d0: {  	v3 =	vor.u32 s28, v0;
	v5 =	vld [tilespmem:s25+$0x4130];
	v6 =	vpack.i.f32.bf16 v8, v6  }
0x1d1: {  	s28 =	sor.u32 $0xC21, s26;
	v8 =	vld [tilespmem:s25+$0x41B0];
	[tilespmem:v2+s17+$0x0] =	vst.idx.msk $0xffff, v6  }
0x1d2: {  	v2 =	vor.u32 s28, v0;
	v6 =	vld [tilespmem:s25+$0x4230];
	v1 =	vpack.i.f32.bf16 v1, v9  }
0x1d3: {  	s28 =	sor.u32 $0xC22, s26;
	v9 =	vld [tilespmem:s25+$0x42B0];
	[tilespmem:v7+s17+$0x0] =	vst.idx.msk $0xffff, v1  }
0x1d4: {  	v1 =	vpack.i.f32.bf16 v10, v4;
	v4 =	vor.u32 s28, v0;
	v7 =	vld [tilespmem:s25+$0x4330]  }
0x1d5: {  	s28 =	sor.u32 $0xC23, s26;
	[tilespmem:v3+s17+$0x0] =	vst.idx.msk $0xffff, v1;
	v1 =	vld [tilespmem:s25+$0x43B0]  }
0x1d6: {  	v3 =	vld [tilespmem:s25+$0x4040];
	v5 =	vpack.i.f32.bf16 v8, v5;
	v8 =	vor.u32 s28, v0  }
0x1d7: {  	s28 =	sor.u32 $0x1020, s26;
	v10 =	vld [tilespmem:s25+$0x40C0];
	[tilespmem:v2+s17+$0x0] =	vst.idx.msk $0xffff, v5  }
0x1d8: {  	v2 =	vor.u32 s28, v0;
	v5 =	vld [tilespmem:s25+$0x4140];
	v6 =	vpack.i.f32.bf16 v9, v6  }
0x1d9: {  	s28 =	sor.u32 $0x1021, s26;
	v9 =	vld [tilespmem:s25+$0x41C0];
	[tilespmem:v4+s17+$0x0] =	vst.idx.msk $0xffff, v6  }
0x1da: {  	v4 =	vor.u32 s28, v0;
	v6 =	vld [tilespmem:s25+$0x4240];
	v1 =	vpack.i.f32.bf16 v1, v7  }
0x1db: {  	s28 =	sor.u32 $0x1022, s26;
	v7 =	vld [tilespmem:s25+$0x42C0];
	[tilespmem:v8+s17+$0x0] =	vst.idx.msk $0xffff, v1  }
0x1dc: {  	v1 =	vpack.i.f32.bf16 v10, v3;
	v3 =	vor.u32 s28, v0;
	v8 =	vld [tilespmem:s25+$0x4340]  }
0x1dd: {  	s28 =	sor.u32 $0x1023, s26;
	[tilespmem:v2+s17+$0x0] =	vst.idx.msk $0xffff, v1;
	v1 =	vld [tilespmem:s25+$0x43C0]  }
0x1de: {  	v2 =	vld [tilespmem:s25+$0x4050];
	v5 =	vpack.i.f32.bf16 v9, v5;
	v9 =	vor.u32 s28, v0  }
0x1df: {  	s28 =	sor.u32 $0x1420, s26;
	v10 =	vld [tilespmem:s25+$0x40D0];
	[tilespmem:v4+s17+$0x0] =	vst.idx.msk $0xffff, v5  }
0x1e0: {  	v4 =	vor.u32 s28, v0;
	v5 =	vld [tilespmem:s25+$0x4150];
	v6 =	vpack.i.f32.bf16 v7, v6  }
0x1e1: {  	s28 =	sor.u32 $0x1421, s26;
	v7 =	vld [tilespmem:s25+$0x41D0];
	[tilespmem:v3+s17+$0x0] =	vst.idx.msk $0xffff, v6  }
0x1e2: {  	v3 =	vor.u32 s28, v0;
	v6 =	vld [tilespmem:s25+$0x4250];
	v1 =	vpack.i.f32.bf16 v1, v8  }
0x1e3: {  	s28 =	sor.u32 $0x1422, s26;
	v8 =	vld [tilespmem:s25+$0x42D0];
	[tilespmem:v9+s17+$0x0] =	vst.idx.msk $0xffff, v1  }
0x1e4: {  	v1 =	vpack.i.f32.bf16 v10, v2;
	v2 =	vor.u32 s28, v0;
	v9 =	vld [tilespmem:s25+$0x4350]  }
0x1e5: {  	s28 =	sor.u32 $0x1423, s26;
	[tilespmem:v4+s17+$0x0] =	vst.idx.msk $0xffff, v1;
	v1 =	vld [tilespmem:s25+$0x43D0]  }
0x1e6: {  	v4 =	vld [tilespmem:s25+$0x4060];
	v5 =	vpack.i.f32.bf16 v7, v5;
	v7 =	vor.u32 s28, v0  }
0x1e7: {  	s28 =	sor.u32 $0x1820, s26;
	v10 =	vld [tilespmem:s25+$0x40E0];
	[tilespmem:v3+s17+$0x0] =	vst.idx.msk $0xffff, v5  }
0x1e8: {  	v3 =	vor.u32 s28, v0;
	v5 =	vld [tilespmem:s25+$0x4160];
	v6 =	vpack.i.f32.bf16 v8, v6  }
0x1e9: {  	s28 =	sor.u32 $0x1821, s26;
	v8 =	vld [tilespmem:s25+$0x41E0];
	[tilespmem:v2+s17+$0x0] =	vst.idx.msk $0xffff, v6  }
0x1ea: {  	v2 =	vor.u32 s28, v0;
	v6 =	vld [tilespmem:s25+$0x4260];
	v1 =	vpack.i.f32.bf16 v1, v9  }
0x1eb: {  	s28 =	sor.u32 $0x1822, s26;
	v9 =	vld [tilespmem:s25+$0x42E0];
	[tilespmem:v7+s17+$0x0] =	vst.idx.msk $0xffff, v1  }
0x1ec: {  	v1 =	vpack.i.f32.bf16 v10, v4;
	v4 =	vor.u32 s28, v0;
	v7 =	vld [tilespmem:s25+$0x4360]  }
0x1ed: {  	s28 =	sor.u32 $0x1823, s26;
	[tilespmem:v3+s17+$0x0] =	vst.idx.msk $0xffff, v1;
	v1 =	vld [tilespmem:s25+$0x43E0]  }
0x1ee: {  	v3 =	vld [tilespmem:s25+$0x4070];
	v5 =	vpack.i.f32.bf16 v8, v5;
	v8 =	vor.u32 s28, v0  }
0x1ef: {  	s28 =	sor.u32 $0x1C20, s26;
	v10 =	vld [tilespmem:s25+$0x40F0];
	[tilespmem:v2+s17+$0x0] =	vst.idx.msk $0xffff, v5  }
0x1f0: {  	v2 =	vor.u32 s28, v0;
	v5 =	vld [tilespmem:s25+$0x4170];
	v6 =	vpack.i.f32.bf16 v9, v6  }
0x1f1: {  	s28 =	sor.u32 $0x1C21, s26;
	v9 =	vld [tilespmem:s25+$0x41F0];
	[tilespmem:v4+s17+$0x0] =	vst.idx.msk $0xffff, v6  }
0x1f2: {  	v4 =	vor.u32 s28, v0;
	v6 =	vld [tilespmem:s25+$0x4270];
	v1 =	vpack.i.f32.bf16 v1, v7  }
0x1f3: {  	s28 =	sor.u32 $0x1C22, s26;
	v7 =	vld [tilespmem:s25+$0x42F0];
	[tilespmem:v8+s17+$0x0] =	vst.idx.msk $0xffff, v1  }
0x1f4: {  	v1 =	vpack.i.f32.bf16 v10, v3;
	v3 =	vor.u32 s28, v0;
	v8 =	vld [tilespmem:s25+$0x4370]  }
0x1f5: {  	s28 =	sor.u32 $0x1C23, s26;
	[tilespmem:v2+s17+$0x0] =	vst.idx.msk $0xffff, v1;
	v1 =	vld [tilespmem:s25+$0x43F0]  }
0x1f6: {  	v2 =	vld [tilespmem:s25+$0x4400];
	v5 =	vpack.i.f32.bf16 v9, v5;
	v9 =	vor.u32 s28, v0  }
0x1f7: {  	s28 =	sor.u32 $0x2020, s26;
	v10 =	vld [tilespmem:s25+$0x4480];
	[tilespmem:v4+s17+$0x0] =	vst.idx.msk $0xffff, v5  }
0x1f8: {  	v4 =	vor.u32 s28, v0;
	v5 =	vld [tilespmem:s25+$0x4500];
	v6 =	vpack.i.f32.bf16 v7, v6  }
0x1f9: {  	s28 =	sor.u32 $0x2021, s26;
	v7 =	vld [tilespmem:s25+$0x4580];
	[tilespmem:v3+s17+$0x0] =	vst.idx.msk $0xffff, v6  }
0x1fa: {  	v3 =	vor.u32 s28, v0;
	v6 =	vld [tilespmem:s25+$0x4600];
	v1 =	vpack.i.f32.bf16 v1, v8  }
0x1fb: {  	s28 =	sor.u32 $0x2022, s26;
	v8 =	vld [tilespmem:s25+$0x4680];
	[tilespmem:v9+s17+$0x0] =	vst.idx.msk $0xffff, v1  }
0x1fc: {  	v1 =	vpack.i.f32.bf16 v10, v2;
	v2 =	vor.u32 s28, v0;
	v9 =	vld [tilespmem:s25+$0x4700]  }
0x1fd: {  	s28 =	sor.u32 $0x2023, s26;
	[tilespmem:v4+s17+$0x0] =	vst.idx.msk $0xffff, v1;
	v1 =	vld [tilespmem:s25+$0x4780]  }
0x1fe: {  	v4 =	vld [tilespmem:s25+$0x4410];
	v5 =	vpack.i.f32.bf16 v7, v5;
	v7 =	vor.u32 s28, v0  }
0x1ff: {  	s28 =	sor.u32 $0x2420, s26;
	v10 =	vld [tilespmem:s25+$0x4490];
	[tilespmem:v3+s17+$0x0] =	vst.idx.msk $0xffff, v5  }
0x200: {  	v3 =	vor.u32 s28, v0;
	v5 =	vld [tilespmem:s25+$0x4510];
	v6 =	vpack.i.f32.bf16 v8, v6  }
0x201: {  	s28 =	sor.u32 $0x2421, s26;
	v8 =	vld [tilespmem:s25+$0x4590];
	[tilespmem:v2+s17+$0x0] =	vst.idx.msk $0xffff, v6  }
0x202: {  	v2 =	vor.u32 s28, v0;
	v6 =	vld [tilespmem:s25+$0x4610];
	v1 =	vpack.i.f32.bf16 v1, v9  }
0x203: {  	s28 =	sor.u32 $0x2422, s26;
	v9 =	vld [tilespmem:s25+$0x4690];
	[tilespmem:v7+s17+$0x0] =	vst.idx.msk $0xffff, v1  }
0x204: {  	v1 =	vpack.i.f32.bf16 v10, v4;
	v4 =	vor.u32 s28, v0;
	v7 =	vld [tilespmem:s25+$0x4710]  }
0x205: {  	s28 =	sor.u32 $0x2423, s26;
	[tilespmem:v3+s17+$0x0] =	vst.idx.msk $0xffff, v1;
	v1 =	vld [tilespmem:s25+$0x4790]  }
0x206: {  	v3 =	vld [tilespmem:s25+$0x4420];
	v5 =	vpack.i.f32.bf16 v8, v5;
	v8 =	vor.u32 s28, v0  }
0x207: {  	s28 =	sor.u32 $0x2820, s26;
	v10 =	vld [tilespmem:s25+$0x44A0];
	[tilespmem:v2+s17+$0x0] =	vst.idx.msk $0xffff, v5  }
0x208: {  	v2 =	vor.u32 s28, v0;
	v5 =	vld [tilespmem:s25+$0x4520];
	v6 =	vpack.i.f32.bf16 v9, v6  }
0x209: {  	s28 =	sor.u32 $0x2821, s26;
	v9 =	vld [tilespmem:s25+$0x45A0];
	[tilespmem:v4+s17+$0x0] =	vst.idx.msk $0xffff, v6  }
0x20a: {  	v4 =	vor.u32 s28, v0;
	v6 =	vld [tilespmem:s25+$0x4620];
	v1 =	vpack.i.f32.bf16 v1, v7  }
0x20b: {  	s28 =	sor.u32 $0x2822, s26;
	v7 =	vld [tilespmem:s25+$0x46A0];
	[tilespmem:v8+s17+$0x0] =	vst.idx.msk $0xffff, v1  }
0x20c: {  	v1 =	vpack.i.f32.bf16 v10, v3;
	v3 =	vor.u32 s28, v0;
	v8 =	vld [tilespmem:s25+$0x4720]  }
0x20d: {  	s28 =	sor.u32 $0x2823, s26;
	[tilespmem:v2+s17+$0x0] =	vst.idx.msk $0xffff, v1;
	v1 =	vld [tilespmem:s25+$0x47A0]  }
0x20e: {  	v2 =	vld [tilespmem:s25+$0x4430];
	v5 =	vpack.i.f32.bf16 v9, v5;
	v9 =	vor.u32 s28, v0  }
0x20f: {  	s28 =	sor.u32 $0x2C20, s26;
	v10 =	vld [tilespmem:s25+$0x44B0];
	[tilespmem:v4+s17+$0x0] =	vst.idx.msk $0xffff, v5  }
0x210: {  	v4 =	vor.u32 s28, v0;
	v5 =	vld [tilespmem:s25+$0x4530];
	v6 =	vpack.i.f32.bf16 v7, v6  }
0x211: {  	s28 =	sor.u32 $0x2C21, s26;
	v7 =	vld [tilespmem:s25+$0x45B0];
	[tilespmem:v3+s17+$0x0] =	vst.idx.msk $0xffff, v6  }
0x212: {  	v3 =	vor.u32 s28, v0;
	v6 =	vld [tilespmem:s25+$0x4630];
	v1 =	vpack.i.f32.bf16 v1, v8  }
0x213: {  	s28 =	sor.u32 $0x2C22, s26;
	v8 =	vld [tilespmem:s25+$0x46B0];
	[tilespmem:v9+s17+$0x0] =	vst.idx.msk $0xffff, v1  }
0x214: {  	v1 =	vpack.i.f32.bf16 v10, v2;
	v2 =	vor.u32 s28, v0;
	v9 =	vld [tilespmem:s25+$0x4730]  }
0x215: {  	s28 =	sor.u32 $0x2C23, s26;
	[tilespmem:v4+s17+$0x0] =	vst.idx.msk $0xffff, v1;
	v1 =	vld [tilespmem:s25+$0x47B0]  }
0x216: {  	v4 =	vld [tilespmem:s25+$0x4440];
	v5 =	vpack.i.f32.bf16 v7, v5;
	v7 =	vor.u32 s28, v0  }
0x217: {  	s28 =	sor.u32 $0x3020, s26;
	v10 =	vld [tilespmem:s25+$0x44C0];
	[tilespmem:v3+s17+$0x0] =	vst.idx.msk $0xffff, v5  }
0x218: {  	v3 =	vor.u32 s28, v0;
	v5 =	vld [tilespmem:s25+$0x4540];
	v6 =	vpack.i.f32.bf16 v8, v6  }
0x219: {  	s28 =	sor.u32 $0x3021, s26;
	v8 =	vld [tilespmem:s25+$0x45C0];
	[tilespmem:v2+s17+$0x0] =	vst.idx.msk $0xffff, v6  }
0x21a: {  	v2 =	vor.u32 s28, v0;
	v6 =	vld [tilespmem:s25+$0x4640];
	v1 =	vpack.i.f32.bf16 v1, v9  }
0x21b: {  	s28 =	sor.u32 $0x3022, s26;
	v9 =	vld [tilespmem:s25+$0x46C0];
	[tilespmem:v7+s17+$0x0] =	vst.idx.msk $0xffff, v1  }
0x21c: {  	v1 =	vpack.i.f32.bf16 v10, v4;
	v4 =	vor.u32 s28, v0;
	v7 =	vld [tilespmem:s25+$0x4740]  }
0x21d: {  	s28 =	sor.u32 $0x3023, s26;
	[tilespmem:v3+s17+$0x0] =	vst.idx.msk $0xffff, v1;
	v1 =	vld [tilespmem:s25+$0x47C0]  }
0x21e: {  	v3 =	vld [tilespmem:s25+$0x4450];
	v5 =	vpack.i.f32.bf16 v8, v5;
	v8 =	vor.u32 s28, v0  }
0x21f: {  	s28 =	sor.u32 $0x3420, s26;
	v10 =	vld [tilespmem:s25+$0x44D0];
	[tilespmem:v2+s17+$0x0] =	vst.idx.msk $0xffff, v5  }
0x220: {  	v2 =	vor.u32 s28, v0;
	v5 =	vld [tilespmem:s25+$0x4550];
	v6 =	vpack.i.f32.bf16 v9, v6  }
0x221: {  	s28 =	sor.u32 $0x3421, s26;
	v9 =	vld [tilespmem:s25+$0x45D0];
	[tilespmem:v4+s17+$0x0] =	vst.idx.msk $0xffff, v6  }
0x222: {  	v4 =	vor.u32 s28, v0;
	v6 =	vld [tilespmem:s25+$0x4650];
	v1 =	vpack.i.f32.bf16 v1, v7  }
0x223: {  	s28 =	sor.u32 $0x3422, s26;
	v7 =	vld [tilespmem:s25+$0x46D0];
	[tilespmem:v8+s17+$0x0] =	vst.idx.msk $0xffff, v1  }
0x224: {  	v1 =	vpack.i.f32.bf16 v10, v3;
	v3 =	vor.u32 s28, v0;
	v8 =	vld [tilespmem:s25+$0x4750];
	s28 =	sor.u32 $0x3423, s26  }
0x225: {  	[tilespmem:v2+s17+$0x0] =	vst.idx.msk $0xffff, v1;
	v1 =	vld [tilespmem:s25+$0x47D0];
	v2 =	vor.u32 s28, v0  }
0x226: {  	v10 =	vld [tilespmem:s25+$0x4460];
	v5 =	vpack.i.f32.bf16 v9, v5  }
0x227: {  	s28 =	sor.u32 $0x3820, s26;
	v9 =	vld [tilespmem:s25+$0x44E0];
	[tilespmem:v4+s17+$0x0] =	vst.idx.msk $0xffff, v5  }
0x228: {  	v4 =	vor.u32 s28, v0;
	v5 =	vld [tilespmem:s25+$0x4560];
	v6 =	vpack.i.f32.bf16 v7, v6  }
0x229: {  	s28 =	sor.u32 $0x3821, s26;
	v7 =	vld [tilespmem:s25+$0x45E0];
	[tilespmem:v3+s17+$0x0] =	vst.idx.msk $0xffff, v6  }
0x22a: {  	v3 =	vor.u32 s28, v0;
	v6 =	vld [tilespmem:s25+$0x4660];
	v1 =	vpack.i.f32.bf16 v1, v8  }
0x22b: {  	s29 =	sor.u32 $0x3823, s26;
	s28 =	sor.u32 $0x3822, s26;
	v8 =	vld [tilespmem:s25+$0x46E0];
	[tilespmem:v2+s17+$0x0] =	vst.idx.msk $0xffff, v1  }
0x22c: {  	v2 =	vor.u32 s28, v0;
	v1 =	vpack.i.f32.bf16 v9, v10;
	v9 =	vld [tilespmem:s25+$0x4760];
	v10 =	vor.u32 s29, v0  }
0x22d: {  	[tilespmem:v4+s17+$0x0] =	vst.idx.msk $0xffff, v1;
	v4 =	vld [tilespmem:s25+$0x47E0]  }
0x22e: {  	v11 =	vld [tilespmem:s25+$0x4470];
	v1 =	vpack.i.f32.bf16 v7, v5  }
0x22f: {  	s28 =	sor.u32 $0x3C20, s26;
	v5 =	vld [tilespmem:s25+$0x44F0];
	[tilespmem:v3+s17+$0x0] =	vst.idx.msk $0xffff, v1  }
0x230: {  	v7 =	vor.u32 s28, v0;
	v12 =	vld [tilespmem:s25+$0x4570];
	v1 =	vpack.i.f32.bf16 v8, v6  }
0x231: {  	s28 =	sor.u32 $0x3C21, s26;
	v6 =	vld [tilespmem:s25+$0x45F0];
	[tilespmem:v2+s17+$0x0] =	vst.idx.msk $0xffff, v1  }
0x232: {  	v8 =	vor.u32 s28, v0;
	v1 =	vld [tilespmem:s25+$0x4670];
	v3 =	vpack.i.f32.bf16 v4, v9  }
.Ltmp5:
0x233: {  	v2 =	vld [tilespmem:s25+$0x46F0];
	[tilespmem:v10+s17+$0x0] =	vst.idx.msk $0xffff, v3;
	(pc) =	sbr.rel @p3 .LBB2_4-.Ltmp5, $4  }
0x234: {  	v4 =	vpack.i.f32.bf16 v5, v11;
	v3 =	vld [tilespmem:s25+$0x4770]  }
0x235: {  	s28 =	sor.u32 $0x3C22, s26;
	[tilespmem:v7+s17+$0x0] =	vst.idx.msk $0xffff, v4;
	v5 =	vld [tilespmem:s25+$0x47F0];
	s25 =	sor.u32 $0x3C23, s26  }
0x236: {  	v4 =	vor.u32 s28, v0;
	v7 =	vpack.i.f32.bf16 v6, v12;
	v6 =	vor.u32 s25, v0  }
0x237: {  	[tilespmem:v8+s17+$0x0] =	vst.idx.msk $0xffff, v7  }
0x238: {  	_ =	sdelay $0x2  }
0x239: {  	v1 =	vpack.i.f32.bf16 v2, v1  }
0x23a: {  	s23 =	sshll.u32 s23, $0xB;
	[tilespmem:v4+s17+$0x0] =	vst.idx.msk $0xffff, v1;
	v3 =	vpack.i.f32.bf16 v5, v3  }
0x23b: {  	s23 =	sadd.s32 s5, s23;
	[tilespmem:v6+s17+$0x0] =	vst.idx.msk $0xffff, v3  }
0x23c: {  	[hbm4b:s23+s6] =	stream.linear.scatter [tilespmem:s17], [sflag:$0x3], $0x4000, $0x38;
	[tilespmem:$0x18000] =	vst v63  }
.LBB2_6:
0x23d: {  	p3 =	sgt.u32 @!p1 s21, $0xF81  }
0x23e: {  	p1 =	por p3, p1  }
0x23f: {  	s23 =	simm.s32 @!p1 $0x4  }
0x240: {  	_ =	swait.ge @!p1 [sflag:s23], $0x4000  }
0x241: {  	[sflag:s23] =	ssyncset.done @!p1 $0x0  }
0x242: {  	[sflag:s23] =	ssyncadd.s32 @!p1 $0xFFFFC000;
	s23 =	simm.s32 @p2 $0x2  }
0x243: {  	_ =	swait.ge @p2 [sflag:s23], $0x4000  }
0x244: {  	s22 =	sadd.s32 s10, s22;
	[sflag:s23] =	ssyncset.done @p2 $0x0  }
0x245: {  	p1 =	sgt.u32 s22, $0xF41;
	[sflag:s23] =	ssyncadd.s32 @p2 $0xFFFFC000  }
0x246: {  	s22 =	sshll.u32 @!p1 s22, $0x8;
	s24 =	simm.s32 @!p1 $0x800;
	_ =	swait.ge @p2 [sflag:s23], $0x4000  }
0x247: {  	s25 =	simm.s32 @!p1 $0x7A1400;
	s26 =	simm.s32 @!p1 $0x0;
	[sflag:s23] =	ssyncset.done @p2 $0x0  }
.Ltmp6:
0x248: {  	[sflag:s23] =	ssyncadd.s32 @p2 $0xFFFFC000;
	s23 =	sadd.s32 @!p1 s1, s22;
	(pc) =	sbr.rel @!p2 .LBB2_10-.Ltmp6, $4  }
0x249: {  	[tilespmem:s26], [sflag:$0x1] =	stream.strided.gather @!p1 [hbm4b:s23+s24], $0x4000, s25, s24, $0x38;
	[tilespmem:$0x18000] =	vst v63  }
0x24a: {  	s22 =	sadd.s32 @!p1 s3, s22;
	s23 =	simm.s32 @!p1 $0x4000  }
0x24b: {  	[tilespmem:s23], [sflag:$0x1] =	stream.strided.gather @!p1 [hbm4b:s22+s24], $0x4000, s25, s24, $0x38;
	[tilespmem:$0x18000] =	vst v63  }
0x24c: {  	s22 =	simm.s32 $0x0  }
0x24d: {  	s23 =	simm.s32 $0x0  }
0x24e: {  	v1 =	vld [tilespmem:s23+$0x8100]  }
0x24f: {  	s24 =	sor.u32 $0x1, s22;
	v2 =	vld [tilespmem:s23+$0x8180]  }
0x250: {  	v3 =	vld [tilespmem:s23+$0x8080];
	v4 =	vor.u32 s24, v0  }
0x251: {  	v5 =	vld [tilespmem:s23+$0x8000]  }
0x252: {  	v6 =	vor.u32 s22, v0;
	v7 =	vld [tilespmem:s23+$0x8200]  }
0x253: {  	s28 =	sor.u32 $0x2, s22;
	v8 =	vld [tilespmem:s23+$0x8280]  }
0x254: {  	v9 =	vld [tilespmem:s23+$0x8300];
	v10 =	vor.u32 s28, v0;
	v1 =	vpack.i.f32.bf16 v2, v1  }
0x255: {  	s29 =	sor.u32 $0x3, s22;
	v2 =	vld [tilespmem:s23+$0x8380];
	[tilespmem:v4+s18+$0x0] =	vst.idx.msk $0xffff, v1  }
0x256: {  	v1 =	vpack.i.f32.bf16 v3, v5;
	v3 =	vor.u32 s29, v0;
	v4 =	vld [tilespmem:s23+$0x8110]  }
0x257: {  	s30 =	sor.u32 $0x401, s22;
	[tilespmem:v6+s18+$0x0] =	vst.idx.msk $0xffff, v1;
	v1 =	vld [tilespmem:s23+$0x8190]  }
0x258: {  	v6 =	vpack.i.f32.bf16 v8, v7;
	v7 =	vor.u32 s30, v0;
	v5 =	vld [tilespmem:s23+$0x8010]  }
0x259: {  	s31 =	sor.u32 $0x400, s22;
	v8 =	vld [tilespmem:s23+$0x8090];
	[tilespmem:v10+s18+$0x0] =	vst.idx.msk $0xffff, v6  }
0x25a: {  	v6 =	vld [tilespmem:s23+$0x8210];
	v2 =	vpack.i.f32.bf16 v2, v9;
	v9 =	vor.u32 s31, v0  }
0x25b: {  	s25 =	sor.u32 $0x402, s22;
	v10 =	vld [tilespmem:s23+$0x8290];
	[tilespmem:v3+s18+$0x0] =	vst.idx.msk $0xffff, v2  }
0x25c: {  	v3 =	vor.u32 s25, v0;
	v2 =	vld [tilespmem:s23+$0x8310];
	v1 =	vpack.i.f32.bf16 v1, v4  }
0x25d: {  	s26 =	sor.u32 $0x403, s22;
	v4 =	vld [tilespmem:s23+$0x8390];
	[tilespmem:v7+s18+$0x0] =	vst.idx.msk $0xffff, v1  }
0x25e: {  	v1 =	vpack.i.f32.bf16 v8, v5;
	v7 =	vor.u32 s26, v0;
	v5 =	vld [tilespmem:s23+$0x8120]  }
0x25f: {  	s28 =	sor.u32 $0x801, s22;
	[tilespmem:v9+s18+$0x0] =	vst.idx.msk $0xffff, v1;
	v1 =	vld [tilespmem:s23+$0x81A0]  }
0x260: {  	v6 =	vpack.i.f32.bf16 v10, v6;
	v9 =	vor.u32 s28, v0;
	v8 =	vld [tilespmem:s23+$0x8020]  }
0x261: {  	s29 =	sor.u32 $0x800, s22;
	v10 =	vld [tilespmem:s23+$0x80A0];
	[tilespmem:v3+s18+$0x0] =	vst.idx.msk $0xffff, v6  }
0x262: {  	v3 =	vor.u32 s29, v0;
	v2 =	vpack.i.f32.bf16 v4, v2;
	v4 =	vld [tilespmem:s23+$0x8220]  }
0x263: {  	s30 =	sor.u32 $0x802, s22;
	v6 =	vld [tilespmem:s23+$0x82A0];
	[tilespmem:v7+s18+$0x0] =	vst.idx.msk $0xffff, v2  }
0x264: {  	v2 =	vor.u32 s30, v0;
	v1 =	vpack.i.f32.bf16 v1, v5;
	v5 =	vld [tilespmem:s23+$0x8320]  }
0x265: {  	s31 =	sor.u32 $0x803, s22;
	[tilespmem:v9+s18+$0x0] =	vst.idx.msk $0xffff, v1;
	v1 =	vld [tilespmem:s23+$0x83A0]  }
0x266: {  	v7 =	vpack.i.f32.bf16 v10, v8;
	v9 =	vor.u32 s31, v0;
	v8 =	vld [tilespmem:s23+$0x8130]  }
0x267: {  	s25 =	sor.u32 $0xC01, s22;
	[tilespmem:v3+s18+$0x0] =	vst.idx.msk $0xffff, v7;
	v3 =	vld [tilespmem:s23+$0x81B0]  }
0x268: {  	v10 =	vor.u32 s25, v0;
	v4 =	vpack.i.f32.bf16 v6, v4;
	v7 =	vld [tilespmem:s23+$0x8030]  }
0x269: {  	s26 =	sor.u32 $0xC00, s22;
	v6 =	vld [tilespmem:s23+$0x80B0];
	[tilespmem:v2+s18+$0x0] =	vst.idx.msk $0xffff, v4  }
0x26a: {  	v2 =	vor.u32 s26, v0;
	v4 =	vld [tilespmem:s23+$0x8230];
	v1 =	vpack.i.f32.bf16 v1, v5  }
0x26b: {  	s28 =	sor.u32 $0xC02, s22;
	v5 =	vld [tilespmem:s23+$0x82B0];
	[tilespmem:v9+s18+$0x0] =	vst.idx.msk $0xffff, v1  }
0x26c: {  	v1 =	vpack.i.f32.bf16 v3, v8;
	v3 =	vor.u32 s28, v0;
	v8 =	vld [tilespmem:s23+$0x8330]  }
0x26d: {  	s29 =	sor.u32 $0xC03, s22;
	[tilespmem:v10+s18+$0x0] =	vst.idx.msk $0xffff, v1;
	v1 =	vld [tilespmem:s23+$0x83B0]  }
0x26e: {  	v9 =	vor.u32 s29, v0;
	v6 =	vpack.i.f32.bf16 v6, v7;
	v7 =	vld [tilespmem:s23+$0x8140]  }
0x26f: {  	s30 =	sor.u32 $0x1001, s22;
	[tilespmem:v2+s18+$0x0] =	vst.idx.msk $0xffff, v6;
	v2 =	vld [tilespmem:s23+$0x81C0]  }
0x270: {  	v10 =	vor.u32 s30, v0;
	v6 =	vld [tilespmem:s23+$0x8040];
	v4 =	vpack.i.f32.bf16 v5, v4  }
0x271: {  	s31 =	sor.u32 $0x1000, s22;
	v5 =	vld [tilespmem:s23+$0x80C0];
	[tilespmem:v3+s18+$0x0] =	vst.idx.msk $0xffff, v4  }
0x272: {  	v3 =	vor.u32 s31, v0;
	v4 =	vld [tilespmem:s23+$0x8240];
	v1 =	vpack.i.f32.bf16 v1, v8  }
0x273: {  	s25 =	sor.u32 $0x1002, s22;
	v8 =	vld [tilespmem:s23+$0x82C0];
	[tilespmem:v9+s18+$0x0] =	vst.idx.msk $0xffff, v1  }
0x274: {  	v1 =	vpack.i.f32.bf16 v2, v7;
	v2 =	vor.u32 s25, v0;
	v7 =	vld [tilespmem:s23+$0x8340]  }
0x275: {  	s26 =	sor.u32 $0x1003, s22;
	[tilespmem:v10+s18+$0x0] =	vst.idx.msk $0xffff, v1;
	v1 =	vld [tilespmem:s23+$0x83C0]  }
0x276: {  	v9 =	vor.u32 s26, v0;
	v5 =	vpack.i.f32.bf16 v5, v6;
	v6 =	vld [tilespmem:s23+$0x8150]  }
0x277: {  	s28 =	sor.u32 $0x1401, s22;
	[tilespmem:v3+s18+$0x0] =	vst.idx.msk $0xffff, v5;
	v3 =	vld [tilespmem:s23+$0x81D0]  }
0x278: {  	v10 =	vor.u32 s28, v0;
	v5 =	vld [tilespmem:s23+$0x8050];
	v4 =	vpack.i.f32.bf16 v8, v4  }
0x279: {  	s29 =	sor.u32 $0x1400, s22;
	v8 =	vld [tilespmem:s23+$0x80D0];
	[tilespmem:v2+s18+$0x0] =	vst.idx.msk $0xffff, v4  }
0x27a: {  	v2 =	vor.u32 s29, v0;
	v4 =	vld [tilespmem:s23+$0x8250];
	v1 =	vpack.i.f32.bf16 v1, v7  }
0x27b: {  	s30 =	sor.u32 $0x1402, s22;
	v7 =	vld [tilespmem:s23+$0x82D0];
	[tilespmem:v9+s18+$0x0] =	vst.idx.msk $0xffff, v1  }
0x27c: {  	v1 =	vpack.i.f32.bf16 v3, v6;
	v3 =	vor.u32 s30, v0;
	v6 =	vld [tilespmem:s23+$0x8350]  }
0x27d: {  	s31 =	sor.u32 $0x1403, s22;
	[tilespmem:v10+s18+$0x0] =	vst.idx.msk $0xffff, v1;
	v1 =	vld [tilespmem:s23+$0x83D0]  }
0x27e: {  	v9 =	vor.u32 s31, v0;
	v5 =	vpack.i.f32.bf16 v8, v5;
	v8 =	vld [tilespmem:s23+$0x8160]  }
0x27f: {  	s25 =	sor.u32 $0x1801, s22;
	[tilespmem:v2+s18+$0x0] =	vst.idx.msk $0xffff, v5;
	v2 =	vld [tilespmem:s23+$0x81E0]  }
0x280: {  	v10 =	vor.u32 s25, v0;
	v5 =	vld [tilespmem:s23+$0x8060];
	v4 =	vpack.i.f32.bf16 v7, v4  }
0x281: {  	s26 =	sor.u32 $0x1800, s22;
	v7 =	vld [tilespmem:s23+$0x80E0];
	[tilespmem:v3+s18+$0x0] =	vst.idx.msk $0xffff, v4  }
0x282: {  	v3 =	vor.u32 s26, v0;
	v4 =	vld [tilespmem:s23+$0x8260];
	v1 =	vpack.i.f32.bf16 v1, v6  }
0x283: {  	s28 =	sor.u32 $0x1802, s22;
	v6 =	vld [tilespmem:s23+$0x82E0];
	[tilespmem:v9+s18+$0x0] =	vst.idx.msk $0xffff, v1  }
0x284: {  	v1 =	vpack.i.f32.bf16 v2, v8;
	v2 =	vor.u32 s28, v0;
	v8 =	vld [tilespmem:s23+$0x8360]  }
0x285: {  	s29 =	sor.u32 $0x1803, s22;
	[tilespmem:v10+s18+$0x0] =	vst.idx.msk $0xffff, v1;
	v1 =	vld [tilespmem:s23+$0x83E0]  }
0x286: {  	v9 =	vor.u32 s29, v0;
	v5 =	vpack.i.f32.bf16 v7, v5;
	v7 =	vld [tilespmem:s23+$0x8170]  }
0x287: {  	s30 =	sor.u32 $0x1C01, s22;
	[tilespmem:v3+s18+$0x0] =	vst.idx.msk $0xffff, v5;
	v3 =	vld [tilespmem:s23+$0x81F0]  }
0x288: {  	v10 =	vor.u32 s30, v0;
	v5 =	vld [tilespmem:s23+$0x8070];
	v4 =	vpack.i.f32.bf16 v6, v4  }
0x289: {  	s31 =	sor.u32 $0x1C00, s22;
	v6 =	vld [tilespmem:s23+$0x80F0];
	[tilespmem:v2+s18+$0x0] =	vst.idx.msk $0xffff, v4  }
0x28a: {  	v2 =	vor.u32 s31, v0;
	v4 =	vld [tilespmem:s23+$0x8270];
	v1 =	vpack.i.f32.bf16 v1, v8  }
0x28b: {  	s25 =	sor.u32 $0x1C02, s22;
	v8 =	vld [tilespmem:s23+$0x82F0];
	[tilespmem:v9+s18+$0x0] =	vst.idx.msk $0xffff, v1  }
0x28c: {  	v1 =	vpack.i.f32.bf16 v3, v7;
	v3 =	vor.u32 s25, v0;
	v7 =	vld [tilespmem:s23+$0x8370]  }
0x28d: {  	s26 =	sor.u32 $0x1C03, s22;
	[tilespmem:v10+s18+$0x0] =	vst.idx.msk $0xffff, v1;
	v1 =	vld [tilespmem:s23+$0x83F0]  }
0x28e: {  	v9 =	vor.u32 s26, v0;
	v5 =	vpack.i.f32.bf16 v6, v5;
	v6 =	vld [tilespmem:s23+$0x8500]  }
0x28f: {  	s28 =	sor.u32 $0x2001, s22;
	[tilespmem:v2+s18+$0x0] =	vst.idx.msk $0xffff, v5;
	v2 =	vld [tilespmem:s23+$0x8580]  }
0x290: {  	v10 =	vor.u32 s28, v0;
	v5 =	vld [tilespmem:s23+$0x8400];
	v4 =	vpack.i.f32.bf16 v8, v4  }
0x291: {  	s29 =	sor.u32 $0x2000, s22;
	v8 =	vld [tilespmem:s23+$0x8480];
	[tilespmem:v3+s18+$0x0] =	vst.idx.msk $0xffff, v4  }
0x292: {  	v3 =	vor.u32 s29, v0;
	v4 =	vld [tilespmem:s23+$0x8600];
	v1 =	vpack.i.f32.bf16 v1, v7  }
0x293: {  	s30 =	sor.u32 $0x2002, s22;
	v7 =	vld [tilespmem:s23+$0x8680];
	[tilespmem:v9+s18+$0x0] =	vst.idx.msk $0xffff, v1  }
0x294: {  	v1 =	vpack.i.f32.bf16 v2, v6;
	v2 =	vor.u32 s30, v0;
	v6 =	vld [tilespmem:s23+$0x8700]  }
0x295: {  	s31 =	sor.u32 $0x2003, s22;
	[tilespmem:v10+s18+$0x0] =	vst.idx.msk $0xffff, v1;
	v1 =	vld [tilespmem:s23+$0x8780]  }
0x296: {  	v9 =	vor.u32 s31, v0;
	v5 =	vpack.i.f32.bf16 v8, v5;
	v8 =	vld [tilespmem:s23+$0x8510]  }
0x297: {  	s25 =	sor.u32 $0x2401, s22;
	[tilespmem:v3+s18+$0x0] =	vst.idx.msk $0xffff, v5;
	v3 =	vld [tilespmem:s23+$0x8590]  }
0x298: {  	v10 =	vor.u32 s25, v0;
	v5 =	vld [tilespmem:s23+$0x8410];
	v4 =	vpack.i.f32.bf16 v7, v4  }
0x299: {  	s26 =	sor.u32 $0x2400, s22;
	v7 =	vld [tilespmem:s23+$0x8490];
	[tilespmem:v2+s18+$0x0] =	vst.idx.msk $0xffff, v4  }
0x29a: {  	v2 =	vor.u32 s26, v0;
	v4 =	vld [tilespmem:s23+$0x8610];
	v1 =	vpack.i.f32.bf16 v1, v6  }
0x29b: {  	s28 =	sor.u32 $0x2402, s22;
	v6 =	vld [tilespmem:s23+$0x8690];
	[tilespmem:v9+s18+$0x0] =	vst.idx.msk $0xffff, v1  }
0x29c: {  	v1 =	vpack.i.f32.bf16 v3, v8;
	v3 =	vor.u32 s28, v0;
	v8 =	vld [tilespmem:s23+$0x8710]  }
0x29d: {  	s29 =	sor.u32 $0x2403, s22;
	[tilespmem:v10+s18+$0x0] =	vst.idx.msk $0xffff, v1;
	v1 =	vld [tilespmem:s23+$0x8790]  }
0x29e: {  	v9 =	vor.u32 s29, v0;
	v5 =	vpack.i.f32.bf16 v7, v5;
	v7 =	vld [tilespmem:s23+$0x8520]  }
0x29f: {  	s30 =	sor.u32 $0x2801, s22;
	[tilespmem:v2+s18+$0x0] =	vst.idx.msk $0xffff, v5;
	v2 =	vld [tilespmem:s23+$0x85A0]  }
0x2a0: {  	v10 =	vor.u32 s30, v0;
	v5 =	vld [tilespmem:s23+$0x8420];
	v4 =	vpack.i.f32.bf16 v6, v4  }
0x2a1: {  	s31 =	sor.u32 $0x2800, s22;
	v6 =	vld [tilespmem:s23+$0x84A0];
	[tilespmem:v3+s18+$0x0] =	vst.idx.msk $0xffff, v4  }
0x2a2: {  	v3 =	vor.u32 s31, v0;
	v4 =	vld [tilespmem:s23+$0x8620];
	v1 =	vpack.i.f32.bf16 v1, v8  }
0x2a3: {  	s25 =	sor.u32 $0x2802, s22;
	v8 =	vld [tilespmem:s23+$0x86A0];
	[tilespmem:v9+s18+$0x0] =	vst.idx.msk $0xffff, v1  }
0x2a4: {  	v1 =	vpack.i.f32.bf16 v2, v7;
	v2 =	vor.u32 s25, v0;
	v7 =	vld [tilespmem:s23+$0x8720]  }
0x2a5: {  	s26 =	sor.u32 $0x2803, s22;
	[tilespmem:v10+s18+$0x0] =	vst.idx.msk $0xffff, v1;
	v1 =	vld [tilespmem:s23+$0x87A0]  }
0x2a6: {  	v9 =	vor.u32 s26, v0;
	v5 =	vpack.i.f32.bf16 v6, v5;
	v6 =	vld [tilespmem:s23+$0x8530]  }
0x2a7: {  	s28 =	sor.u32 $0x2C01, s22;
	[tilespmem:v3+s18+$0x0] =	vst.idx.msk $0xffff, v5;
	v3 =	vld [tilespmem:s23+$0x85B0]  }
0x2a8: {  	v10 =	vor.u32 s28, v0;
	v5 =	vld [tilespmem:s23+$0x8430];
	v4 =	vpack.i.f32.bf16 v8, v4  }
0x2a9: {  	s29 =	sor.u32 $0x2C00, s22;
	v8 =	vld [tilespmem:s23+$0x84B0];
	[tilespmem:v2+s18+$0x0] =	vst.idx.msk $0xffff, v4  }
0x2aa: {  	v2 =	vor.u32 s29, v0;
	v4 =	vld [tilespmem:s23+$0x8630];
	v1 =	vpack.i.f32.bf16 v1, v7  }
0x2ab: {  	s30 =	sor.u32 $0x2C02, s22;
	v7 =	vld [tilespmem:s23+$0x86B0];
	[tilespmem:v9+s18+$0x0] =	vst.idx.msk $0xffff, v1  }
0x2ac: {  	v1 =	vpack.i.f32.bf16 v3, v6;
	v3 =	vor.u32 s30, v0;
	v6 =	vld [tilespmem:s23+$0x8730]  }
0x2ad: {  	s31 =	sor.u32 $0x2C03, s22;
	[tilespmem:v10+s18+$0x0] =	vst.idx.msk $0xffff, v1;
	v1 =	vld [tilespmem:s23+$0x87B0]  }
0x2ae: {  	v9 =	vor.u32 s31, v0;
	v5 =	vpack.i.f32.bf16 v8, v5;
	v8 =	vld [tilespmem:s23+$0x8540]  }
0x2af: {  	s25 =	sor.u32 $0x3001, s22;
	[tilespmem:v2+s18+$0x0] =	vst.idx.msk $0xffff, v5;
	v2 =	vld [tilespmem:s23+$0x85C0]  }
0x2b0: {  	v10 =	vor.u32 s25, v0;
	v5 =	vld [tilespmem:s23+$0x8440];
	v4 =	vpack.i.f32.bf16 v7, v4  }
0x2b1: {  	s26 =	sor.u32 $0x3000, s22;
	v7 =	vld [tilespmem:s23+$0x84C0];
	[tilespmem:v3+s18+$0x0] =	vst.idx.msk $0xffff, v4  }
0x2b2: {  	v3 =	vor.u32 s26, v0;
	v4 =	vld [tilespmem:s23+$0x8640];
	v1 =	vpack.i.f32.bf16 v1, v6  }
0x2b3: {  	s28 =	sor.u32 $0x3002, s22;
	v6 =	vld [tilespmem:s23+$0x86C0];
	[tilespmem:v9+s18+$0x0] =	vst.idx.msk $0xffff, v1  }
0x2b4: {  	v1 =	vpack.i.f32.bf16 v2, v8;
	v2 =	vor.u32 s28, v0;
	v8 =	vld [tilespmem:s23+$0x8740]  }
0x2b5: {  	s29 =	sor.u32 $0x3003, s22;
	[tilespmem:v10+s18+$0x0] =	vst.idx.msk $0xffff, v1;
	v1 =	vld [tilespmem:s23+$0x87C0]  }
0x2b6: {  	v9 =	vor.u32 s29, v0;
	v5 =	vpack.i.f32.bf16 v7, v5;
	v7 =	vld [tilespmem:s23+$0x8550]  }
0x2b7: {  	s30 =	sor.u32 $0x3401, s22;
	[tilespmem:v3+s18+$0x0] =	vst.idx.msk $0xffff, v5;
	v3 =	vld [tilespmem:s23+$0x85D0]  }
0x2b8: {  	v10 =	vor.u32 s30, v0;
	v5 =	vld [tilespmem:s23+$0x8450];
	v4 =	vpack.i.f32.bf16 v6, v4  }
0x2b9: {  	s31 =	sor.u32 $0x3400, s22;
	v6 =	vld [tilespmem:s23+$0x84D0];
	[tilespmem:v2+s18+$0x0] =	vst.idx.msk $0xffff, v4  }
0x2ba: {  	v2 =	vor.u32 s31, v0;
	v4 =	vld [tilespmem:s23+$0x8650];
	v1 =	vpack.i.f32.bf16 v1, v8  }
0x2bb: {  	s25 =	sor.u32 $0x3402, s22;
	v8 =	vld [tilespmem:s23+$0x86D0];
	[tilespmem:v9+s18+$0x0] =	vst.idx.msk $0xffff, v1  }
0x2bc: {  	v1 =	vpack.i.f32.bf16 v3, v7;
	v3 =	vor.u32 s25, v0;
	v7 =	vld [tilespmem:s23+$0x8750]  }
0x2bd: {  	s26 =	sor.u32 $0x3403, s22;
	[tilespmem:v10+s18+$0x0] =	vst.idx.msk $0xffff, v1;
	v1 =	vld [tilespmem:s23+$0x87D0]  }
0x2be: {  	v9 =	vor.u32 s26, v0;
	v5 =	vpack.i.f32.bf16 v6, v5;
	v6 =	vld [tilespmem:s23+$0x8560]  }
0x2bf: {  	s28 =	sor.u32 $0x3801, s22;
	[tilespmem:v2+s18+$0x0] =	vst.idx.msk $0xffff, v5;
	v2 =	vld [tilespmem:s23+$0x85E0]  }
0x2c0: {  	v10 =	vor.u32 s28, v0;
	v5 =	vld [tilespmem:s23+$0x8460];
	v4 =	vpack.i.f32.bf16 v8, v4  }
0x2c1: {  	s29 =	sor.u32 $0x3800, s22;
	v8 =	vld [tilespmem:s23+$0x84E0];
	[tilespmem:v3+s18+$0x0] =	vst.idx.msk $0xffff, v4  }
0x2c2: {  	v3 =	vor.u32 s29, v0;
	v4 =	vld [tilespmem:s23+$0x8660];
	v1 =	vpack.i.f32.bf16 v1, v7  }
0x2c3: {  	s30 =	sor.u32 $0x3802, s22;
	v7 =	vld [tilespmem:s23+$0x86E0];
	[tilespmem:v9+s18+$0x0] =	vst.idx.msk $0xffff, v1  }
0x2c4: {  	v1 =	vpack.i.f32.bf16 v2, v6;
	v2 =	vor.u32 s30, v0;
	v6 =	vld [tilespmem:s23+$0x8760]  }
0x2c5: {  	s31 =	sor.u32 $0x3803, s22;
	[tilespmem:v10+s18+$0x0] =	vst.idx.msk $0xffff, v1;
	v1 =	vld [tilespmem:s23+$0x87E0]  }
0x2c6: {  	v9 =	vor.u32 s31, v0;
	v5 =	vpack.i.f32.bf16 v8, v5;
	v8 =	vld [tilespmem:s23+$0x8570]  }
0x2c7: {  	s25 =	sor.u32 $0x3C01, s22;
	[tilespmem:v3+s18+$0x0] =	vst.idx.msk $0xffff, v5;
	v3 =	vld [tilespmem:s23+$0x85F0]  }
0x2c8: {  	v10 =	vor.u32 s25, v0;
	v5 =	vld [tilespmem:s23+$0x8470];
	v4 =	vpack.i.f32.bf16 v7, v4  }
0x2c9: {  	s26 =	sor.u32 $0x3C00, s22;
	v7 =	vld [tilespmem:s23+$0x84F0];
	[tilespmem:v2+s18+$0x0] =	vst.idx.msk $0xffff, v4  }
0x2ca: {  	v2 =	vor.u32 s26, v0;
	v4 =	vld [tilespmem:s23+$0x8670];
	v1 =	vpack.i.f32.bf16 v1, v6  }
0x2cb: {  	s28 =	sor.u32 $0x3C02, s22;
	v6 =	vld [tilespmem:s23+$0x86F0];
	[tilespmem:v9+s18+$0x0] =	vst.idx.msk $0xffff, v1  }
0x2cc: {  	v1 =	vpack.i.f32.bf16 v3, v8;
	v3 =	vor.u32 s28, v0;
	v8 =	vld [tilespmem:s23+$0x8770]  }
0x2cd: {  	s29 =	sor.u32 $0x3C03, s22;
	[tilespmem:v10+s18+$0x0] =	vst.idx.msk $0xffff, v1;
	v1 =	vld [tilespmem:s23+$0x87F0]  }
0x2ce: {  	v9 =	vor.u32 s29, v0;
	v5 =	vpack.i.f32.bf16 v7, v5;
	v7 =	vld [tilespmem:s23+$0xC100]  }
0x2cf: {  	s30 =	sor.u32 $0x21, s22;
	[tilespmem:v2+s18+$0x0] =	vst.idx.msk $0xffff, v5;
	v2 =	vld [tilespmem:s23+$0xC180]  }
0x2d0: {  	v10 =	vor.u32 s30, v0;
	v5 =	vld [tilespmem:s23+$0xC000];
	v4 =	vpack.i.f32.bf16 v6, v4  }
0x2d1: {  	s31 =	sor.u32 $0x20, s22;
	v6 =	vld [tilespmem:s23+$0xC080];
	[tilespmem:v3+s18+$0x0] =	vst.idx.msk $0xffff, v4  }
0x2d2: {  	v3 =	vor.u32 s31, v0;
	v4 =	vld [tilespmem:s23+$0xC200];
	v1 =	vpack.i.f32.bf16 v1, v8  }
0x2d3: {  	s25 =	sor.u32 $0x22, s22;
	v8 =	vld [tilespmem:s23+$0xC280];
	[tilespmem:v9+s18+$0x0] =	vst.idx.msk $0xffff, v1  }
0x2d4: {  	v1 =	vpack.i.f32.bf16 v2, v7;
	v2 =	vor.u32 s25, v0;
	v7 =	vld [tilespmem:s23+$0xC300]  }
0x2d5: {  	s26 =	sor.u32 $0x23, s22;
	[tilespmem:v10+s18+$0x0] =	vst.idx.msk $0xffff, v1;
	v1 =	vld [tilespmem:s23+$0xC380]  }
0x2d6: {  	v9 =	vor.u32 s26, v0;
	v5 =	vpack.i.f32.bf16 v6, v5;
	v6 =	vld [tilespmem:s23+$0xC110]  }
0x2d7: {  	s28 =	sor.u32 $0x421, s22;
	[tilespmem:v3+s18+$0x0] =	vst.idx.msk $0xffff, v5;
	v3 =	vld [tilespmem:s23+$0xC190]  }
0x2d8: {  	v10 =	vor.u32 s28, v0;
	v5 =	vld [tilespmem:s23+$0xC010];
	v4 =	vpack.i.f32.bf16 v8, v4  }
0x2d9: {  	s29 =	sor.u32 $0x420, s22;
	v8 =	vld [tilespmem:s23+$0xC090];
	[tilespmem:v2+s18+$0x0] =	vst.idx.msk $0xffff, v4  }
0x2da: {  	v2 =	vor.u32 s29, v0;
	v4 =	vld [tilespmem:s23+$0xC210];
	v1 =	vpack.i.f32.bf16 v1, v7  }
0x2db: {  	s30 =	sor.u32 $0x422, s22;
	v7 =	vld [tilespmem:s23+$0xC290];
	[tilespmem:v9+s18+$0x0] =	vst.idx.msk $0xffff, v1  }
0x2dc: {  	v1 =	vpack.i.f32.bf16 v3, v6;
	v3 =	vor.u32 s30, v0;
	v6 =	vld [tilespmem:s23+$0xC310]  }
0x2dd: {  	s31 =	sor.u32 $0x423, s22;
	[tilespmem:v10+s18+$0x0] =	vst.idx.msk $0xffff, v1;
	v1 =	vld [tilespmem:s23+$0xC390]  }
0x2de: {  	v9 =	vor.u32 s31, v0;
	v5 =	vpack.i.f32.bf16 v8, v5;
	v8 =	vld [tilespmem:s23+$0xC120]  }
0x2df: {  	s25 =	sor.u32 $0x821, s22;
	[tilespmem:v2+s18+$0x0] =	vst.idx.msk $0xffff, v5;
	v2 =	vld [tilespmem:s23+$0xC1A0]  }
0x2e0: {  	v10 =	vor.u32 s25, v0;
	v5 =	vld [tilespmem:s23+$0xC020];
	v4 =	vpack.i.f32.bf16 v7, v4  }
0x2e1: {  	s26 =	sor.u32 $0x820, s22;
	v7 =	vld [tilespmem:s23+$0xC0A0];
	[tilespmem:v3+s18+$0x0] =	vst.idx.msk $0xffff, v4  }
0x2e2: {  	v3 =	vor.u32 s26, v0;
	v4 =	vld [tilespmem:s23+$0xC220];
	v1 =	vpack.i.f32.bf16 v1, v6  }
0x2e3: {  	s28 =	sor.u32 $0x822, s22;
	v6 =	vld [tilespmem:s23+$0xC2A0];
	[tilespmem:v9+s18+$0x0] =	vst.idx.msk $0xffff, v1  }
0x2e4: {  	v1 =	vpack.i.f32.bf16 v2, v8;
	v2 =	vor.u32 s28, v0;
	v8 =	vld [tilespmem:s23+$0xC320]  }
0x2e5: {  	s29 =	sor.u32 $0x823, s22;
	[tilespmem:v10+s18+$0x0] =	vst.idx.msk $0xffff, v1;
	v1 =	vld [tilespmem:s23+$0xC3A0]  }
0x2e6: {  	v9 =	vor.u32 s29, v0;
	v5 =	vpack.i.f32.bf16 v7, v5;
	v7 =	vld [tilespmem:s23+$0xC130]  }
0x2e7: {  	s30 =	sor.u32 $0xC21, s22;
	[tilespmem:v3+s18+$0x0] =	vst.idx.msk $0xffff, v5;
	v3 =	vld [tilespmem:s23+$0xC1B0]  }
0x2e8: {  	v10 =	vor.u32 s30, v0;
	v5 =	vld [tilespmem:s23+$0xC030];
	v4 =	vpack.i.f32.bf16 v6, v4  }
0x2e9: {  	s31 =	sor.u32 $0xC20, s22;
	v6 =	vld [tilespmem:s23+$0xC0B0];
	[tilespmem:v2+s18+$0x0] =	vst.idx.msk $0xffff, v4  }
0x2ea: {  	v2 =	vor.u32 s31, v0;
	v4 =	vld [tilespmem:s23+$0xC230];
	v1 =	vpack.i.f32.bf16 v1, v8  }
0x2eb: {  	s25 =	sor.u32 $0xC22, s22;
	v8 =	vld [tilespmem:s23+$0xC2B0];
	[tilespmem:v9+s18+$0x0] =	vst.idx.msk $0xffff, v1  }
0x2ec: {  	v1 =	vpack.i.f32.bf16 v3, v7;
	v3 =	vor.u32 s25, v0;
	v7 =	vld [tilespmem:s23+$0xC330]  }
0x2ed: {  	s26 =	sor.u32 $0xC23, s22;
	[tilespmem:v10+s18+$0x0] =	vst.idx.msk $0xffff, v1;
	v1 =	vld [tilespmem:s23+$0xC3B0]  }
0x2ee: {  	v9 =	vor.u32 s26, v0;
	v5 =	vpack.i.f32.bf16 v6, v5;
	v6 =	vld [tilespmem:s23+$0xC140]  }
0x2ef: {  	s28 =	sor.u32 $0x1021, s22;
	[tilespmem:v2+s18+$0x0] =	vst.idx.msk $0xffff, v5;
	v2 =	vld [tilespmem:s23+$0xC1C0]  }
0x2f0: {  	v10 =	vor.u32 s28, v0;
	v5 =	vld [tilespmem:s23+$0xC040];
	v4 =	vpack.i.f32.bf16 v8, v4  }
0x2f1: {  	s29 =	sor.u32 $0x1020, s22;
	v8 =	vld [tilespmem:s23+$0xC0C0];
	[tilespmem:v3+s18+$0x0] =	vst.idx.msk $0xffff, v4  }
0x2f2: {  	v3 =	vor.u32 s29, v0;
	v4 =	vld [tilespmem:s23+$0xC240];
	v1 =	vpack.i.f32.bf16 v1, v7  }
0x2f3: {  	s30 =	sor.u32 $0x1022, s22;
	v7 =	vld [tilespmem:s23+$0xC2C0];
	[tilespmem:v9+s18+$0x0] =	vst.idx.msk $0xffff, v1  }
0x2f4: {  	v1 =	vpack.i.f32.bf16 v2, v6;
	v2 =	vor.u32 s30, v0;
	v6 =	vld [tilespmem:s23+$0xC340]  }
0x2f5: {  	s31 =	sor.u32 $0x1023, s22;
	[tilespmem:v10+s18+$0x0] =	vst.idx.msk $0xffff, v1;
	v1 =	vld [tilespmem:s23+$0xC3C0]  }
0x2f6: {  	v9 =	vor.u32 s31, v0;
	v5 =	vpack.i.f32.bf16 v8, v5;
	v8 =	vld [tilespmem:s23+$0xC150]  }
0x2f7: {  	s25 =	sor.u32 $0x1421, s22;
	[tilespmem:v3+s18+$0x0] =	vst.idx.msk $0xffff, v5;
	v3 =	vld [tilespmem:s23+$0xC1D0]  }
0x2f8: {  	v10 =	vor.u32 s25, v0;
	v5 =	vld [tilespmem:s23+$0xC050];
	v4 =	vpack.i.f32.bf16 v7, v4  }
0x2f9: {  	s26 =	sor.u32 $0x1420, s22;
	v7 =	vld [tilespmem:s23+$0xC0D0];
	[tilespmem:v2+s18+$0x0] =	vst.idx.msk $0xffff, v4  }
0x2fa: {  	v2 =	vor.u32 s26, v0;
	v4 =	vld [tilespmem:s23+$0xC250];
	v1 =	vpack.i.f32.bf16 v1, v6  }
0x2fb: {  	s28 =	sor.u32 $0x1422, s22;
	v6 =	vld [tilespmem:s23+$0xC2D0];
	[tilespmem:v9+s18+$0x0] =	vst.idx.msk $0xffff, v1  }
0x2fc: {  	v1 =	vpack.i.f32.bf16 v3, v8;
	v3 =	vor.u32 s28, v0;
	v8 =	vld [tilespmem:s23+$0xC350]  }
0x2fd: {  	s29 =	sor.u32 $0x1423, s22;
	[tilespmem:v10+s18+$0x0] =	vst.idx.msk $0xffff, v1;
	v1 =	vld [tilespmem:s23+$0xC3D0]  }
0x2fe: {  	v9 =	vor.u32 s29, v0;
	v5 =	vpack.i.f32.bf16 v7, v5;
	v7 =	vld [tilespmem:s23+$0xC160]  }
0x2ff: {  	s30 =	sor.u32 $0x1821, s22;
	[tilespmem:v2+s18+$0x0] =	vst.idx.msk $0xffff, v5;
	v2 =	vld [tilespmem:s23+$0xC1E0]  }
0x300: {  	v10 =	vor.u32 s30, v0;
	v5 =	vld [tilespmem:s23+$0xC060];
	v4 =	vpack.i.f32.bf16 v6, v4  }
0x301: {  	s31 =	sor.u32 $0x1820, s22;
	v6 =	vld [tilespmem:s23+$0xC0E0];
	[tilespmem:v3+s18+$0x0] =	vst.idx.msk $0xffff, v4  }
0x302: {  	v3 =	vor.u32 s31, v0;
	v4 =	vld [tilespmem:s23+$0xC260];
	v1 =	vpack.i.f32.bf16 v1, v8  }
0x303: {  	s25 =	sor.u32 $0x1822, s22;
	v8 =	vld [tilespmem:s23+$0xC2E0];
	[tilespmem:v9+s18+$0x0] =	vst.idx.msk $0xffff, v1  }
0x304: {  	v1 =	vpack.i.f32.bf16 v2, v7;
	v2 =	vor.u32 s25, v0;
	v7 =	vld [tilespmem:s23+$0xC360]  }
0x305: {  	s26 =	sor.u32 $0x1823, s22;
	[tilespmem:v10+s18+$0x0] =	vst.idx.msk $0xffff, v1;
	v1 =	vld [tilespmem:s23+$0xC3E0]  }
0x306: {  	v9 =	vor.u32 s26, v0;
	v5 =	vpack.i.f32.bf16 v6, v5;
	v6 =	vld [tilespmem:s23+$0xC170]  }
0x307: {  	s28 =	sor.u32 $0x1C21, s22;
	[tilespmem:v3+s18+$0x0] =	vst.idx.msk $0xffff, v5;
	v3 =	vld [tilespmem:s23+$0xC1F0]  }
0x308: {  	v10 =	vor.u32 s28, v0;
	v5 =	vld [tilespmem:s23+$0xC070];
	v4 =	vpack.i.f32.bf16 v8, v4  }
0x309: {  	s29 =	sor.u32 $0x1C20, s22;
	v8 =	vld [tilespmem:s23+$0xC0F0];
	[tilespmem:v2+s18+$0x0] =	vst.idx.msk $0xffff, v4  }
0x30a: {  	v2 =	vor.u32 s29, v0;
	v4 =	vld [tilespmem:s23+$0xC270];
	v1 =	vpack.i.f32.bf16 v1, v7  }
0x30b: {  	s30 =	sor.u32 $0x1C22, s22;
	v7 =	vld [tilespmem:s23+$0xC2F0];
	[tilespmem:v9+s18+$0x0] =	vst.idx.msk $0xffff, v1  }
0x30c: {  	v1 =	vpack.i.f32.bf16 v3, v6;
	v3 =	vor.u32 s30, v0;
	v6 =	vld [tilespmem:s23+$0xC370]  }
0x30d: {  	s31 =	sor.u32 $0x1C23, s22;
	[tilespmem:v10+s18+$0x0] =	vst.idx.msk $0xffff, v1;
	v1 =	vld [tilespmem:s23+$0xC3F0]  }
0x30e: {  	v9 =	vor.u32 s31, v0;
	v5 =	vpack.i.f32.bf16 v8, v5;
	v8 =	vld [tilespmem:s23+$0xC500]  }
0x30f: {  	s25 =	sor.u32 $0x2021, s22;
	[tilespmem:v2+s18+$0x0] =	vst.idx.msk $0xffff, v5;
	v2 =	vld [tilespmem:s23+$0xC580]  }
0x310: {  	v10 =	vor.u32 s25, v0;
	v5 =	vld [tilespmem:s23+$0xC400];
	v4 =	vpack.i.f32.bf16 v7, v4  }
0x311: {  	s26 =	sor.u32 $0x2020, s22;
	v7 =	vld [tilespmem:s23+$0xC480];
	[tilespmem:v3+s18+$0x0] =	vst.idx.msk $0xffff, v4  }
0x312: {  	v3 =	vor.u32 s26, v0;
	v4 =	vld [tilespmem:s23+$0xC600];
	v1 =	vpack.i.f32.bf16 v1, v6  }
0x313: {  	s28 =	sor.u32 $0x2022, s22;
	v6 =	vld [tilespmem:s23+$0xC680];
	[tilespmem:v9+s18+$0x0] =	vst.idx.msk $0xffff, v1  }
0x314: {  	v1 =	vpack.i.f32.bf16 v2, v8;
	v2 =	vor.u32 s28, v0;
	v8 =	vld [tilespmem:s23+$0xC700]  }
0x315: {  	s29 =	sor.u32 $0x2023, s22;
	[tilespmem:v10+s18+$0x0] =	vst.idx.msk $0xffff, v1;
	v1 =	vld [tilespmem:s23+$0xC780]  }
0x316: {  	v9 =	vor.u32 s29, v0;
	v5 =	vpack.i.f32.bf16 v7, v5;
	v7 =	vld [tilespmem:s23+$0xC510]  }
0x317: {  	s30 =	sor.u32 $0x2421, s22;
	[tilespmem:v3+s18+$0x0] =	vst.idx.msk $0xffff, v5;
	v3 =	vld [tilespmem:s23+$0xC590]  }
0x318: {  	v10 =	vor.u32 s30, v0;
	v5 =	vld [tilespmem:s23+$0xC410];
	v4 =	vpack.i.f32.bf16 v6, v4  }
0x319: {  	s31 =	sor.u32 $0x2420, s22;
	v6 =	vld [tilespmem:s23+$0xC490];
	[tilespmem:v2+s18+$0x0] =	vst.idx.msk $0xffff, v4  }
0x31a: {  	v2 =	vor.u32 s31, v0;
	v4 =	vld [tilespmem:s23+$0xC610];
	v1 =	vpack.i.f32.bf16 v1, v8  }
0x31b: {  	s25 =	sor.u32 $0x2422, s22;
	v8 =	vld [tilespmem:s23+$0xC690];
	[tilespmem:v9+s18+$0x0] =	vst.idx.msk $0xffff, v1  }
0x31c: {  	v1 =	vpack.i.f32.bf16 v3, v7;
	v3 =	vor.u32 s25, v0;
	v7 =	vld [tilespmem:s23+$0xC710]  }
0x31d: {  	s26 =	sor.u32 $0x2423, s22;
	[tilespmem:v10+s18+$0x0] =	vst.idx.msk $0xffff, v1;
	v1 =	vld [tilespmem:s23+$0xC790]  }
0x31e: {  	v9 =	vor.u32 s26, v0;
	v5 =	vpack.i.f32.bf16 v6, v5;
	v6 =	vld [tilespmem:s23+$0xC520]  }
0x31f: {  	s28 =	sor.u32 $0x2821, s22;
	[tilespmem:v2+s18+$0x0] =	vst.idx.msk $0xffff, v5;
	v2 =	vld [tilespmem:s23+$0xC5A0]  }
0x320: {  	v10 =	vor.u32 s28, v0;
	v5 =	vld [tilespmem:s23+$0xC420];
	v4 =	vpack.i.f32.bf16 v8, v4  }
0x321: {  	s29 =	sor.u32 $0x2820, s22;
	v8 =	vld [tilespmem:s23+$0xC4A0];
	[tilespmem:v3+s18+$0x0] =	vst.idx.msk $0xffff, v4  }
0x322: {  	v3 =	vor.u32 s29, v0;
	v4 =	vld [tilespmem:s23+$0xC620];
	v1 =	vpack.i.f32.bf16 v1, v7  }
0x323: {  	s30 =	sor.u32 $0x2822, s22;
	v7 =	vld [tilespmem:s23+$0xC6A0];
	[tilespmem:v9+s18+$0x0] =	vst.idx.msk $0xffff, v1  }
0x324: {  	v1 =	vpack.i.f32.bf16 v2, v6;
	v2 =	vor.u32 s30, v0;
	v6 =	vld [tilespmem:s23+$0xC720]  }
0x325: {  	s31 =	sor.u32 $0x2823, s22;
	[tilespmem:v10+s18+$0x0] =	vst.idx.msk $0xffff, v1;
	v1 =	vld [tilespmem:s23+$0xC7A0]  }
0x326: {  	v9 =	vor.u32 s31, v0;
	v5 =	vpack.i.f32.bf16 v8, v5;
	v8 =	vld [tilespmem:s23+$0xC530]  }
0x327: {  	s25 =	sor.u32 $0x2C21, s22;
	[tilespmem:v3+s18+$0x0] =	vst.idx.msk $0xffff, v5;
	v3 =	vld [tilespmem:s23+$0xC5B0]  }
0x328: {  	v10 =	vor.u32 s25, v0;
	v5 =	vld [tilespmem:s23+$0xC430];
	v4 =	vpack.i.f32.bf16 v7, v4  }
0x329: {  	s26 =	sor.u32 $0x2C20, s22;
	v7 =	vld [tilespmem:s23+$0xC4B0];
	[tilespmem:v2+s18+$0x0] =	vst.idx.msk $0xffff, v4  }
0x32a: {  	v2 =	vor.u32 s26, v0;
	v4 =	vld [tilespmem:s23+$0xC630];
	v1 =	vpack.i.f32.bf16 v1, v6  }
0x32b: {  	s28 =	sor.u32 $0x2C22, s22;
	v6 =	vld [tilespmem:s23+$0xC6B0];
	[tilespmem:v9+s18+$0x0] =	vst.idx.msk $0xffff, v1  }
0x32c: {  	v1 =	vpack.i.f32.bf16 v3, v8;
	v3 =	vor.u32 s28, v0;
	v8 =	vld [tilespmem:s23+$0xC730]  }
0x32d: {  	s29 =	sor.u32 $0x2C23, s22;
	[tilespmem:v10+s18+$0x0] =	vst.idx.msk $0xffff, v1;
	v1 =	vld [tilespmem:s23+$0xC7B0]  }
0x32e: {  	v9 =	vor.u32 s29, v0;
	v5 =	vpack.i.f32.bf16 v7, v5;
	v7 =	vld [tilespmem:s23+$0xC540]  }
0x32f: {  	s30 =	sor.u32 $0x3021, s22;
	[tilespmem:v2+s18+$0x0] =	vst.idx.msk $0xffff, v5;
	v2 =	vld [tilespmem:s23+$0xC5C0]  }
0x330: {  	v10 =	vor.u32 s30, v0;
	v5 =	vld [tilespmem:s23+$0xC440];
	v4 =	vpack.i.f32.bf16 v6, v4  }
0x331: {  	s31 =	sor.u32 $0x3020, s22;
	v6 =	vld [tilespmem:s23+$0xC4C0];
	[tilespmem:v3+s18+$0x0] =	vst.idx.msk $0xffff, v4  }
0x332: {  	v3 =	vor.u32 s31, v0;
	v4 =	vld [tilespmem:s23+$0xC640];
	v1 =	vpack.i.f32.bf16 v1, v8  }
0x333: {  	s25 =	sor.u32 $0x3022, s22;
	v8 =	vld [tilespmem:s23+$0xC6C0];
	[tilespmem:v9+s18+$0x0] =	vst.idx.msk $0xffff, v1  }
0x334: {  	v1 =	vpack.i.f32.bf16 v2, v7;
	v2 =	vor.u32 s25, v0;
	v7 =	vld [tilespmem:s23+$0xC740]  }
0x335: {  	s26 =	sor.u32 $0x3023, s22;
	[tilespmem:v10+s18+$0x0] =	vst.idx.msk $0xffff, v1;
	v1 =	vld [tilespmem:s23+$0xC7C0]  }
0x336: {  	v9 =	vor.u32 s26, v0;
	v5 =	vpack.i.f32.bf16 v6, v5;
	v6 =	vld [tilespmem:s23+$0xC550]  }
0x337: {  	s28 =	sor.u32 $0x3421, s22;
	[tilespmem:v3+s18+$0x0] =	vst.idx.msk $0xffff, v5;
	v3 =	vld [tilespmem:s23+$0xC5D0]  }
0x338: {  	v10 =	vor.u32 s28, v0;
	v5 =	vld [tilespmem:s23+$0xC450];
	v4 =	vpack.i.f32.bf16 v8, v4  }
0x339: {  	s29 =	sor.u32 $0x3420, s22;
	v8 =	vld [tilespmem:s23+$0xC4D0];
	[tilespmem:v2+s18+$0x0] =	vst.idx.msk $0xffff, v4  }
0x33a: {  	v2 =	vor.u32 s29, v0;
	v4 =	vld [tilespmem:s23+$0xC650];
	v1 =	vpack.i.f32.bf16 v1, v7  }
0x33b: {  	s30 =	sor.u32 $0x3422, s22;
	v7 =	vld [tilespmem:s23+$0xC6D0];
	[tilespmem:v9+s18+$0x0] =	vst.idx.msk $0xffff, v1  }
0x33c: {  	v1 =	vpack.i.f32.bf16 v3, v6;
	v3 =	vor.u32 s30, v0;
	v6 =	vld [tilespmem:s23+$0xC7D0]  }
0x33d: {  	s31 =	sor.u32 $0x3423, s22;
	[tilespmem:v10+s18+$0x0] =	vst.idx.msk $0xffff, v1;
	v1 =	vld [tilespmem:s23+$0xC750]  }
0x33e: {  	v9 =	vor.u32 s31, v0;
	v5 =	vpack.i.f32.bf16 v8, v5;
	v8 =	vld [tilespmem:s23+$0xC560]  }
0x33f: {  	s25 =	sor.u32 $0x3821, s22;
	[tilespmem:v2+s18+$0x0] =	vst.idx.msk $0xffff, v5;
	v2 =	vld [tilespmem:s23+$0xC5E0]  }
0x340: {  	v10 =	vor.u32 s25, v0;
	v5 =	vld [tilespmem:s23+$0xC460];
	v4 =	vpack.i.f32.bf16 v7, v4  }
0x341: {  	s26 =	sor.u32 $0x3820, s22;
	v7 =	vld [tilespmem:s23+$0xC4E0];
	[tilespmem:v3+s18+$0x0] =	vst.idx.msk $0xffff, v4  }
0x342: {  	v3 =	vor.u32 s26, v0;
	v4 =	vld [tilespmem:s23+$0xC660];
	v1 =	vpack.i.f32.bf16 v6, v1  }
0x343: {  	v6 =	vld [tilespmem:s23+$0xC6E0];
	[tilespmem:v9+s18+$0x0] =	vst.idx.msk $0xffff, v1  }
0x344: {  	s28 =	sor.u32 $0x3822, s22;
	v1 =	vpack.i.f32.bf16 v2, v8;
	v8 =	vld [tilespmem:s23+$0xC760]  }
0x345: {  	v2 =	vor.u32 s28, v0;
	[tilespmem:v10+s18+$0x0] =	vst.idx.msk $0xffff, v1;
	v1 =	vld [tilespmem:s23+$0xC7E0]  }
0x346: {  	s29 =	sor.u32 $0x3823, s22;
	v5 =	vpack.i.f32.bf16 v7, v5;
	v7 =	vld [tilespmem:s23+$0xC570]  }
0x347: {  	v9 =	vor.u32 s29, v0;
	v10 =	vld [tilespmem:s23+$0xC5F0];
	[tilespmem:v3+s18+$0x0] =	vst.idx.msk $0xffff, v5  }
0x348: {  	s30 =	sor.u32 $0x3C21, s22;
	v11 =	vld [tilespmem:s23+$0xC470]  }
0x349: {  	v12 =	vor.u32 s30, v0;
	v3 =	vpack.i.f32.bf16 v6, v4;
	v13 =	vld [tilespmem:s23+$0xC4F0]  }
0x34a: {  	s31 =	sor.u32 $0x3C20, s22;
	[tilespmem:v2+s18+$0x0] =	vst.idx.msk $0xffff, v3  }
0x34b: {  	v5 =	vor.u32 s31, v0;
	v2 =	vld [tilespmem:s23+$0xC670];
	v1 =	vpack.i.f32.bf16 v1, v8  }
0x34c: {  	s25 =	sor.u32 $0x3C22, s22;
	v3 =	vld [tilespmem:s23+$0xC6F0];
	[tilespmem:v9+s18+$0x0] =	vst.idx.msk $0xffff, v1  }
0x34d: {  	s26 =	sor.u32 $0x3C23, s22;
	v6 =	vor.u32 s25, v0;
	v7 =	vpack.i.f32.bf16 v10, v7;
	v4 =	vld [tilespmem:s23+$0xC770]  }
0x34e: {  	s22 =	simm.s32 $0x4;
	v1 =	vor.u32 s26, v0;
	[tilespmem:v12+s18+$0x0] =	vst.idx.msk $0xffff, v7;
	v7 =	vld [tilespmem:s23+$0xC7F0];
	v8 =	vpack.i.f32.bf16 v13, v11  }
.LBB2_8:
0x34f: {  	s23 =	sshll.u32 s22, $0x9  }
0x350: {  	p1 =	slt.u32 s22, $0x1C;
	[tilespmem:v5+s18+$0x0] =	vst.idx.msk $0xffff, v8;
	s24 =	smov.u32 s22;
	s22 =	sadd.s32 $0x4, s22  }
0x351: {  	v5 =	vld [tilespmem:s23+$0x8100];
	v2 =	vpack.i.f32.bf16 v3, v2  }
0x352: {  	v3 =	vld [tilespmem:s23+$0x8080];
	[tilespmem:v6+s18+$0x0] =	vst.idx.msk $0xffff, v2  }
0x353: {  	v2 =	vld [tilespmem:s23+$0x8000];
	v4 =	vpack.i.f32.bf16 v7, v4  }
0x354: {  	s25 =	sor.u32 $0x1, s24;
	v6 =	vor.u32 s24, v0;
	v7 =	vld [tilespmem:s23+$0x8180];
	[tilespmem:v1+s18+$0x0] =	vst.idx.msk $0xffff, v4  }
0x355: {  	v1 =	vor.u32 s25, v0;
	v4 =	vld [tilespmem:s23+$0x8200]  }
0x356: {  	v8 =	vld [tilespmem:s23+$0x8280]  }
0x357: {  	s25 =	sor.u32 $0x2, s24;
	v9 =	vld [tilespmem:s23+$0x8300]  }
0x358: {  	v2 =	vpack.i.f32.bf16 v3, v2;
	v3 =	vor.u32 s25, v0;
	v10 =	vld [tilespmem:s23+$0x8380]  }
0x359: {  	s25 =	sor.u32 $0x3, s24;
	[tilespmem:v6+s18+$0x0] =	vst.idx.msk $0xffff, v2;
	v2 =	vpack.i.f32.bf16 v7, v5  }
0x35a: {  	v5 =	vld [tilespmem:s23+$0x8010];
	[tilespmem:v1+s18+$0x0] =	vst.idx.msk $0xffff, v2;
	v1 =	vor.u32 s25, v0  }
0x35b: {  	v2 =	vld [tilespmem:s23+$0x8110];
	v4 =	vpack.i.f32.bf16 v8, v4  }
0x35c: {  	s25 =	sor.u32 $0x401, s24;
	v6 =	vld [tilespmem:s23+$0x8190]  }
0x35d: {  	v8 =	vor.u32 s25, v0;
	v7 =	vld [tilespmem:s23+$0x8090];
	[tilespmem:v3+s18+$0x0] =	vst.idx.msk $0xffff, v4;
	v3 =	vpack.i.f32.bf16 v10, v9  }
0x35e: {  	s25 =	sor.u32 $0x400, s24;
	v4 =	vld [tilespmem:s23+$0x8210]  }
0x35f: {  	v9 =	vor.u32 s25, v0;
	v10 =	vld [tilespmem:s23+$0x8290];
	[tilespmem:v1+s18+$0x0] =	vst.idx.msk $0xffff, v3  }
0x360: {  	s25 =	sor.u32 $0x402, s24;
	v1 =	vld [tilespmem:s23+$0x8310]  }
0x361: {  	v3 =	vor.u32 s25, v0;
	v2 =	vpack.i.f32.bf16 v6, v2;
	v6 =	vld [tilespmem:s23+$0x8390]  }
0x362: {  	s25 =	sor.u32 $0x403, s24;
	v5 =	vpack.i.f32.bf16 v7, v5;
	[tilespmem:v8+s18+$0x0] =	vst.idx.msk $0xffff, v2  }
0x363: {  	v7 =	vor.u32 s25, v0;
	v2 =	vld [tilespmem:s23+$0x8120]  }
0x364: {  	s25 =	sor.u32 $0x801, s24;
	[tilespmem:v9+s18+$0x0] =	vst.idx.msk $0xffff, v5;
	v5 =	vld [tilespmem:s23+$0x81A0];
	v4 =	vpack.i.f32.bf16 v10, v4  }
0x365: {  	v9 =	vor.u32 s25, v0;
	v8 =	vld [tilespmem:s23+$0x8020]  }
0x366: {  	s25 =	sor.u32 $0x800, s24;
	v10 =	vld [tilespmem:s23+$0x80A0];
	[tilespmem:v3+s18+$0x0] =	vst.idx.msk $0xffff, v4;
	v1 =	vpack.i.f32.bf16 v6, v1  }
0x367: {  	v3 =	vor.u32 s25, v0;
	v4 =	vld [tilespmem:s23+$0x8220]  }
0x368: {  	s25 =	sor.u32 $0x802, s24;
	v6 =	vld [tilespmem:s23+$0x82A0];
	[tilespmem:v7+s18+$0x0] =	vst.idx.msk $0xffff, v1  }
0x369: {  	v1 =	vpack.i.f32.bf16 v5, v2;
	v2 =	vor.u32 s25, v0;
	v5 =	vld [tilespmem:s23+$0x8320]  }
0x36a: {  	s25 =	sor.u32 $0x803, s24;
	[tilespmem:v9+s18+$0x0] =	vst.idx.msk $0xffff, v1;
	v1 =	vld [tilespmem:s23+$0x83A0]  }
0x36b: {  	v9 =	vor.u32 s25, v0;
	v7 =	vpack.i.f32.bf16 v10, v8;
	v8 =	vld [tilespmem:s23+$0x8130]  }
0x36c: {  	s25 =	sor.u32 $0xC01, s24;
	[tilespmem:v3+s18+$0x0] =	vst.idx.msk $0xffff, v7;
	v3 =	vld [tilespmem:s23+$0x81B0]  }
0x36d: {  	v10 =	vor.u32 s25, v0;
	v7 =	vld [tilespmem:s23+$0x8030];
	v4 =	vpack.i.f32.bf16 v6, v4  }
0x36e: {  	s25 =	sor.u32 $0xC00, s24;
	v6 =	vld [tilespmem:s23+$0x80B0];
	[tilespmem:v2+s18+$0x0] =	vst.idx.msk $0xffff, v4  }
0x36f: {  	v2 =	vor.u32 s25, v0;
	v4 =	vld [tilespmem:s23+$0x8230];
	v1 =	vpack.i.f32.bf16 v1, v5  }
0x370: {  	s25 =	sor.u32 $0xC02, s24;
	v5 =	vld [tilespmem:s23+$0x82B0];
	[tilespmem:v9+s18+$0x0] =	vst.idx.msk $0xffff, v1  }
0x371: {  	v1 =	vpack.i.f32.bf16 v3, v8;
	v3 =	vor.u32 s25, v0;
	v8 =	vld [tilespmem:s23+$0x8330]  }
0x372: {  	s25 =	sor.u32 $0xC03, s24;
	[tilespmem:v10+s18+$0x0] =	vst.idx.msk $0xffff, v1;
	v1 =	vld [tilespmem:s23+$0x83B0]  }
0x373: {  	v9 =	vor.u32 s25, v0;
	v6 =	vpack.i.f32.bf16 v6, v7;
	v7 =	vld [tilespmem:s23+$0x8140]  }
0x374: {  	s25 =	sor.u32 $0x1001, s24;
	[tilespmem:v2+s18+$0x0] =	vst.idx.msk $0xffff, v6;
	v2 =	vld [tilespmem:s23+$0x81C0]  }
0x375: {  	v10 =	vor.u32 s25, v0;
	v6 =	vld [tilespmem:s23+$0x8040];
	v4 =	vpack.i.f32.bf16 v5, v4  }
0x376: {  	s25 =	sor.u32 $0x1000, s24;
	v5 =	vld [tilespmem:s23+$0x80C0];
	[tilespmem:v3+s18+$0x0] =	vst.idx.msk $0xffff, v4  }
0x377: {  	v3 =	vor.u32 s25, v0;
	v4 =	vld [tilespmem:s23+$0x8240];
	v1 =	vpack.i.f32.bf16 v1, v8  }
0x378: {  	s25 =	sor.u32 $0x1002, s24;
	v8 =	vld [tilespmem:s23+$0x82C0];
	[tilespmem:v9+s18+$0x0] =	vst.idx.msk $0xffff, v1  }
0x379: {  	v1 =	vpack.i.f32.bf16 v2, v7;
	v2 =	vor.u32 s25, v0;
	v7 =	vld [tilespmem:s23+$0x8340]  }
0x37a: {  	s25 =	sor.u32 $0x1003, s24;
	[tilespmem:v10+s18+$0x0] =	vst.idx.msk $0xffff, v1;
	v1 =	vld [tilespmem:s23+$0x83C0]  }
0x37b: {  	v9 =	vor.u32 s25, v0;
	v5 =	vpack.i.f32.bf16 v5, v6;
	v6 =	vld [tilespmem:s23+$0x8150]  }
0x37c: {  	s25 =	sor.u32 $0x1401, s24;
	[tilespmem:v3+s18+$0x0] =	vst.idx.msk $0xffff, v5;
	v3 =	vld [tilespmem:s23+$0x81D0]  }
0x37d: {  	v10 =	vor.u32 s25, v0;
	v5 =	vld [tilespmem:s23+$0x8050];
	v4 =	vpack.i.f32.bf16 v8, v4  }
0x37e: {  	s25 =	sor.u32 $0x1400, s24;
	v8 =	vld [tilespmem:s23+$0x80D0];
	[tilespmem:v2+s18+$0x0] =	vst.idx.msk $0xffff, v4  }
0x37f: {  	v2 =	vor.u32 s25, v0;
	v4 =	vld [tilespmem:s23+$0x8250];
	v1 =	vpack.i.f32.bf16 v1, v7  }
0x380: {  	s25 =	sor.u32 $0x1402, s24;
	v7 =	vld [tilespmem:s23+$0x82D0];
	[tilespmem:v9+s18+$0x0] =	vst.idx.msk $0xffff, v1  }
0x381: {  	v1 =	vpack.i.f32.bf16 v3, v6;
	v3 =	vor.u32 s25, v0;
	v6 =	vld [tilespmem:s23+$0x8350]  }
0x382: {  	s25 =	sor.u32 $0x1403, s24;
	[tilespmem:v10+s18+$0x0] =	vst.idx.msk $0xffff, v1;
	v1 =	vld [tilespmem:s23+$0x83D0]  }
0x383: {  	v9 =	vor.u32 s25, v0;
	v5 =	vpack.i.f32.bf16 v8, v5;
	v8 =	vld [tilespmem:s23+$0x8160]  }
0x384: {  	s25 =	sor.u32 $0x1801, s24;
	[tilespmem:v2+s18+$0x0] =	vst.idx.msk $0xffff, v5;
	v2 =	vld [tilespmem:s23+$0x81E0]  }
0x385: {  	v10 =	vor.u32 s25, v0;
	v5 =	vld [tilespmem:s23+$0x8060];
	v4 =	vpack.i.f32.bf16 v7, v4  }
0x386: {  	s25 =	sor.u32 $0x1800, s24;
	v7 =	vld [tilespmem:s23+$0x80E0];
	[tilespmem:v3+s18+$0x0] =	vst.idx.msk $0xffff, v4  }
0x387: {  	v3 =	vor.u32 s25, v0;
	v4 =	vld [tilespmem:s23+$0x8260];
	v1 =	vpack.i.f32.bf16 v1, v6  }
0x388: {  	s25 =	sor.u32 $0x1802, s24;
	v6 =	vld [tilespmem:s23+$0x82E0];
	[tilespmem:v9+s18+$0x0] =	vst.idx.msk $0xffff, v1  }
0x389: {  	v1 =	vpack.i.f32.bf16 v2, v8;
	v2 =	vor.u32 s25, v0;
	v8 =	vld [tilespmem:s23+$0x8360]  }
0x38a: {  	s25 =	sor.u32 $0x1803, s24;
	[tilespmem:v10+s18+$0x0] =	vst.idx.msk $0xffff, v1;
	v1 =	vld [tilespmem:s23+$0x83E0]  }
0x38b: {  	v9 =	vor.u32 s25, v0;
	v5 =	vpack.i.f32.bf16 v7, v5;
	v7 =	vld [tilespmem:s23+$0x8170]  }
0x38c: {  	s25 =	sor.u32 $0x1C01, s24;
	[tilespmem:v3+s18+$0x0] =	vst.idx.msk $0xffff, v5;
	v3 =	vld [tilespmem:s23+$0x81F0]  }
0x38d: {  	v10 =	vor.u32 s25, v0;
	v5 =	vld [tilespmem:s23+$0x8070];
	v4 =	vpack.i.f32.bf16 v6, v4  }
0x38e: {  	s25 =	sor.u32 $0x1C00, s24;
	v6 =	vld [tilespmem:s23+$0x80F0];
	[tilespmem:v2+s18+$0x0] =	vst.idx.msk $0xffff, v4  }
0x38f: {  	v2 =	vor.u32 s25, v0;
	v4 =	vld [tilespmem:s23+$0x8270];
	v1 =	vpack.i.f32.bf16 v1, v8  }
0x390: {  	s25 =	sor.u32 $0x1C02, s24;
	v8 =	vld [tilespmem:s23+$0x82F0];
	[tilespmem:v9+s18+$0x0] =	vst.idx.msk $0xffff, v1  }
0x391: {  	v1 =	vpack.i.f32.bf16 v3, v7;
	v3 =	vor.u32 s25, v0;
	v7 =	vld [tilespmem:s23+$0x8370]  }
0x392: {  	s25 =	sor.u32 $0x1C03, s24;
	[tilespmem:v10+s18+$0x0] =	vst.idx.msk $0xffff, v1;
	v1 =	vld [tilespmem:s23+$0x83F0]  }
0x393: {  	v9 =	vor.u32 s25, v0;
	v5 =	vpack.i.f32.bf16 v6, v5;
	v6 =	vld [tilespmem:s23+$0x8500]  }
0x394: {  	s25 =	sor.u32 $0x2001, s24;
	[tilespmem:v2+s18+$0x0] =	vst.idx.msk $0xffff, v5;
	v2 =	vld [tilespmem:s23+$0x8580]  }
0x395: {  	v10 =	vor.u32 s25, v0;
	v5 =	vld [tilespmem:s23+$0x8400];
	v4 =	vpack.i.f32.bf16 v8, v4  }
0x396: {  	s25 =	sor.u32 $0x2000, s24;
	v8 =	vld [tilespmem:s23+$0x8480];
	[tilespmem:v3+s18+$0x0] =	vst.idx.msk $0xffff, v4  }
0x397: {  	v3 =	vor.u32 s25, v0;
	v4 =	vld [tilespmem:s23+$0x8600];
	v1 =	vpack.i.f32.bf16 v1, v7  }
0x398: {  	s25 =	sor.u32 $0x2002, s24;
	v7 =	vld [tilespmem:s23+$0x8680];
	[tilespmem:v9+s18+$0x0] =	vst.idx.msk $0xffff, v1  }
0x399: {  	v1 =	vpack.i.f32.bf16 v2, v6;
	v2 =	vor.u32 s25, v0;
	v6 =	vld [tilespmem:s23+$0x8700]  }
0x39a: {  	s25 =	sor.u32 $0x2003, s24;
	[tilespmem:v10+s18+$0x0] =	vst.idx.msk $0xffff, v1;
	v1 =	vld [tilespmem:s23+$0x8780]  }
0x39b: {  	v9 =	vor.u32 s25, v0;
	v5 =	vpack.i.f32.bf16 v8, v5;
	v8 =	vld [tilespmem:s23+$0x8510]  }
0x39c: {  	s25 =	sor.u32 $0x2401, s24;
	[tilespmem:v3+s18+$0x0] =	vst.idx.msk $0xffff, v5;
	v3 =	vld [tilespmem:s23+$0x8590]  }
0x39d: {  	v10 =	vor.u32 s25, v0;
	v5 =	vld [tilespmem:s23+$0x8410];
	v4 =	vpack.i.f32.bf16 v7, v4  }
0x39e: {  	s25 =	sor.u32 $0x2400, s24;
	v7 =	vld [tilespmem:s23+$0x8490];
	[tilespmem:v2+s18+$0x0] =	vst.idx.msk $0xffff, v4  }
0x39f: {  	v2 =	vor.u32 s25, v0;
	v4 =	vld [tilespmem:s23+$0x8610];
	v1 =	vpack.i.f32.bf16 v1, v6  }
0x3a0: {  	s25 =	sor.u32 $0x2402, s24;
	v6 =	vld [tilespmem:s23+$0x8690];
	[tilespmem:v9+s18+$0x0] =	vst.idx.msk $0xffff, v1  }
0x3a1: {  	v1 =	vpack.i.f32.bf16 v3, v8;
	v3 =	vor.u32 s25, v0;
	v8 =	vld [tilespmem:s23+$0x8710]  }
0x3a2: {  	s25 =	sor.u32 $0x2403, s24;
	[tilespmem:v10+s18+$0x0] =	vst.idx.msk $0xffff, v1;
	v1 =	vld [tilespmem:s23+$0x8790]  }
0x3a3: {  	v9 =	vor.u32 s25, v0;
	v5 =	vpack.i.f32.bf16 v7, v5;
	v7 =	vld [tilespmem:s23+$0x8520]  }
0x3a4: {  	s25 =	sor.u32 $0x2801, s24;
	[tilespmem:v2+s18+$0x0] =	vst.idx.msk $0xffff, v5;
	v2 =	vld [tilespmem:s23+$0x85A0]  }
0x3a5: {  	v10 =	vor.u32 s25, v0;
	v5 =	vld [tilespmem:s23+$0x8420];
	v4 =	vpack.i.f32.bf16 v6, v4  }
0x3a6: {  	s25 =	sor.u32 $0x2800, s24;
	v6 =	vld [tilespmem:s23+$0x84A0];
	[tilespmem:v3+s18+$0x0] =	vst.idx.msk $0xffff, v4  }
0x3a7: {  	v3 =	vor.u32 s25, v0;
	v4 =	vld [tilespmem:s23+$0x8620];
	v1 =	vpack.i.f32.bf16 v1, v8  }
0x3a8: {  	s25 =	sor.u32 $0x2802, s24;
	v8 =	vld [tilespmem:s23+$0x86A0];
	[tilespmem:v9+s18+$0x0] =	vst.idx.msk $0xffff, v1  }
0x3a9: {  	v1 =	vpack.i.f32.bf16 v2, v7;
	v2 =	vor.u32 s25, v0;
	v7 =	vld [tilespmem:s23+$0x8720]  }
0x3aa: {  	s25 =	sor.u32 $0x2803, s24;
	[tilespmem:v10+s18+$0x0] =	vst.idx.msk $0xffff, v1;
	v1 =	vld [tilespmem:s23+$0x87A0]  }
0x3ab: {  	v9 =	vor.u32 s25, v0;
	v5 =	vpack.i.f32.bf16 v6, v5;
	v6 =	vld [tilespmem:s23+$0x8530]  }
0x3ac: {  	s25 =	sor.u32 $0x2C01, s24;
	[tilespmem:v3+s18+$0x0] =	vst.idx.msk $0xffff, v5;
	v3 =	vld [tilespmem:s23+$0x85B0]  }
0x3ad: {  	v10 =	vor.u32 s25, v0;
	v5 =	vld [tilespmem:s23+$0x8430];
	v4 =	vpack.i.f32.bf16 v8, v4  }
0x3ae: {  	s25 =	sor.u32 $0x2C00, s24;
	v8 =	vld [tilespmem:s23+$0x84B0];
	[tilespmem:v2+s18+$0x0] =	vst.idx.msk $0xffff, v4  }
0x3af: {  	v2 =	vor.u32 s25, v0;
	v4 =	vld [tilespmem:s23+$0x8630];
	v1 =	vpack.i.f32.bf16 v1, v7  }
0x3b0: {  	s25 =	sor.u32 $0x2C02, s24;
	v7 =	vld [tilespmem:s23+$0x86B0];
	[tilespmem:v9+s18+$0x0] =	vst.idx.msk $0xffff, v1  }
0x3b1: {  	v1 =	vpack.i.f32.bf16 v3, v6;
	v3 =	vor.u32 s25, v0;
	v6 =	vld [tilespmem:s23+$0x8730]  }
0x3b2: {  	s25 =	sor.u32 $0x2C03, s24;
	[tilespmem:v10+s18+$0x0] =	vst.idx.msk $0xffff, v1;
	v1 =	vld [tilespmem:s23+$0x87B0]  }
0x3b3: {  	v9 =	vor.u32 s25, v0;
	v5 =	vpack.i.f32.bf16 v8, v5;
	v8 =	vld [tilespmem:s23+$0x8540]  }
0x3b4: {  	s25 =	sor.u32 $0x3001, s24;
	[tilespmem:v2+s18+$0x0] =	vst.idx.msk $0xffff, v5;
	v2 =	vld [tilespmem:s23+$0x85C0]  }
0x3b5: {  	v10 =	vor.u32 s25, v0;
	v5 =	vld [tilespmem:s23+$0x8440];
	v4 =	vpack.i.f32.bf16 v7, v4  }
0x3b6: {  	s25 =	sor.u32 $0x3000, s24;
	v7 =	vld [tilespmem:s23+$0x84C0];
	[tilespmem:v3+s18+$0x0] =	vst.idx.msk $0xffff, v4  }
0x3b7: {  	v3 =	vor.u32 s25, v0;
	v4 =	vld [tilespmem:s23+$0x8640];
	v1 =	vpack.i.f32.bf16 v1, v6  }
0x3b8: {  	s25 =	sor.u32 $0x3002, s24;
	v6 =	vld [tilespmem:s23+$0x86C0];
	[tilespmem:v9+s18+$0x0] =	vst.idx.msk $0xffff, v1  }
0x3b9: {  	v1 =	vpack.i.f32.bf16 v2, v8;
	v2 =	vor.u32 s25, v0;
	v8 =	vld [tilespmem:s23+$0x8740]  }
0x3ba: {  	s25 =	sor.u32 $0x3003, s24;
	[tilespmem:v10+s18+$0x0] =	vst.idx.msk $0xffff, v1;
	v1 =	vld [tilespmem:s23+$0x87C0]  }
0x3bb: {  	v9 =	vor.u32 s25, v0;
	v5 =	vpack.i.f32.bf16 v7, v5;
	v7 =	vld [tilespmem:s23+$0x8550]  }
0x3bc: {  	s25 =	sor.u32 $0x3401, s24;
	[tilespmem:v3+s18+$0x0] =	vst.idx.msk $0xffff, v5;
	v3 =	vld [tilespmem:s23+$0x85D0]  }
0x3bd: {  	v10 =	vor.u32 s25, v0;
	v5 =	vld [tilespmem:s23+$0x8450];
	v4 =	vpack.i.f32.bf16 v6, v4  }
0x3be: {  	s25 =	sor.u32 $0x3400, s24;
	v6 =	vld [tilespmem:s23+$0x84D0];
	[tilespmem:v2+s18+$0x0] =	vst.idx.msk $0xffff, v4  }
0x3bf: {  	v2 =	vor.u32 s25, v0;
	v4 =	vld [tilespmem:s23+$0x8650];
	v1 =	vpack.i.f32.bf16 v1, v8  }
0x3c0: {  	s25 =	sor.u32 $0x3402, s24;
	v8 =	vld [tilespmem:s23+$0x86D0];
	[tilespmem:v9+s18+$0x0] =	vst.idx.msk $0xffff, v1  }
0x3c1: {  	v1 =	vpack.i.f32.bf16 v3, v7;
	v3 =	vor.u32 s25, v0;
	v7 =	vld [tilespmem:s23+$0x8750]  }
0x3c2: {  	s25 =	sor.u32 $0x3403, s24;
	[tilespmem:v10+s18+$0x0] =	vst.idx.msk $0xffff, v1;
	v1 =	vld [tilespmem:s23+$0x87D0]  }
0x3c3: {  	v9 =	vor.u32 s25, v0;
	v5 =	vpack.i.f32.bf16 v6, v5;
	v6 =	vld [tilespmem:s23+$0x8560]  }
0x3c4: {  	s25 =	sor.u32 $0x3801, s24;
	[tilespmem:v2+s18+$0x0] =	vst.idx.msk $0xffff, v5;
	v2 =	vld [tilespmem:s23+$0x85E0]  }
0x3c5: {  	v10 =	vor.u32 s25, v0;
	v5 =	vld [tilespmem:s23+$0x8460];
	v4 =	vpack.i.f32.bf16 v8, v4  }
0x3c6: {  	s25 =	sor.u32 $0x3800, s24;
	v8 =	vld [tilespmem:s23+$0x84E0];
	[tilespmem:v3+s18+$0x0] =	vst.idx.msk $0xffff, v4  }
0x3c7: {  	v3 =	vor.u32 s25, v0;
	v4 =	vld [tilespmem:s23+$0x8660];
	v1 =	vpack.i.f32.bf16 v1, v7  }
0x3c8: {  	s25 =	sor.u32 $0x3802, s24;
	v7 =	vld [tilespmem:s23+$0x86E0];
	[tilespmem:v9+s18+$0x0] =	vst.idx.msk $0xffff, v1  }
0x3c9: {  	v1 =	vpack.i.f32.bf16 v2, v6;
	v2 =	vor.u32 s25, v0;
	v6 =	vld [tilespmem:s23+$0x8760]  }
0x3ca: {  	s25 =	sor.u32 $0x3803, s24;
	[tilespmem:v10+s18+$0x0] =	vst.idx.msk $0xffff, v1;
	v1 =	vld [tilespmem:s23+$0x87E0]  }
0x3cb: {  	v9 =	vor.u32 s25, v0;
	v5 =	vpack.i.f32.bf16 v8, v5;
	v8 =	vld [tilespmem:s23+$0x8570]  }
0x3cc: {  	s25 =	sor.u32 $0x3C01, s24;
	[tilespmem:v3+s18+$0x0] =	vst.idx.msk $0xffff, v5;
	v3 =	vld [tilespmem:s23+$0x85F0]  }
0x3cd: {  	v10 =	vor.u32 s25, v0;
	v5 =	vld [tilespmem:s23+$0x8470];
	v4 =	vpack.i.f32.bf16 v7, v4  }
0x3ce: {  	s25 =	sor.u32 $0x3C00, s24;
	v7 =	vld [tilespmem:s23+$0x84F0];
	[tilespmem:v2+s18+$0x0] =	vst.idx.msk $0xffff, v4  }
0x3cf: {  	v2 =	vor.u32 s25, v0;
	v4 =	vld [tilespmem:s23+$0x8670];
	v1 =	vpack.i.f32.bf16 v1, v6  }
0x3d0: {  	s25 =	sor.u32 $0x3C02, s24;
	v6 =	vld [tilespmem:s23+$0x86F0];
	[tilespmem:v9+s18+$0x0] =	vst.idx.msk $0xffff, v1  }
0x3d1: {  	v1 =	vpack.i.f32.bf16 v3, v8;
	v3 =	vor.u32 s25, v0;
	v8 =	vld [tilespmem:s23+$0x8770]  }
0x3d2: {  	s25 =	sor.u32 $0x3C03, s24;
	[tilespmem:v10+s18+$0x0] =	vst.idx.msk $0xffff, v1;
	v1 =	vld [tilespmem:s23+$0x87F0]  }
0x3d3: {  	v9 =	vor.u32 s25, v0;
	v5 =	vpack.i.f32.bf16 v7, v5;
	v7 =	vld [tilespmem:s23+$0xC100]  }
0x3d4: {  	s25 =	sor.u32 $0x21, s24;
	[tilespmem:v2+s18+$0x0] =	vst.idx.msk $0xffff, v5;
	v2 =	vld [tilespmem:s23+$0xC180]  }
0x3d5: {  	v10 =	vor.u32 s25, v0;
	v5 =	vld [tilespmem:s23+$0xC000];
	v4 =	vpack.i.f32.bf16 v6, v4  }
0x3d6: {  	s25 =	sor.u32 $0x20, s24;
	v6 =	vld [tilespmem:s23+$0xC080];
	[tilespmem:v3+s18+$0x0] =	vst.idx.msk $0xffff, v4  }
0x3d7: {  	v3 =	vor.u32 s25, v0;
	v4 =	vld [tilespmem:s23+$0xC200];
	v1 =	vpack.i.f32.bf16 v1, v8  }
0x3d8: {  	s25 =	sor.u32 $0x22, s24;
	v8 =	vld [tilespmem:s23+$0xC280];
	[tilespmem:v9+s18+$0x0] =	vst.idx.msk $0xffff, v1  }
0x3d9: {  	v1 =	vpack.i.f32.bf16 v2, v7;
	v2 =	vor.u32 s25, v0;
	v7 =	vld [tilespmem:s23+$0xC300]  }
0x3da: {  	s25 =	sor.u32 $0x23, s24;
	[tilespmem:v10+s18+$0x0] =	vst.idx.msk $0xffff, v1;
	v1 =	vld [tilespmem:s23+$0xC380]  }
0x3db: {  	v9 =	vor.u32 s25, v0;
	v5 =	vpack.i.f32.bf16 v6, v5;
	v6 =	vld [tilespmem:s23+$0xC110]  }
0x3dc: {  	s25 =	sor.u32 $0x421, s24;
	[tilespmem:v3+s18+$0x0] =	vst.idx.msk $0xffff, v5;
	v3 =	vld [tilespmem:s23+$0xC190]  }
0x3dd: {  	v10 =	vor.u32 s25, v0;
	v5 =	vld [tilespmem:s23+$0xC010];
	v4 =	vpack.i.f32.bf16 v8, v4  }
0x3de: {  	s25 =	sor.u32 $0x420, s24;
	v8 =	vld [tilespmem:s23+$0xC090];
	[tilespmem:v2+s18+$0x0] =	vst.idx.msk $0xffff, v4  }
0x3df: {  	v2 =	vor.u32 s25, v0;
	v4 =	vld [tilespmem:s23+$0xC210];
	v1 =	vpack.i.f32.bf16 v1, v7  }
0x3e0: {  	s25 =	sor.u32 $0x422, s24;
	v7 =	vld [tilespmem:s23+$0xC290];
	[tilespmem:v9+s18+$0x0] =	vst.idx.msk $0xffff, v1  }
0x3e1: {  	v1 =	vpack.i.f32.bf16 v3, v6;
	v3 =	vor.u32 s25, v0;
	v6 =	vld [tilespmem:s23+$0xC310]  }
0x3e2: {  	s25 =	sor.u32 $0x423, s24;
	[tilespmem:v10+s18+$0x0] =	vst.idx.msk $0xffff, v1;
	v1 =	vld [tilespmem:s23+$0xC390]  }
0x3e3: {  	v9 =	vor.u32 s25, v0;
	v5 =	vpack.i.f32.bf16 v8, v5;
	v8 =	vld [tilespmem:s23+$0xC120]  }
0x3e4: {  	s25 =	sor.u32 $0x821, s24;
	[tilespmem:v2+s18+$0x0] =	vst.idx.msk $0xffff, v5;
	v2 =	vld [tilespmem:s23+$0xC1A0]  }
0x3e5: {  	v10 =	vor.u32 s25, v0;
	v5 =	vld [tilespmem:s23+$0xC020];
	v4 =	vpack.i.f32.bf16 v7, v4  }
0x3e6: {  	s25 =	sor.u32 $0x820, s24;
	v7 =	vld [tilespmem:s23+$0xC0A0];
	[tilespmem:v3+s18+$0x0] =	vst.idx.msk $0xffff, v4  }
0x3e7: {  	v3 =	vor.u32 s25, v0;
	v4 =	vld [tilespmem:s23+$0xC220];
	v1 =	vpack.i.f32.bf16 v1, v6  }
0x3e8: {  	s25 =	sor.u32 $0x822, s24;
	v6 =	vld [tilespmem:s23+$0xC2A0];
	[tilespmem:v9+s18+$0x0] =	vst.idx.msk $0xffff, v1  }
0x3e9: {  	v1 =	vpack.i.f32.bf16 v2, v8;
	v2 =	vor.u32 s25, v0;
	v8 =	vld [tilespmem:s23+$0xC320]  }
0x3ea: {  	s25 =	sor.u32 $0x823, s24;
	[tilespmem:v10+s18+$0x0] =	vst.idx.msk $0xffff, v1;
	v1 =	vld [tilespmem:s23+$0xC3A0]  }
0x3eb: {  	v9 =	vor.u32 s25, v0;
	v5 =	vpack.i.f32.bf16 v7, v5;
	v7 =	vld [tilespmem:s23+$0xC130]  }
0x3ec: {  	s25 =	sor.u32 $0xC21, s24;
	[tilespmem:v3+s18+$0x0] =	vst.idx.msk $0xffff, v5;
	v3 =	vld [tilespmem:s23+$0xC1B0]  }
0x3ed: {  	v10 =	vor.u32 s25, v0;
	v5 =	vld [tilespmem:s23+$0xC030];
	v4 =	vpack.i.f32.bf16 v6, v4  }
0x3ee: {  	s25 =	sor.u32 $0xC20, s24;
	v6 =	vld [tilespmem:s23+$0xC0B0];
	[tilespmem:v2+s18+$0x0] =	vst.idx.msk $0xffff, v4  }
0x3ef: {  	v2 =	vor.u32 s25, v0;
	v4 =	vld [tilespmem:s23+$0xC230];
	v1 =	vpack.i.f32.bf16 v1, v8  }
0x3f0: {  	s25 =	sor.u32 $0xC22, s24;
	v8 =	vld [tilespmem:s23+$0xC2B0];
	[tilespmem:v9+s18+$0x0] =	vst.idx.msk $0xffff, v1  }
0x3f1: {  	v1 =	vpack.i.f32.bf16 v3, v7;
	v3 =	vor.u32 s25, v0;
	v7 =	vld [tilespmem:s23+$0xC330]  }
0x3f2: {  	s25 =	sor.u32 $0xC23, s24;
	[tilespmem:v10+s18+$0x0] =	vst.idx.msk $0xffff, v1;
	v1 =	vld [tilespmem:s23+$0xC3B0]  }
0x3f3: {  	v9 =	vor.u32 s25, v0;
	v5 =	vpack.i.f32.bf16 v6, v5;
	v6 =	vld [tilespmem:s23+$0xC140]  }
0x3f4: {  	s25 =	sor.u32 $0x1021, s24;
	[tilespmem:v2+s18+$0x0] =	vst.idx.msk $0xffff, v5;
	v2 =	vld [tilespmem:s23+$0xC1C0]  }
0x3f5: {  	v10 =	vor.u32 s25, v0;
	v5 =	vld [tilespmem:s23+$0xC040];
	v4 =	vpack.i.f32.bf16 v8, v4  }
0x3f6: {  	s25 =	sor.u32 $0x1020, s24;
	v8 =	vld [tilespmem:s23+$0xC0C0];
	[tilespmem:v3+s18+$0x0] =	vst.idx.msk $0xffff, v4  }
0x3f7: {  	v3 =	vor.u32 s25, v0;
	v4 =	vld [tilespmem:s23+$0xC240];
	v1 =	vpack.i.f32.bf16 v1, v7  }
0x3f8: {  	s25 =	sor.u32 $0x1022, s24;
	v7 =	vld [tilespmem:s23+$0xC2C0];
	[tilespmem:v9+s18+$0x0] =	vst.idx.msk $0xffff, v1  }
0x3f9: {  	v1 =	vpack.i.f32.bf16 v2, v6;
	v2 =	vor.u32 s25, v0;
	v6 =	vld [tilespmem:s23+$0xC340]  }
0x3fa: {  	s25 =	sor.u32 $0x1023, s24;
	[tilespmem:v10+s18+$0x0] =	vst.idx.msk $0xffff, v1;
	v1 =	vld [tilespmem:s23+$0xC3C0]  }
0x3fb: {  	v9 =	vor.u32 s25, v0;
	v5 =	vpack.i.f32.bf16 v8, v5;
	v8 =	vld [tilespmem:s23+$0xC150]  }
0x3fc: {  	s25 =	sor.u32 $0x1421, s24;
	[tilespmem:v3+s18+$0x0] =	vst.idx.msk $0xffff, v5;
	v3 =	vld [tilespmem:s23+$0xC1D0]  }
0x3fd: {  	v10 =	vor.u32 s25, v0;
	v5 =	vld [tilespmem:s23+$0xC050];
	v4 =	vpack.i.f32.bf16 v7, v4  }
0x3fe: {  	s25 =	sor.u32 $0x1420, s24;
	v7 =	vld [tilespmem:s23+$0xC0D0];
	[tilespmem:v2+s18+$0x0] =	vst.idx.msk $0xffff, v4  }
0x3ff: {  	v2 =	vor.u32 s25, v0;
	v4 =	vld [tilespmem:s23+$0xC250];
	v1 =	vpack.i.f32.bf16 v1, v6  }
0x400: {  	s25 =	sor.u32 $0x1422, s24;
	v6 =	vld [tilespmem:s23+$0xC2D0];
	[tilespmem:v9+s18+$0x0] =	vst.idx.msk $0xffff, v1  }
0x401: {  	v1 =	vpack.i.f32.bf16 v3, v8;
	v3 =	vor.u32 s25, v0;
	v8 =	vld [tilespmem:s23+$0xC350]  }
0x402: {  	s25 =	sor.u32 $0x1423, s24;
	[tilespmem:v10+s18+$0x0] =	vst.idx.msk $0xffff, v1;
	v1 =	vld [tilespmem:s23+$0xC3D0]  }
0x403: {  	v9 =	vor.u32 s25, v0;
	v5 =	vpack.i.f32.bf16 v7, v5;
	v7 =	vld [tilespmem:s23+$0xC160]  }
0x404: {  	s25 =	sor.u32 $0x1821, s24;
	[tilespmem:v2+s18+$0x0] =	vst.idx.msk $0xffff, v5;
	v2 =	vld [tilespmem:s23+$0xC1E0]  }
0x405: {  	v10 =	vor.u32 s25, v0;
	v5 =	vld [tilespmem:s23+$0xC060];
	v4 =	vpack.i.f32.bf16 v6, v4  }
0x406: {  	s25 =	sor.u32 $0x1820, s24;
	v6 =	vld [tilespmem:s23+$0xC0E0];
	[tilespmem:v3+s18+$0x0] =	vst.idx.msk $0xffff, v4  }
0x407: {  	v3 =	vor.u32 s25, v0;
	v4 =	vld [tilespmem:s23+$0xC260];
	v1 =	vpack.i.f32.bf16 v1, v8  }
0x408: {  	s25 =	sor.u32 $0x1822, s24;
	v8 =	vld [tilespmem:s23+$0xC2E0];
	[tilespmem:v9+s18+$0x0] =	vst.idx.msk $0xffff, v1  }
0x409: {  	v1 =	vpack.i.f32.bf16 v2, v7;
	v2 =	vor.u32 s25, v0;
	v7 =	vld [tilespmem:s23+$0xC360]  }
0x40a: {  	s25 =	sor.u32 $0x1823, s24;
	[tilespmem:v10+s18+$0x0] =	vst.idx.msk $0xffff, v1;
	v1 =	vld [tilespmem:s23+$0xC3E0]  }
0x40b: {  	v9 =	vor.u32 s25, v0;
	v5 =	vpack.i.f32.bf16 v6, v5;
	v6 =	vld [tilespmem:s23+$0xC170]  }
0x40c: {  	s25 =	sor.u32 $0x1C21, s24;
	[tilespmem:v3+s18+$0x0] =	vst.idx.msk $0xffff, v5;
	v3 =	vld [tilespmem:s23+$0xC1F0]  }
0x40d: {  	v10 =	vor.u32 s25, v0;
	v5 =	vld [tilespmem:s23+$0xC070];
	v4 =	vpack.i.f32.bf16 v8, v4  }
0x40e: {  	s25 =	sor.u32 $0x1C20, s24;
	v8 =	vld [tilespmem:s23+$0xC0F0];
	[tilespmem:v2+s18+$0x0] =	vst.idx.msk $0xffff, v4  }
0x40f: {  	v2 =	vor.u32 s25, v0;
	v4 =	vld [tilespmem:s23+$0xC270];
	v1 =	vpack.i.f32.bf16 v1, v7  }
0x410: {  	s25 =	sor.u32 $0x1C22, s24;
	v7 =	vld [tilespmem:s23+$0xC2F0];
	[tilespmem:v9+s18+$0x0] =	vst.idx.msk $0xffff, v1  }
0x411: {  	v1 =	vpack.i.f32.bf16 v3, v6;
	v3 =	vor.u32 s25, v0;
	v6 =	vld [tilespmem:s23+$0xC370]  }
0x412: {  	s25 =	sor.u32 $0x1C23, s24;
	[tilespmem:v10+s18+$0x0] =	vst.idx.msk $0xffff, v1;
	v1 =	vld [tilespmem:s23+$0xC3F0]  }
0x413: {  	v9 =	vor.u32 s25, v0;
	v5 =	vpack.i.f32.bf16 v8, v5;
	v8 =	vld [tilespmem:s23+$0xC500]  }
0x414: {  	s25 =	sor.u32 $0x2021, s24;
	[tilespmem:v2+s18+$0x0] =	vst.idx.msk $0xffff, v5;
	v2 =	vld [tilespmem:s23+$0xC580]  }
0x415: {  	v10 =	vor.u32 s25, v0;
	v5 =	vld [tilespmem:s23+$0xC400];
	v4 =	vpack.i.f32.bf16 v7, v4  }
0x416: {  	s25 =	sor.u32 $0x2020, s24;
	v7 =	vld [tilespmem:s23+$0xC480];
	[tilespmem:v3+s18+$0x0] =	vst.idx.msk $0xffff, v4  }
0x417: {  	v3 =	vor.u32 s25, v0;
	v4 =	vld [tilespmem:s23+$0xC600];
	v1 =	vpack.i.f32.bf16 v1, v6  }
0x418: {  	s25 =	sor.u32 $0x2022, s24;
	v6 =	vld [tilespmem:s23+$0xC680];
	[tilespmem:v9+s18+$0x0] =	vst.idx.msk $0xffff, v1  }
0x419: {  	v1 =	vpack.i.f32.bf16 v2, v8;
	v2 =	vor.u32 s25, v0;
	v8 =	vld [tilespmem:s23+$0xC700]  }
0x41a: {  	s25 =	sor.u32 $0x2023, s24;
	[tilespmem:v10+s18+$0x0] =	vst.idx.msk $0xffff, v1;
	v1 =	vld [tilespmem:s23+$0xC780]  }
0x41b: {  	v9 =	vor.u32 s25, v0;
	v5 =	vpack.i.f32.bf16 v7, v5;
	v7 =	vld [tilespmem:s23+$0xC510]  }
0x41c: {  	s25 =	sor.u32 $0x2421, s24;
	[tilespmem:v3+s18+$0x0] =	vst.idx.msk $0xffff, v5;
	v3 =	vld [tilespmem:s23+$0xC590]  }
0x41d: {  	v10 =	vor.u32 s25, v0;
	v5 =	vld [tilespmem:s23+$0xC410];
	v4 =	vpack.i.f32.bf16 v6, v4  }
0x41e: {  	s25 =	sor.u32 $0x2420, s24;
	v6 =	vld [tilespmem:s23+$0xC490];
	[tilespmem:v2+s18+$0x0] =	vst.idx.msk $0xffff, v4  }
0x41f: {  	v2 =	vor.u32 s25, v0;
	v4 =	vld [tilespmem:s23+$0xC610];
	v1 =	vpack.i.f32.bf16 v1, v8  }
0x420: {  	s25 =	sor.u32 $0x2422, s24;
	v8 =	vld [tilespmem:s23+$0xC690];
	[tilespmem:v9+s18+$0x0] =	vst.idx.msk $0xffff, v1  }
0x421: {  	v1 =	vpack.i.f32.bf16 v3, v7;
	v3 =	vor.u32 s25, v0;
	v7 =	vld [tilespmem:s23+$0xC710]  }
0x422: {  	s25 =	sor.u32 $0x2423, s24;
	[tilespmem:v10+s18+$0x0] =	vst.idx.msk $0xffff, v1;
	v1 =	vld [tilespmem:s23+$0xC790]  }
0x423: {  	v9 =	vor.u32 s25, v0;
	v5 =	vpack.i.f32.bf16 v6, v5;
	v6 =	vld [tilespmem:s23+$0xC520]  }
0x424: {  	s25 =	sor.u32 $0x2821, s24;
	[tilespmem:v2+s18+$0x0] =	vst.idx.msk $0xffff, v5;
	v2 =	vld [tilespmem:s23+$0xC5A0]  }
0x425: {  	v10 =	vor.u32 s25, v0;
	v5 =	vld [tilespmem:s23+$0xC420];
	v4 =	vpack.i.f32.bf16 v8, v4  }
0x426: {  	s25 =	sor.u32 $0x2820, s24;
	v8 =	vld [tilespmem:s23+$0xC4A0];
	[tilespmem:v3+s18+$0x0] =	vst.idx.msk $0xffff, v4  }
0x427: {  	v3 =	vor.u32 s25, v0;
	v4 =	vld [tilespmem:s23+$0xC620];
	v1 =	vpack.i.f32.bf16 v1, v7  }
0x428: {  	s25 =	sor.u32 $0x2822, s24;
	v7 =	vld [tilespmem:s23+$0xC6A0];
	[tilespmem:v9+s18+$0x0] =	vst.idx.msk $0xffff, v1  }
0x429: {  	v1 =	vpack.i.f32.bf16 v2, v6;
	v2 =	vor.u32 s25, v0;
	v6 =	vld [tilespmem:s23+$0xC720]  }
0x42a: {  	s25 =	sor.u32 $0x2823, s24;
	[tilespmem:v10+s18+$0x0] =	vst.idx.msk $0xffff, v1;
	v1 =	vld [tilespmem:s23+$0xC7A0]  }
0x42b: {  	v9 =	vor.u32 s25, v0;
	v5 =	vpack.i.f32.bf16 v8, v5;
	v8 =	vld [tilespmem:s23+$0xC530]  }
0x42c: {  	s25 =	sor.u32 $0x2C21, s24;
	[tilespmem:v3+s18+$0x0] =	vst.idx.msk $0xffff, v5;
	v3 =	vld [tilespmem:s23+$0xC5B0]  }
0x42d: {  	v10 =	vor.u32 s25, v0;
	v5 =	vld [tilespmem:s23+$0xC430];
	v4 =	vpack.i.f32.bf16 v7, v4  }
0x42e: {  	s25 =	sor.u32 $0x2C20, s24;
	v7 =	vld [tilespmem:s23+$0xC4B0];
	[tilespmem:v2+s18+$0x0] =	vst.idx.msk $0xffff, v4  }
0x42f: {  	v2 =	vor.u32 s25, v0;
	v4 =	vld [tilespmem:s23+$0xC630];
	v1 =	vpack.i.f32.bf16 v1, v6  }
0x430: {  	s25 =	sor.u32 $0x2C22, s24;
	v6 =	vld [tilespmem:s23+$0xC6B0];
	[tilespmem:v9+s18+$0x0] =	vst.idx.msk $0xffff, v1  }
0x431: {  	v1 =	vpack.i.f32.bf16 v3, v8;
	v3 =	vor.u32 s25, v0;
	v8 =	vld [tilespmem:s23+$0xC730]  }
0x432: {  	s25 =	sor.u32 $0x2C23, s24;
	[tilespmem:v10+s18+$0x0] =	vst.idx.msk $0xffff, v1;
	v1 =	vld [tilespmem:s23+$0xC7B0]  }
0x433: {  	v9 =	vor.u32 s25, v0;
	v5 =	vpack.i.f32.bf16 v7, v5;
	v7 =	vld [tilespmem:s23+$0xC540]  }
0x434: {  	s25 =	sor.u32 $0x3021, s24;
	[tilespmem:v2+s18+$0x0] =	vst.idx.msk $0xffff, v5;
	v2 =	vld [tilespmem:s23+$0xC5C0]  }
0x435: {  	v10 =	vor.u32 s25, v0;
	v5 =	vld [tilespmem:s23+$0xC440];
	v4 =	vpack.i.f32.bf16 v6, v4  }
0x436: {  	s25 =	sor.u32 $0x3020, s24;
	v6 =	vld [tilespmem:s23+$0xC4C0];
	[tilespmem:v3+s18+$0x0] =	vst.idx.msk $0xffff, v4  }
0x437: {  	v3 =	vor.u32 s25, v0;
	v4 =	vld [tilespmem:s23+$0xC640];
	v1 =	vpack.i.f32.bf16 v1, v8  }
0x438: {  	s25 =	sor.u32 $0x3022, s24;
	v8 =	vld [tilespmem:s23+$0xC6C0];
	[tilespmem:v9+s18+$0x0] =	vst.idx.msk $0xffff, v1  }
0x439: {  	v1 =	vpack.i.f32.bf16 v2, v7;
	v2 =	vor.u32 s25, v0;
	v7 =	vld [tilespmem:s23+$0xC740]  }
0x43a: {  	s25 =	sor.u32 $0x3023, s24;
	[tilespmem:v10+s18+$0x0] =	vst.idx.msk $0xffff, v1;
	v1 =	vld [tilespmem:s23+$0xC7C0]  }
0x43b: {  	v9 =	vor.u32 s25, v0;
	v5 =	vpack.i.f32.bf16 v6, v5;
	v6 =	vld [tilespmem:s23+$0xC550]  }
0x43c: {  	s25 =	sor.u32 $0x3421, s24;
	[tilespmem:v3+s18+$0x0] =	vst.idx.msk $0xffff, v5;
	v3 =	vld [tilespmem:s23+$0xC5D0]  }
0x43d: {  	v10 =	vor.u32 s25, v0;
	v5 =	vld [tilespmem:s23+$0xC450];
	v4 =	vpack.i.f32.bf16 v8, v4  }
0x43e: {  	s25 =	sor.u32 $0x3420, s24;
	v8 =	vld [tilespmem:s23+$0xC4D0];
	[tilespmem:v2+s18+$0x0] =	vst.idx.msk $0xffff, v4  }
0x43f: {  	v2 =	vor.u32 s25, v0;
	v4 =	vld [tilespmem:s23+$0xC650];
	v1 =	vpack.i.f32.bf16 v1, v7  }
0x440: {  	s26 =	sor.u32 $0x3423, s24;
	s25 =	sor.u32 $0x3422, s24;
	v7 =	vld [tilespmem:s23+$0xC6D0];
	[tilespmem:v9+s18+$0x0] =	vst.idx.msk $0xffff, v1  }
0x441: {  	v9 =	vor.u32 s26, v0;
	v1 =	vpack.i.f32.bf16 v3, v6;
	v3 =	vor.u32 s25, v0;
	v6 =	vld [tilespmem:s23+$0xC7D0]  }
0x442: {  	[tilespmem:v10+s18+$0x0] =	vst.idx.msk $0xffff, v1;
	v1 =	vld [tilespmem:s23+$0xC750]  }
0x443: {  	v5 =	vpack.i.f32.bf16 v8, v5;
	v8 =	vld [tilespmem:s23+$0xC560]  }
0x444: {  	s25 =	sor.u32 $0x3821, s24;
	[tilespmem:v2+s18+$0x0] =	vst.idx.msk $0xffff, v5;
	v2 =	vld [tilespmem:s23+$0xC5E0]  }
0x445: {  	v10 =	vor.u32 s25, v0;
	v5 =	vld [tilespmem:s23+$0xC460];
	v4 =	vpack.i.f32.bf16 v7, v4  }
0x446: {  	s25 =	sor.u32 $0x3820, s24;
	v7 =	vld [tilespmem:s23+$0xC4E0];
	[tilespmem:v3+s18+$0x0] =	vst.idx.msk $0xffff, v4  }
0x447: {  	s26 =	sor.u32 $0x3823, s24;
	v3 =	vor.u32 s25, v0;
	s25 =	sor.u32 $0x3822, s24;
	v4 =	vld [tilespmem:s23+$0xC660];
	v1 =	vpack.i.f32.bf16 v6, v1  }
0x448: {  	v11 =	vor.u32 s25, v0;
	v6 =	vld [tilespmem:s23+$0xC6E0];
	[tilespmem:v9+s18+$0x0] =	vst.idx.msk $0xffff, v1;
	v9 =	vor.u32 s26, v0  }
0x449: {  	v1 =	vpack.i.f32.bf16 v2, v8;
	v8 =	vld [tilespmem:s23+$0xC760]  }
0x44a: {  	[tilespmem:v10+s18+$0x0] =	vst.idx.msk $0xffff, v1;
	v1 =	vld [tilespmem:s23+$0xC7E0]  }
0x44b: {  	v2 =	vpack.i.f32.bf16 v7, v5;
	v7 =	vld [tilespmem:s23+$0xC570]  }
0x44c: {  	s25 =	sor.u32 $0x3C21, s24;
	[tilespmem:v3+s18+$0x0] =	vst.idx.msk $0xffff, v2;
	v10 =	vld [tilespmem:s23+$0xC5F0]  }
0x44d: {  	v13 =	vor.u32 s25, v0;
	v12 =	vld [tilespmem:s23+$0xC470];
	v2 =	vpack.i.f32.bf16 v6, v4  }
0x44e: {  	s25 =	sor.u32 $0x3C20, s24;
	s26 =	sor.u32 $0x3C22, s24;
	s24 =	sor.u32 $0x3C23, s24;
	v14 =	vld [tilespmem:s23+$0xC4F0];
	[tilespmem:v11+s18+$0x0] =	vst.idx.msk $0xffff, v2  }
.Ltmp7:
0x44f: {  	v5 =	vor.u32 s25, v0;
	v2 =	vld [tilespmem:s23+$0xC670];
	v4 =	vpack.i.f32.bf16 v1, v8;
	v1 =	vor.u32 s24, v0;
	(pc) =	sbr.rel @p1 .LBB2_8-.Ltmp7, $4  }
0x450: {  	v3 =	vld [tilespmem:s23+$0xC6F0];
	[tilespmem:v9+s18+$0x0] =	vst.idx.msk $0xffff, v4  }
0x451: {  	v6 =	vor.u32 s26, v0;
	v7 =	vpack.i.f32.bf16 v10, v7;
	v4 =	vld [tilespmem:s23+$0xC770]  }
0x452: {  	[tilespmem:v13+s18+$0x0] =	vst.idx.msk $0xffff, v7;
	v7 =	vld [tilespmem:s23+$0xC7F0]  }
0x453: {  	v8 =	vpack.i.f32.bf16 v14, v12  }
0x454: {  	_ =	sdelay $0x2  }
.Ltmp8:
0x455: {  	_ = 	snop;
	(pc) =	sbr.rel .LBB2_10-.Ltmp8, $4  }
0x456: {  	[tilespmem:v5+s18+$0x0] =	vst.idx.msk $0xffff, v8;
	v2 =	vpack.i.f32.bf16 v3, v2  }
0x457: {  	s21 =	sshll.u32 s21, $0xB;
	[tilespmem:v6+s18+$0x0] =	vst.idx.msk $0xffff, v2;
	v2 =	vpack.i.f32.bf16 v7, v4  }
0x458: {  	s21 =	sadd.s32 s5, s21;
	[tilespmem:v1+s18+$0x0] =	vst.idx.msk $0xffff, v2  }
0x459: {  	[hbm4b:s21+s6] =	stream.linear.scatter [tilespmem:s18], [sflag:$0x4], $0x4000, $0x38;
	[tilespmem:$0x18000] =	vst v63  }
.LBB2_12:
0x45a: {  	_ =	sfence.sel $0x180000  }
0x45b: {  	[bflag:$0x0] =	sbarrier.arrive $0xFFFF  }
0x45c: {  	p0 =	sne.s32 s2, $0x0;
	_ =	strace $0x90000047  }
0x45d: {  	s0 =	sadd.s32 @!p0 $0x100000, s0;
	[bflag:$0x2] =	sbarrier.arrive $0xFFFF  }
0x45e: {  	[sflag:s0] =	ssyncadd.tile.s32 @!p0 $0x1;
	_ =	shalt  }
.Lfunc_end2:
_tile_overlayer_lowered:
.L_overlay_start_2:
0x45f: {  	(tag) =	ssettag $0x2  }
0x460: {  	s0 =	rddreg [dreg:$0x0];
	s2 =	stileid.u32  }
0x461: {  	s1 =	rddreg [dreg:$0x1];
	p0 =	sne.s32 s2, $0x0  }
0x462: {  	s3 =	rddreg [dreg:$0x2];
	[bflag:$0x3] =	sbarrier.arrive $0xFFFF;
	s2 =	simm.s32 @!p0 $0x1C05  }
0x463: {  	[timem:s3], [sflag:s2] =	dma.local @!p0 [hbm:s0], s1  }
0x464: {  	s0 =	simm.s32 @!p0 $0x5  }
0x465: {  	_ =	swait.ge @!p0 [sflag:s0], s1  }
0x466: {  	s1 =	ssub.s32 @!p0 $0x0, s1;
	[sflag:s0] =	ssyncset.done @!p0 $0x0  }
0x467: {  	[sflag:s0] =	ssyncadd.s32 @!p0 s1  }
0x468: {  	[bflag:$0x3] =	sbarrier.arrive $0xFFFF  }
0x469: {  	_ =	shalt  }

</sc_bundles>
